<compile_context>
chip_gen: v7x
topology: tpu7x:2x2x1
jax: 0.10.2.dev20260603
libtpu: 0.0.44.dev20260713+nightly
codegen_flags: <defaults>
</compile_context>

<pallas_src>
import functools

import jax
import jax.numpy as jnp
from jax import lax
from jax.experimental import pallas as pl
from jax.experimental.pallas import tpu as pltpu
from jax.experimental.pallas import tpu_sc as plsc

D = 64
NC = 2
NS = 16
NW = NC * NS
K = 2
CHUNK = K * 128
NBUF = 4


@functools.lru_cache(maxsize=None)
def _make_gather(n_rounds: int):
    mesh = plsc.VectorSubcoreMesh(core_axis_name="c", subcore_axis_name="s")
    n_chunks = n_rounds * NBUF
    b_total = NW * n_chunks * CHUNK
    assert n_rounds % 2 == 0 and n_rounds >= 4

    @functools.partial(
        pl.kernel,
        mesh=mesh,
        out_type=jax.ShapeDtypeStruct((b_total, 128), jnp.float32),
        scratch_types=[
            pltpu.VMEM((2, NBUF, K, 128), jnp.int32),
            pltpu.VMEM((NBUF, CHUNK, D), jnp.float32),
            [pltpu.SemaphoreType.DMA] * NBUF,
            [pltpu.SemaphoreType.DMA] * NBUF,
            [pltpu.SemaphoreType.DMA] * 2,
        ],
        compiler_params=pltpu.CompilerParams(use_tc_tiling_on_sc=False),
    )
    def gather(idx_hbm, table_hbm, out_hbm, idx_v, rows_v, gsems, ssems,
               isems):
        wid = lax.axis_index("s") * NC + lax.axis_index("c")

        def fire_idx(r, p):
            pltpu.async_copy(idx_hbm.at[wid, r], idx_v.at[p], isems[p])

        def wait_idx(r, p):
            pltpu.make_async_copy(idx_hbm.at[wid, r], idx_v.at[p],
                                  isems[p]).wait()

        def fire_chunk(b, p):
            for j in range(K):
                pltpu.async_copy(
                    table_hbm.at[idx_v.at[p, b, j]],
                    rows_v.at[b, pl.ds(j * 128, 128)],
                    gsems[b],
                )

        def drain_and_store(c, b, p):
            for j in range(K):
                pltpu.make_async_copy(
                    table_hbm.at[idx_v.at[p, b, j]],
                    rows_v.at[b, pl.ds(j * 128, 128)],
                    gsems[b],
                ).wait()
            base = (wid * n_chunks + c) * CHUNK
            pltpu.async_copy(rows_v.at[b],
                             out_hbm.at[pl.ds(base, CHUNK), pl.ds(0, D)],
                             ssems[b])

        def wait_store(c, b):
            base = (wid * n_chunks + c) * CHUNK
            pltpu.make_async_copy(rows_v.at[b],
                                  out_hbm.at[pl.ds(base, CHUNK), pl.ds(0, D)],
                                  ssems[b]).wait()

        def round_body(r, p, first):
            wait_idx(r, p)
            rn = jnp.minimum(r + 1, n_rounds - 1)
            fire_idx(rn, 1 - p)
            c0 = r * NBUF
            for b in range(NBUF):
                if not first:
                    wait_store(c0 - NBUF + b, b)
                fire_chunk(b, p)
            for b in range(NBUF):
                drain_and_store(c0 + b, b, p)

        fire_idx(0, 0)
        round_body(0, 0, True)
        round_body(1, 1, False)

        def body(i, carry):
            round_body(2 * i, 0, False)
            round_body(2 * i + 1, 1, False)
            return carry

        lax.fori_loop(1, n_rounds // 2, body, 0)

        wait_idx(n_rounds - 1, 0)
        for b in range(NBUF):
            wait_store(n_chunks - NBUF + b, b)

    return gather


def kernel(x, table):
    orig_shape = x.shape
    xf = x.reshape(-1).astype(jnp.int32)
    b = xf.shape[0]
    per_call = NW * CHUNK * NBUF * 2
    n_rounds = 2 * (-(-b // per_call))
    pad = n_rounds * NBUF * CHUNK * NW - b
    if pad:
        xf = jnp.concatenate([xf, jnp.zeros((pad,), jnp.int32)])
    idx = xf.reshape(NW, n_rounds, NBUF, K, 128)
    out = _make_gather(n_rounds)(idx, table)
    out = out[:, :D]
    if pad:
        out = out[:b]
    return out.reshape(*orig_shape, D)

# --- scband reference (transcript-rebuilt; emitter-appended) ---
"""Pipeline reference for scband-vocab-embedding-5781025980502 (READ-ONLY COPY).

The authoritative reference and input builder live on the scoring server;
editing this copy changes nothing except your own understanding.
"""

import jax, jax.numpy as jnp
import numpy as np

VOCAB = 1000000
EMBED_DIM = 64
BATCH = 16384
HIST = 200


def setup_inputs(seed: int = 0) -> dict:
    key = jax.random.key(seed)
    k_idx, k_tab = jax.random.split(key)
    x = jax.random.randint(k_idx, (BATCH, HIST), 0, VOCAB, dtype=jnp.int64 if jax.config.jax_enable_x64 else jnp.int32)
    table = jax.random.normal(k_tab, (VOCAB, EMBED_DIM), dtype=jnp.float32) * 0.02
    return {"x": x, "table": table}


def reference(x, table):
    # VocabEmbedding.forward: self.module(x) where module is nn.Embedding(vocab, embedding_dim)
    return jnp.take(table, x, axis=0)

if __name__ == "__main__":
    import jax
    _d = setup_inputs()
    print(jax.jit(kernel)(*tuple(_d.values())))

</pallas_src>

<mosaic_0001>
#map = affine_map<(d0, d1) -> (0, 0, 0, 0, 0)>
#map1 = affine_map<(d0, d1) -> (0, 0)>
module attributes {stable_mosaic.version = 14 : i64} {
  func.func @gather(%arg0: i32, %arg1: i32, %arg2: memref<32x100x4x2x128xi32, #tpu.memory_space<hbm>>, %arg3: memref<1000000x64xf32, #tpu.memory_space<hbm>>, %arg4: memref<3276800x128xf32, #tpu.memory_space<hbm>>, %arg5: memref<2x4x2x128xi32, #tpu.memory_space<vmem>>, %arg6: memref<4x256x64xf32, #tpu.memory_space<vmem>>, %arg7: memref<!tpu.dma_semaphore, #tpu.memory_space<semaphore_mem>>, %arg8: memref<!tpu.dma_semaphore, #tpu.memory_space<semaphore_mem>>, %arg9: memref<!tpu.dma_semaphore, #tpu.memory_space<semaphore_mem>>, %arg10: memref<!tpu.dma_semaphore, #tpu.memory_space<semaphore_mem>>, %arg11: memref<!tpu.dma_semaphore, #tpu.memory_space<semaphore_mem>>, %arg12: memref<!tpu.dma_semaphore, #tpu.memory_space<semaphore_mem>>, %arg13: memref<!tpu.dma_semaphore, #tpu.memory_space<semaphore_mem>>, %arg14: memref<!tpu.dma_semaphore, #tpu.memory_space<semaphore_mem>>, %arg15: memref<!tpu.dma_semaphore, #tpu.memory_space<semaphore_mem>>, %arg16: memref<!tpu.dma_semaphore, #tpu.memory_space<semaphore_mem>>) attributes {dimension_semantics = [#tpu.dimension_semantics<core_parallel>, #tpu.dimension_semantics<subcore_parallel>], iteration_bounds = array<i64: 2, 16>, scalar_prefetch = 0 : i64, scratch_operands = 12 : i64, tpu.core_type = #tpu.core_type<sc_vector_subcore>, window_params = [{transform_indices = #map}, {transform_indices = #map1}, {transform_indices = #map1}]} {
    %mul3A = arith.constant 2 : i32
    %mul3A_0 = arith.muli %arg1, %mul3A : i32
    %add3A = arith.addi %mul3A_0, %arg0 : i32
    %dma_start3A = arith.constant 0 : i32
    %dma_start3A_1 = arith.constant 0 : i32
    %dma_start3A_2 = arith.constant 0 : i32
    %dma_start3A_3 = arith.constant 0 : i32
    %dma_start3A_4 = arith.constant 0 : i32
    %dma_start3A_5 = tpu.memref_slice %arg5[%dma_start3A_1, %dma_start3A_2, %dma_start3A_3, %dma_start3A_4] : memref<2x4x2x128xi32, #tpu.memory_space<vmem>> -> memref<1x4x2x128xi32, #tpu.memory_space<vmem>>
    %dma_start3A_6 = tpu.memref_squeeze %dma_start3A_5 : memref<1x4x2x128xi32, #tpu.memory_space<vmem>> -> memref<4x2x128xi32, #tpu.memory_space<vmem>>
    %dma_start3A_7 = arith.constant 0 : i32
    %dma_start3A_8 = arith.constant 0 : i32
    %dma_start3A_9 = arith.constant 0 : i32
    %dma_start3A_10 = tpu.memref_slice %arg2[%add3A, %dma_start3A, %dma_start3A_7, %dma_start3A_8, %dma_start3A_9] : memref<32x100x4x2x128xi32, #tpu.memory_space<hbm>> -> memref<1x1x4x2x128xi32, #tpu.memory_space<hbm>>
    %dma_start3A_11 = tpu.memref_squeeze %dma_start3A_10 : memref<1x1x4x2x128xi32, #tpu.memory_space<hbm>> -> memref<4x2x128xi32, #tpu.memory_space<hbm>>
    %dma_start3A_12 = arith.constant 0 : i32
    %dma_start3A_13 = arith.constant 0 : i32
    %dma_start3A_14 = arith.constant 0 : i32
    %dma_start3A_15 = tpu.memref_slice %arg5[%dma_start3A_1, %dma_start3A_12, %dma_start3A_13, %dma_start3A_14] : memref<2x4x2x128xi32, #tpu.memory_space<vmem>> -> memref<1x4x2x128xi32, #tpu.memory_space<vmem>>
    %dma_start3A_16 = tpu.memref_squeeze %dma_start3A_15 : memref<1x4x2x128xi32, #tpu.memory_space<vmem>> -> memref<4x2x128xi32, #tpu.memory_space<vmem>>
    %dma_start3A_17 = arith.constant 0 : i32
    %dma_start3A_18 = arith.constant 0 : i32
    %dma_start3A_19 = arith.constant 0 : i32
    %dma_start3A_20 = tpu.memref_slice %arg2[%add3A, %dma_start3A, %dma_start3A_17, %dma_start3A_18, %dma_start3A_19] : memref<32x100x4x2x128xi32, #tpu.memory_space<hbm>> -> memref<1x1x4x2x128xi32, #tpu.memory_space<hbm>>
    %dma_start3A_21 = tpu.memref_squeeze %dma_start3A_20 : memref<1x1x4x2x128xi32, #tpu.memory_space<hbm>> -> memref<4x2x128xi32, #tpu.memory_space<hbm>>
    tpu.enqueue_dma source(%dma_start3A_21 : memref<4x2x128xi32, #tpu.memory_space<hbm>>) target(%dma_start3A_16 : memref<4x2x128xi32, #tpu.memory_space<vmem>>) target_semaphore(%arg15 : memref<!tpu.dma_semaphore, #tpu.memory_space<semaphore_mem>>)
    %dma_wait3A = arith.constant 0 : i32
    %dma_wait3A_22 = arith.constant 0 : i32
    %dma_wait3A_23 = arith.constant 0 : i32
    %dma_wait3A_24 = arith.constant 0 : i32
    %dma_wait3A_25 = arith.constant 0 : i32
    %dma_wait3A_26 = tpu.memref_slice %arg5[%dma_wait3A_22, %dma_wait3A_23, %dma_wait3A_24, %dma_wait3A_25] : memref<2x4x2x128xi32, #tpu.memory_space<vmem>> -> memref<1x4x2x128xi32, #tpu.memory_space<vmem>>
    %dma_wait3A_27 = tpu.memref_squeeze %dma_wait3A_26 : memref<1x4x2x128xi32, #tpu.memory_space<vmem>> -> memref<4x2x128xi32, #tpu.memory_space<vmem>>
    %dma_wait3A_28 = arith.constant 0 : i32
    %dma_wait3A_29 = arith.constant 0 : i32
    %dma_wait3A_30 = arith.constant 0 : i32
    %dma_wait3A_31 = tpu.memref_slice %arg2[%add3A, %dma_wait3A, %dma_wait3A_28, %dma_wait3A_29, %dma_wait3A_30] : memref<32x100x4x2x128xi32, #tpu.memory_space<hbm>> -> memref<1x1x4x2x128xi32, #tpu.memory_space<hbm>>
    %dma_wait3A_32 = tpu.memref_squeeze %dma_wait3A_31 : memref<1x1x4x2x128xi32, #tpu.memory_space<hbm>> -> memref<4x2x128xi32, #tpu.memory_space<hbm>>
    %dma_wait3A_33 = arith.constant 0 : i32
    %dma_wait3A_34 = arith.constant 0 : i32
    %dma_wait3A_35 = arith.constant 0 : i32
    %dma_wait3A_36 = tpu.memref_slice %arg5[%dma_wait3A_22, %dma_wait3A_33, %dma_wait3A_34, %dma_wait3A_35] : memref<2x4x2x128xi32, #tpu.memory_space<vmem>> -> memref<1x4x2x128xi32, #tpu.memory_space<vmem>>
    %dma_wait3A_37 = tpu.memref_squeeze %dma_wait3A_36 : memref<1x4x2x128xi32, #tpu.memory_space<vmem>> -> memref<4x2x128xi32, #tpu.memory_space<vmem>>
    %dma_wait3A_38 = arith.constant 0 : i32
    %dma_wait3A_39 = arith.constant 0 : i32
    %dma_wait3A_40 = arith.constant 0 : i32
    %dma_wait3A_41 = tpu.memref_slice %arg2[%add3A, %dma_wait3A, %dma_wait3A_38, %dma_wait3A_39, %dma_wait3A_40] : memref<32x100x4x2x128xi32, #tpu.memory_space<hbm>> -> memref<1x1x4x2x128xi32, #tpu.memory_space<hbm>>
    %dma_wait3A_42 = tpu.memref_squeeze %dma_wait3A_41 : memref<1x1x4x2x128xi32, #tpu.memory_space<hbm>> -> memref<4x2x128xi32, #tpu.memory_space<hbm>>
    tpu.wait_dma2 semaphore(%arg15 : memref<!tpu.dma_semaphore, #tpu.memory_space<semaphore_mem>>) src(%dma_wait3A_42 : memref<4x2x128xi32, #tpu.memory_space<hbm>>) dst(%dma_wait3A_37 : memref<4x2x128xi32, #tpu.memory_space<vmem>>)
    %min3A = arith.constant 1 : i32
    %min3A_43 = arith.constant 99 : i32
    %min3A_44 = arith.minsi %min3A, %min3A_43 : i32
    %dma_start3A_45 = arith.constant 1 : i32
    %dma_start3A_46 = arith.constant 0 : i32
    %dma_start3A_47 = arith.constant 0 : i32
    %dma_start3A_48 = arith.constant 0 : i32
    %dma_start3A_49 = tpu.memref_slice %arg5[%dma_start3A_45, %dma_start3A_46, %dma_start3A_47, %dma_start3A_48] : memref<2x4x2x128xi32, #tpu.memory_space<vmem>> -> memref<1x4x2x128xi32, #tpu.memory_space<vmem>>
    %dma_start3A_50 = tpu.memref_squeeze %dma_start3A_49 : memref<1x4x2x128xi32, #tpu.memory_space<vmem>> -> memref<4x2x128xi32, #tpu.memory_space<vmem>>
    %dma_start3A_51 = arith.constant 0 : i32
    %dma_start3A_52 = arith.constant 0 : i32
    %dma_start3A_53 = arith.constant 0 : i32
    %dma_start3A_54 = tpu.memref_slice %arg2[%add3A, %min3A_44, %dma_start3A_51, %dma_start3A_52, %dma_start3A_53] : memref<32x100x4x2x128xi32, #tpu.memory_space<hbm>> -> memref<1x1x4x2x128xi32, #tpu.memory_space<hbm>>
    %dma_start3A_55 = tpu.memref_squeeze %dma_start3A_54 : memref<1x1x4x2x128xi32, #tpu.memory_space<hbm>> -> memref<4x2x128xi32, #tpu.memory_space<hbm>>
    %dma_start3A_56 = arith.constant 0 : i32
    %dma_start3A_57 = arith.constant 0 : i32
    %dma_start3A_58 = arith.constant 0 : i32
    %dma_start3A_59 = tpu.memref_slice %arg5[%dma_start3A_45, %dma_start3A_56, %dma_start3A_57, %dma_start3A_58] : memref<2x4x2x128xi32, #tpu.memory_space<vmem>> -> memref<1x4x2x128xi32, #tpu.memory_space<vmem>>
    %dma_start3A_60 = tpu.memref_squeeze %dma_start3A_59 : memref<1x4x2x128xi32, #tpu.memory_space<vmem>> -> memref<4x2x128xi32, #tpu.memory_space<vmem>>
    %dma_start3A_61 = arith.constant 0 : i32
    %dma_start3A_62 = arith.constant 0 : i32
    %dma_start3A_63 = arith.constant 0 : i32
    %dma_start3A_64 = tpu.memref_slice %arg2[%add3A, %min3A_44, %dma_start3A_61, %dma_start3A_62, %dma_start3A_63] : memref<32x100x4x2x128xi32, #tpu.memory_space<hbm>> -> memref<1x1x4x2x128xi32, #tpu.memory_space<hbm>>
    %dma_start3A_65 = tpu.memref_squeeze %dma_start3A_64 : memref<1x1x4x2x128xi32, #tpu.memory_space<hbm>> -> memref<4x2x128xi32, #tpu.memory_space<hbm>>
    tpu.enqueue_dma source(%dma_start3A_65 : memref<4x2x128xi32, #tpu.memory_space<hbm>>) target(%dma_start3A_60 : memref<4x2x128xi32, #tpu.memory_space<vmem>>) target_semaphore(%arg16 : memref<!tpu.dma_semaphore, #tpu.memory_space<semaphore_mem>>)
    %dma_start3A_66 = arith.constant 0 : i32
    %dma_start3A_67 = arith.constant 0 : i32
    %dma_start3A_68 = arith.constant 0 : i32
    %dma_start3A_69 = arith.constant 0 : i32
    %dma_start3A_70 = arith.constant 0 : i32
    %dma_start3A_71 = arith.constant 0 : i32
    %dma_start3A_72 = tpu.memref_slice %arg6[%dma_start3A_69, %dma_start3A_70, %dma_start3A_71] : memref<4x256x64xf32, #tpu.memory_space<vmem>> -> memref<1x128x64xf32, #tpu.memory_space<vmem>>
    %dma_start3A_73 = tpu.memref_squeeze %dma_start3A_72 : memref<1x128x64xf32, #tpu.memory_space<vmem>> -> memref<128x64xf32, #tpu.memory_space<vmem>>
    %dma_start3A_74 = arith.constant 0 : i32
    %dma_start3A_75 = tpu.memref_slice %arg5[%dma_start3A_66, %dma_start3A_67, %dma_start3A_68, %dma_start3A_74] : memref<2x4x2x128xi32, #tpu.memory_space<vmem>> -> memref<1x1x1x128xi32, #tpu.memory_space<vmem>>
    %dma_start3A_76 = tpu.memref_squeeze %dma_start3A_75 : memref<1x1x1x128xi32, #tpu.memory_space<vmem>> -> memref<128xi32, #tpu.memory_space<vmem>>
    %dma_start3A_77 = arith.constant 0 : i32
    %dma_start3A_78 = arith.constant 0 : i32
    %dma_start3A_79 = tpu.memref_slice %arg3[%dma_start3A_77, %dma_start3A_78] : memref<1000000x64xf32, #tpu.memory_space<hbm>> -> memref<1000000x64xf32, #tpu.memory_space<hbm>>
    tpu.enqueue_indirect_dma source(%dma_start3A_79 : memref<1000000x64xf32, #tpu.memory_space<hbm>>) target(%dma_start3A_73 : memref<128x64xf32, #tpu.memory_space<vmem>>) offsets(%dma_start3A_76 : memref<128xi32, #tpu.memory_space<vmem>>) semaphore(%arg7 : memref<!tpu.dma_semaphore, #tpu.memory_space<semaphore_mem>>)
    %dma_start3A_80 = arith.constant 0 : i32
    %dma_start3A_81 = arith.constant 0 : i32
    %dma_start3A_82 = arith.constant 1 : i32
    %dma_start3A_83 = arith.constant 0 : i32
    %dma_start3A_84 = arith.constant 128 : i32
    %dma_start3A_85 = arith.constant 0 : i32
    %dma_start3A_86 = tpu.memref_slice %arg6[%dma_start3A_83, %dma_start3A_84, %dma_start3A_85] : memref<4x256x64xf32, #tpu.memory_space<vmem>> -> memref<1x128x64xf32, #tpu.memory_space<vmem>>
    %dma_start3A_87 = tpu.memref_squeeze %dma_start3A_86 : memref<1x128x64xf32, #tpu.memory_space<vmem>> -> memref<128x64xf32, #tpu.memory_space<vmem>>
    %dma_start3A_88 = arith.constant 0 : i32
    %dma_start3A_89 = tpu.memref_slice %arg5[%dma_start3A_80, %dma_start3A_81, %dma_start3A_82, %dma_start3A_88] : memref<2x4x2x128xi32, #tpu.memory_space<vmem>> -> memref<1x1x1x128xi32, #tpu.memory_space<vmem>>
    %dma_start3A_90 = tpu.memref_squeeze %dma_start3A_89 : memref<1x1x1x128xi32, #tpu.memory_space<vmem>> -> memref<128xi32, #tpu.memory_space<vmem>>
    %dma_start3A_91 = arith.constant 0 : i32
    %dma_start3A_92 = arith.constant 0 : i32
    %dma_start3A_93 = tpu.memref_slice %arg3[%dma_start3A_91, %dma_start3A_92] : memref<1000000x64xf32, #tpu.memory_space<hbm>> -> memref<1000000x64xf32, #tpu.memory_space<hbm>>
    tpu.enqueue_indirect_dma source(%dma_start3A_93 : memref<1000000x64xf32, #tpu.memory_space<hbm>>) target(%dma_start3A_87 : memref<128x64xf32, #tpu.memory_space<vmem>>) offsets(%dma_start3A_90 : memref<128xi32, #tpu.memory_space<vmem>>) semaphore(%arg7 : memref<!tpu.dma_semaphore, #tpu.memory_space<semaphore_mem>>)
    %dma_start3A_94 = arith.constant 0 : i32
    %dma_start3A_95 = arith.constant 1 : i32
    %dma_start3A_96 = arith.constant 0 : i32
    %dma_start3A_97 = arith.constant 1 : i32
    %dma_start3A_98 = arith.constant 0 : i32
    %dma_start3A_99 = arith.constant 0 : i32
    %dma_start3A_100 = tpu.memref_slice %arg6[%dma_start3A_97, %dma_start3A_98, %dma_start3A_99] : memref<4x256x64xf32, #tpu.memory_space<vmem>> -> memref<1x128x64xf32, #tpu.memory_space<vmem>>
    %dma_start3A_101 = tpu.memref_squeeze %dma_start3A_100 : memref<1x128x64xf32, #tpu.memory_space<vmem>> -> memref<128x64xf32, #tpu.memory_space<vmem>>
    %dma_start3A_102 = arith.constant 0 : i32
    %dma_start3A_103 = tpu.memref_slice %arg5[%dma_start3A_94, %dma_start3A_95, %dma_start3A_96, %dma_start3A_102] : memref<2x4x2x128xi32, #tpu.memory_space<vmem>> -> memref<1x1x1x128xi32, #tpu.memory_space<vmem>>
    %dma_start3A_104 = tpu.memref_squeeze %dma_start3A_103 : memref<1x1x1x128xi32, #tpu.memory_space<vmem>> -> memref<128xi32, #tpu.memory_space<vmem>>
    %dma_start3A_105 = arith.constant 0 : i32
    %dma_start3A_106 = arith.constant 0 : i32
    %dma_start3A_107 = tpu.memref_slice %arg3[%dma_start3A_105, %dma_start3A_106] : memref<1000000x64xf32, #tpu.memory_space<hbm>> -> memref<1000000x64xf32, #tpu.memory_space<hbm>>
    tpu.enqueue_indirect_dma source(%dma_start3A_107 : memref<1000000x64xf32, #tpu.memory_space<hbm>>) target(%dma_start3A_101 : memref<128x64xf32, #tpu.memory_space<vmem>>) offsets(%dma_start3A_104 : memref<128xi32, #tpu.memory_space<vmem>>) semaphore(%arg8 : memref<!tpu.dma_semaphore, #tpu.memory_space<semaphore_mem>>)
    %dma_start3A_108 = arith.constant 0 : i32
    %dma_start3A_109 = arith.constant 1 : i32
    %dma_start3A_110 = arith.constant 1 : i32
    %dma_start3A_111 = arith.constant 1 : i32
    %dma_start3A_112 = arith.constant 128 : i32
    %dma_start3A_113 = arith.constant 0 : i32
    %dma_start3A_114 = tpu.memref_slice %arg6[%dma_start3A_111, %dma_start3A_112, %dma_start3A_113] : memref<4x256x64xf32, #tpu.memory_space<vmem>> -> memref<1x128x64xf32, #tpu.memory_space<vmem>>
    %dma_start3A_115 = tpu.memref_squeeze %dma_start3A_114 : memref<1x128x64xf32, #tpu.memory_space<vmem>> -> memref<128x64xf32, #tpu.memory_space<vmem>>
    %dma_start3A_116 = arith.constant 0 : i32
    %dma_start3A_117 = tpu.memref_slice %arg5[%dma_start3A_108, %dma_start3A_109, %dma_start3A_110, %dma_start3A_116] : memref<2x4x2x128xi32, #tpu.memory_space<vmem>> -> memref<1x1x1x128xi32, #tpu.memory_space<vmem>>
    %dma_start3A_118 = tpu.memref_squeeze %dma_start3A_117 : memref<1x1x1x128xi32, #tpu.memory_space<vmem>> -> memref<128xi32, #tpu.memory_space<vmem>>
    %dma_start3A_119 = arith.constant 0 : i32
    %dma_start3A_120 = arith.constant 0 : i32
    %dma_start3A_121 = tpu.memref_slice %arg3[%dma_start3A_119, %dma_start3A_120] : memref<1000000x64xf32, #tpu.memory_space<hbm>> -> memref<1000000x64xf32, #tpu.memory_space<hbm>>
    tpu.enqueue_indirect_dma source(%dma_start3A_121 : memref<1000000x64xf32, #tpu.memory_space<hbm>>) target(%dma_start3A_115 : memref<128x64xf32, #tpu.memory_space<vmem>>) offsets(%dma_start3A_118 : memref<128xi32, #tpu.memory_space<vmem>>) semaphore(%arg8 : memref<!tpu.dma_semaphore, #tpu.memory_space<semaphore_mem>>)
    %dma_start3A_122 = arith.constant 0 : i32
    %dma_start3A_123 = arith.constant 2 : i32
    %dma_start3A_124 = arith.constant 0 : i32
    %dma_start3A_125 = arith.constant 2 : i32
    %dma_start3A_126 = arith.constant 0 : i32
    %dma_start3A_127 = arith.constant 0 : i32
    %dma_start3A_128 = tpu.memref_slice %arg6[%dma_start3A_125, %dma_start3A_126, %dma_start3A_127] : memref<4x256x64xf32, #tpu.memory_space<vmem>> -> memref<1x128x64xf32, #tpu.memory_space<vmem>>
    %dma_start3A_129 = tpu.memref_squeeze %dma_start3A_128 : memref<1x128x64xf32, #tpu.memory_space<vmem>> -> memref<128x64xf32, #tpu.memory_space<vmem>>
    %dma_start3A_130 = arith.constant 0 : i32
    %dma_start3A_131 = tpu.memref_slice %arg5[%dma_start3A_122, %dma_start3A_123, %dma_start3A_124, %dma_start3A_130] : memref<2x4x2x128xi32, #tpu.memory_space<vmem>> -> memref<1x1x1x128xi32, #tpu.memory_space<vmem>>
    %dma_start3A_132 = tpu.memref_squeeze %dma_start3A_131 : memref<1x1x1x128xi32, #tpu.memory_space<vmem>> -> memref<128xi32, #tpu.memory_space<vmem>>
    %dma_start3A_133 = arith.constant 0 : i32
    %dma_start3A_134 = arith.constant 0 : i32
    %dma_start3A_135 = tpu.memref_slice %arg3[%dma_start3A_133, %dma_start3A_134] : memref<1000000x64xf32, #tpu.memory_space<hbm>> -> memref<1000000x64xf32, #tpu.memory_space<hbm>>
    tpu.enqueue_indirect_dma source(%dma_start3A_135 : memref<1000000x64xf32, #tpu.memory_space<hbm>>) target(%dma_start3A_129 : memref<128x64xf32, #tpu.memory_space<vmem>>) offsets(%dma_start3A_132 : memref<128xi32, #tpu.memory_space<vmem>>) semaphore(%arg9 : memref<!tpu.dma_semaphore, #tpu.memory_space<semaphore_mem>>)
    %dma_start3A_136 = arith.constant 0 : i32
    %dma_start3A_137 = arith.constant 2 : i32
    %dma_start3A_138 = arith.constant 1 : i32
    %dma_start3A_139 = arith.constant 2 : i32
    %dma_start3A_140 = arith.constant 128 : i32
    %dma_start3A_141 = arith.constant 0 : i32
    %dma_start3A_142 = tpu.memref_slice %arg6[%dma_start3A_139, %dma_start3A_140, %dma_start3A_141] : memref<4x256x64xf32, #tpu.memory_space<vmem>> -> memref<1x128x64xf32, #tpu.memory_space<vmem>>
    %dma_start3A_143 = tpu.memref_squeeze %dma_start3A_142 : memref<1x128x64xf32, #tpu.memory_space<vmem>> -> memref<128x64xf32, #tpu.memory_space<vmem>>
    %dma_start3A_144 = arith.constant 0 : i32
    %dma_start3A_145 = tpu.memref_slice %arg5[%dma_start3A_136, %dma_start3A_137, %dma_start3A_138, %dma_start3A_144] : memref<2x4x2x128xi32, #tpu.memory_space<vmem>> -> memref<1x1x1x128xi32, #tpu.memory_space<vmem>>
    %dma_start3A_146 = tpu.memref_squeeze %dma_start3A_145 : memref<1x1x1x128xi32, #tpu.memory_space<vmem>> -> memref<128xi32, #tpu.memory_space<vmem>>
    %dma_start3A_147 = arith.constant 0 : i32
    %dma_start3A_148 = arith.constant 0 : i32
    %dma_start3A_149 = tpu.memref_slice %arg3[%dma_start3A_147, %dma_start3A_148] : memref<1000000x64xf32, #tpu.memory_space<hbm>> -> memref<1000000x64xf32, #tpu.memory_space<hbm>>
    tpu.enqueue_indirect_dma source(%dma_start3A_149 : memref<1000000x64xf32, #tpu.memory_space<hbm>>) target(%dma_start3A_143 : memref<128x64xf32, #tpu.memory_space<vmem>>) offsets(%dma_start3A_146 : memref<128xi32, #tpu.memory_space<vmem>>) semaphore(%arg9 : memref<!tpu.dma_semaphore, #tpu.memory_space<semaphore_mem>>)
    %dma_start3A_150 = arith.constant 0 : i32
    %dma_start3A_151 = arith.constant 3 : i32
    %dma_start3A_152 = arith.constant 0 : i32
    %dma_start3A_153 = arith.constant 3 : i32
    %dma_start3A_154 = arith.constant 0 : i32
    %dma_start3A_155 = arith.constant 0 : i32
    %dma_start3A_156 = tpu.memref_slice %arg6[%dma_start3A_153, %dma_start3A_154, %dma_start3A_155] : memref<4x256x64xf32, #tpu.memory_space<vmem>> -> memref<1x128x64xf32, #tpu.memory_space<vmem>>
    %dma_start3A_157 = tpu.memref_squeeze %dma_start3A_156 : memref<1x128x64xf32, #tpu.memory_space<vmem>> -> memref<128x64xf32, #tpu.memory_space<vmem>>
    %dma_start3A_158 = arith.constant 0 : i32
    %dma_start3A_159 = tpu.memref_slice %arg5[%dma_start3A_150, %dma_start3A_151, %dma_start3A_152, %dma_start3A_158] : memref<2x4x2x128xi32, #tpu.memory_space<vmem>> -> memref<1x1x1x128xi32, #tpu.memory_space<vmem>>
    %dma_start3A_160 = tpu.memref_squeeze %dma_start3A_159 : memref<1x1x1x128xi32, #tpu.memory_space<vmem>> -> memref<128xi32, #tpu.memory_space<vmem>>
    %dma_start3A_161 = arith.constant 0 : i32
    %dma_start3A_162 = arith.constant 0 : i32
    %dma_start3A_163 = tpu.memref_slice %arg3[%dma_start3A_161, %dma_start3A_162] : memref<1000000x64xf32, #tpu.memory_space<hbm>> -> memref<1000000x64xf32, #tpu.memory_space<hbm>>
    tpu.enqueue_indirect_dma source(%dma_start3A_163 : memref<1000000x64xf32, #tpu.memory_space<hbm>>) target(%dma_start3A_157 : memref<128x64xf32, #tpu.memory_space<vmem>>) offsets(%dma_start3A_160 : memref<128xi32, #tpu.memory_space<vmem>>) semaphore(%arg10 : memref<!tpu.dma_semaphore, #tpu.memory_space<semaphore_mem>>)
    %dma_start3A_164 = arith.constant 0 : i32
    %dma_start3A_165 = arith.constant 3 : i32
    %dma_start3A_166 = arith.constant 1 : i32
    %dma_start3A_167 = arith.constant 3 : i32
    %dma_start3A_168 = arith.constant 128 : i32
    %dma_start3A_169 = arith.constant 0 : i32
    %dma_start3A_170 = tpu.memref_slice %arg6[%dma_start3A_167, %dma_start3A_168, %dma_start3A_169] : memref<4x256x64xf32, #tpu.memory_space<vmem>> -> memref<1x128x64xf32, #tpu.memory_space<vmem>>
    %dma_start3A_171 = tpu.memref_squeeze %dma_start3A_170 : memref<1x128x64xf32, #tpu.memory_space<vmem>> -> memref<128x64xf32, #tpu.memory_space<vmem>>
    %dma_start3A_172 = arith.constant 0 : i32
    %dma_start3A_173 = tpu.memref_slice %arg5[%dma_start3A_164, %dma_start3A_165, %dma_start3A_166, %dma_start3A_172] : memref<2x4x2x128xi32, #tpu.memory_space<vmem>> -> memref<1x1x1x128xi32, #tpu.memory_space<vmem>>
    %dma_start3A_174 = tpu.memref_squeeze %dma_start3A_173 : memref<1x1x1x128xi32, #tpu.memory_space<vmem>> -> memref<128xi32, #tpu.memory_space<vmem>>
    %dma_start3A_175 = arith.constant 0 : i32
    %dma_start3A_176 = arith.constant 0 : i32
    %dma_start3A_177 = tpu.memref_slice %arg3[%dma_start3A_175, %dma_start3A_176] : memref<1000000x64xf32, #tpu.memory_space<hbm>> -> memref<1000000x64xf32, #tpu.memory_space<hbm>>
    tpu.enqueue_indirect_dma source(%dma_start3A_177 : memref<1000000x64xf32, #tpu.memory_space<hbm>>) target(%dma_start3A_171 : memref<128x64xf32, #tpu.memory_space<vmem>>) offsets(%dma_start3A_174 : memref<128xi32, #tpu.memory_space<vmem>>) semaphore(%arg10 : memref<!tpu.dma_semaphore, #tpu.memory_space<semaphore_mem>>)
    %dma_wait3A_178 = arith.constant 0 : i32
    %dma_wait3A_179 = arith.constant 0 : i32
    %dma_wait3A_180 = arith.constant 0 : i32
    %dma_wait3A_181 = arith.constant 0 : i32
    %dma_wait3A_182 = arith.constant 0 : i32
    %dma_wait3A_183 = arith.constant 0 : i32
    %dma_wait3A_184 = tpu.memref_slice %arg6[%dma_wait3A_181, %dma_wait3A_182, %dma_wait3A_183] : memref<4x256x64xf32, #tpu.memory_space<vmem>> -> memref<1x128x64xf32, #tpu.memory_space<vmem>>
    %dma_wait3A_185 = tpu.memref_squeeze %dma_wait3A_184 : memref<1x128x64xf32, #tpu.memory_space<vmem>> -> memref<128x64xf32, #tpu.memory_space<vmem>>
    %dma_wait3A_186 = arith.constant 0 : i32
    %dma_wait3A_187 = tpu.memref_slice %arg5[%dma_wait3A_178, %dma_wait3A_179, %dma_wait3A_180, %dma_wait3A_186] : memref<2x4x2x128xi32, #tpu.memory_space<vmem>> -> memref<1x1x1x128xi32, #tpu.memory_space<vmem>>
    %dma_wait3A_188 = tpu.memref_squeeze %dma_wait3A_187 : memref<1x1x1x128xi32, #tpu.memory_space<vmem>> -> memref<128xi32, #tpu.memory_space<vmem>>
    %dma_wait3A_189 = arith.constant 0 : i32
    %dma_wait3A_190 = arith.constant 0 : i32
    %dma_wait3A_191 = tpu.memref_slice %arg3[%dma_wait3A_189, %dma_wait3A_190] : memref<1000000x64xf32, #tpu.memory_space<hbm>> -> memref<1000000x64xf32, #tpu.memory_space<hbm>>
    tpu.wait_indirect_dma semaphore(%arg7 : memref<!tpu.dma_semaphore, #tpu.memory_space<semaphore_mem>>) src(%dma_wait3A_191 : memref<1000000x64xf32, #tpu.memory_space<hbm>>) dst(%dma_wait3A_185 : memref<128x64xf32, #tpu.memory_space<vmem>>)
    %dma_wait3A_192 = arith.constant 0 : i32
    %dma_wait3A_193 = arith.constant 0 : i32
    %dma_wait3A_194 = arith.constant 1 : i32
    %dma_wait3A_195 = arith.constant 0 : i32
    %dma_wait3A_196 = arith.constant 128 : i32
    %dma_wait3A_197 = arith.constant 0 : i32
    %dma_wait3A_198 = tpu.memref_slice %arg6[%dma_wait3A_195, %dma_wait3A_196, %dma_wait3A_197] : memref<4x256x64xf32, #tpu.memory_space<vmem>> -> memref<1x128x64xf32, #tpu.memory_space<vmem>>
    %dma_wait3A_199 = tpu.memref_squeeze %dma_wait3A_198 : memref<1x128x64xf32, #tpu.memory_space<vmem>> -> memref<128x64xf32, #tpu.memory_space<vmem>>
    %dma_wait3A_200 = arith.constant 0 : i32
    %dma_wait3A_201 = tpu.memref_slice %arg5[%dma_wait3A_192, %dma_wait3A_193, %dma_wait3A_194, %dma_wait3A_200] : memref<2x4x2x128xi32, #tpu.memory_space<vmem>> -> memref<1x1x1x128xi32, #tpu.memory_space<vmem>>
    %dma_wait3A_202 = tpu.memref_squeeze %dma_wait3A_201 : memref<1x1x1x128xi32, #tpu.memory_space<vmem>> -> memref<128xi32, #tpu.memory_space<vmem>>
    %dma_wait3A_203 = arith.constant 0 : i32
    %dma_wait3A_204 = arith.constant 0 : i32
    %dma_wait3A_205 = tpu.memref_slice %arg3[%dma_wait3A_203, %dma_wait3A_204] : memref<1000000x64xf32, #tpu.memory_space<hbm>> -> memref<1000000x64xf32, #tpu.memory_space<hbm>>
    tpu.wait_indirect_dma semaphore(%arg7 : memref<!tpu.dma_semaphore, #tpu.memory_space<semaphore_mem>>) src(%dma_wait3A_205 : memref<1000000x64xf32, #tpu.memory_space<hbm>>) dst(%dma_wait3A_199 : memref<128x64xf32, #tpu.memory_space<vmem>>)
    %mul3A_206 = arith.constant 400 : i32
    %mul3A_207 = arith.muli %add3A, %mul3A_206 : i32
    %add3A_208 = arith.constant 0 : i32
    %add3A_209 = arith.addi %mul3A_207, %add3A_208 : i32
    %mul3A_210 = arith.constant 256 : i32
    %mul3A_211 = arith.muli %add3A_209, %mul3A_210 : i32
    %dma_start3A_212 = arith.constant 0 : i32
    %dma_start3A_213 = arith.constant 0 : i32
    %dma_start3A_214 = arith.constant 0 : i32
    %dma_start3A_215 = tpu.memref_slice %arg6[%dma_start3A_212, %dma_start3A_213, %dma_start3A_214] : memref<4x256x64xf32, #tpu.memory_space<vmem>> -> memref<1x256x64xf32, #tpu.memory_space<vmem>>
    %dma_start3A_216 = tpu.memref_squeeze %dma_start3A_215 : memref<1x256x64xf32, #tpu.memory_space<vmem>> -> memref<256x64xf32, #tpu.memory_space<vmem>>
    %dma_start3A_217 = arith.constant 0 : i32
    %dma_start3A_218 = tpu.memref_slice %arg4[%mul3A_211, %dma_start3A_217] : memref<3276800x128xf32, #tpu.memory_space<hbm>> -> memref<256x64xf32, #tpu.memory_space<hbm>>
    %dma_start3A_219 = arith.constant 0 : i32
    %dma_start3A_220 = tpu.memref_slice %arg4[%mul3A_211, %dma_start3A_219] : memref<3276800x128xf32, #tpu.memory_space<hbm>> -> memref<256x64xf32, #tpu.memory_space<hbm>>
    %dma_start3A_221 = arith.constant 0 : i32
    %dma_start3A_222 = arith.constant 0 : i32
    %dma_start3A_223 = tpu.memref_slice %arg6[%dma_start3A_212, %dma_start3A_221, %dma_start3A_222] : memref<4x256x64xf32, #tpu.memory_space<vmem>> -> memref<1x256x64xf32, #tpu.memory_space<vmem>>
    %dma_start3A_224 = tpu.memref_squeeze %dma_start3A_223 : memref<1x256x64xf32, #tpu.memory_space<vmem>> -> memref<256x64xf32, #tpu.memory_space<vmem>>
    tpu.enqueue_dma source(%dma_start3A_224 : memref<256x64xf32, #tpu.memory_space<vmem>>) target(%dma_start3A_220 : memref<256x64xf32, #tpu.memory_space<hbm>>) target_semaphore(%arg11 : memref<!tpu.dma_semaphore, #tpu.memory_space<semaphore_mem>>)
    %dma_wait3A_225 = arith.constant 0 : i32
    %dma_wait3A_226 = arith.constant 1 : i32
    %dma_wait3A_227 = arith.constant 0 : i32
    %dma_wait3A_228 = arith.constant 1 : i32
    %dma_wait3A_229 = arith.constant 0 : i32
    %dma_wait3A_230 = arith.constant 0 : i32
    %dma_wait3A_231 = tpu.memref_slice %arg6[%dma_wait3A_228, %dma_wait3A_229, %dma_wait3A_230] : memref<4x256x64xf32, #tpu.memory_space<vmem>> -> memref<1x128x64xf32, #tpu.memory_space<vmem>>
    %dma_wait3A_232 = tpu.memref_squeeze %dma_wait3A_231 : memref<1x128x64xf32, #tpu.memory_space<vmem>> -> memref<128x64xf32, #tpu.memory_space<vmem>>
    %dma_wait3A_233 = arith.constant 0 : i32
    %dma_wait3A_234 = tpu.memref_slice %arg5[%dma_wait3A_225, %dma_wait3A_226, %dma_wait3A_227, %dma_wait3A_233] : memref<2x4x2x128xi32, #tpu.memory_space<vmem>> -> memref<1x1x1x128xi32, #tpu.memory_space<vmem>>
    %dma_wait3A_235 = tpu.memref_squeeze %dma_wait3A_234 : memref<1x1x1x128xi32, #tpu.memory_space<vmem>> -> memref<128xi32, #tpu.memory_space<vmem>>
    %dma_wait3A_236 = arith.constant 0 : i32
    %dma_wait3A_237 = arith.constant 0 : i32
    %dma_wait3A_238 = tpu.memref_slice %arg3[%dma_wait3A_236, %dma_wait3A_237] : memref<1000000x64xf32, #tpu.memory_space<hbm>> -> memref<1000000x64xf32, #tpu.memory_space<hbm>>
    tpu.wait_indirect_dma semaphore(%arg8 : memref<!tpu.dma_semaphore, #tpu.memory_space<semaphore_mem>>) src(%dma_wait3A_238 : memref<1000000x64xf32, #tpu.memory_space<hbm>>) dst(%dma_wait3A_232 : memref<128x64xf32, #tpu.memory_space<vmem>>)
    %dma_wait3A_239 = arith.constant 0 : i32
    %dma_wait3A_240 = arith.constant 1 : i32
    %dma_wait3A_241 = arith.constant 1 : i32
    %dma_wait3A_242 = arith.constant 1 : i32
    %dma_wait3A_243 = arith.constant 128 : i32
    %dma_wait3A_244 = arith.constant 0 : i32
    %dma_wait3A_245 = tpu.memref_slice %arg6[%dma_wait3A_242, %dma_wait3A_243, %dma_wait3A_244] : memref<4x256x64xf32, #tpu.memory_space<vmem>> -> memref<1x128x64xf32, #tpu.memory_space<vmem>>
    %dma_wait3A_246 = tpu.memref_squeeze %dma_wait3A_245 : memref<1x128x64xf32, #tpu.memory_space<vmem>> -> memref<128x64xf32, #tpu.memory_space<vmem>>
    %dma_wait3A_247 = arith.constant 0 : i32
    %dma_wait3A_248 = tpu.memref_slice %arg5[%dma_wait3A_239, %dma_wait3A_240, %dma_wait3A_241, %dma_wait3A_247] : memref<2x4x2x128xi32, #tpu.memory_space<vmem>> -> memref<1x1x1x128xi32, #tpu.memory_space<vmem>>
    %dma_wait3A_249 = tpu.memref_squeeze %dma_wait3A_248 : memref<1x1x1x128xi32, #tpu.memory_space<vmem>> -> memref<128xi32, #tpu.memory_space<vmem>>
    %dma_wait3A_250 = arith.constant 0 : i32
    %dma_wait3A_251 = arith.constant 0 : i32
    %dma_wait3A_252 = tpu.memref_slice %arg3[%dma_wait3A_250, %dma_wait3A_251] : memref<1000000x64xf32, #tpu.memory_space<hbm>> -> memref<1000000x64xf32, #tpu.memory_space<hbm>>
    tpu.wait_indirect_dma semaphore(%arg8 : memref<!tpu.dma_semaphore, #tpu.memory_space<semaphore_mem>>) src(%dma_wait3A_252 : memref<1000000x64xf32, #tpu.memory_space<hbm>>) dst(%dma_wait3A_246 : memref<128x64xf32, #tpu.memory_space<vmem>>)
    %mul3A_253 = arith.constant 400 : i32
    %mul3A_254 = arith.muli %add3A, %mul3A_253 : i32
    %add3A_255 = arith.constant 1 : i32
    %add3A_256 = arith.addi %mul3A_254, %add3A_255 : i32
    %mul3A_257 = arith.constant 256 : i32
    %mul3A_258 = arith.muli %add3A_256, %mul3A_257 : i32
    %dma_start3A_259 = arith.constant 1 : i32
    %dma_start3A_260 = arith.constant 0 : i32
    %dma_start3A_261 = arith.constant 0 : i32
    %dma_start3A_262 = tpu.memref_slice %arg6[%dma_start3A_259, %dma_start3A_260, %dma_start3A_261] : memref<4x256x64xf32, #tpu.memory_space<vmem>> -> memref<1x256x64xf32, #tpu.memory_space<vmem>>
    %dma_start3A_263 = tpu.memref_squeeze %dma_start3A_262 : memref<1x256x64xf32, #tpu.memory_space<vmem>> -> memref<256x64xf32, #tpu.memory_space<vmem>>
    %dma_start3A_264 = arith.constant 0 : i32
    %dma_start3A_265 = tpu.memref_slice %arg4[%mul3A_258, %dma_start3A_264] : memref<3276800x128xf32, #tpu.memory_space<hbm>> -> memref<256x64xf32, #tpu.memory_space<hbm>>
    %dma_start3A_266 = arith.constant 0 : i32
    %dma_start3A_267 = tpu.memref_slice %arg4[%mul3A_258, %dma_start3A_266] : memref<3276800x128xf32, #tpu.memory_space<hbm>> -> memref<256x64xf32, #tpu.memory_space<hbm>>
    %dma_start3A_268 = arith.constant 0 : i32
    %dma_start3A_269 = arith.constant 0 : i32
    %dma_start3A_270 = tpu.memref_slice %arg6[%dma_start3A_259, %dma_start3A_268, %dma_start3A_269] : memref<4x256x64xf32, #tpu.memory_space<vmem>> -> memref<1x256x64xf32, #tpu.memory_space<vmem>>
    %dma_start3A_271 = tpu.memref_squeeze %dma_start3A_270 : memref<1x256x64xf32, #tpu.memory_space<vmem>> -> memref<256x64xf32, #tpu.memory_space<vmem>>
    tpu.enqueue_dma source(%dma_start3A_271 : memref<256x64xf32, #tpu.memory_space<vmem>>) target(%dma_start3A_267 : memref<256x64xf32, #tpu.memory_space<hbm>>) target_semaphore(%arg12 : memref<!tpu.dma_semaphore, #tpu.memory_space<semaphore_mem>>)
    %dma_wait3A_272 = arith.constant 0 : i32
    %dma_wait3A_273 = arith.constant 2 : i32
    %dma_wait3A_274 = arith.constant 0 : i32
    %dma_wait3A_275 = arith.constant 2 : i32
    %dma_wait3A_276 = arith.constant 0 : i32
    %dma_wait3A_277 = arith.constant 0 : i32
    %dma_wait3A_278 = tpu.memref_slice %arg6[%dma_wait3A_275, %dma_wait3A_276, %dma_wait3A_277] : memref<4x256x64xf32, #tpu.memory_space<vmem>> -> memref<1x128x64xf32, #tpu.memory_space<vmem>>
    %dma_wait3A_279 = tpu.memref_squeeze %dma_wait3A_278 : memref<1x128x64xf32, #tpu.memory_space<vmem>> -> memref<128x64xf32, #tpu.memory_space<vmem>>
    %dma_wait3A_280 = arith.constant 0 : i32
    %dma_wait3A_281 = tpu.memref_slice %arg5[%dma_wait3A_272, %dma_wait3A_273, %dma_wait3A_274, %dma_wait3A_280] : memref<2x4x2x128xi32, #tpu.memory_space<vmem>> -> memref<1x1x1x128xi32, #tpu.memory_space<vmem>>
    %dma_wait3A_282 = tpu.memref_squeeze %dma_wait3A_281 : memref<1x1x1x128xi32, #tpu.memory_space<vmem>> -> memref<128xi32, #tpu.memory_space<vmem>>
    %dma_wait3A_283 = arith.constant 0 : i32
    %dma_wait3A_284 = arith.constant 0 : i32
    %dma_wait3A_285 = tpu.memref_slice %arg3[%dma_wait3A_283, %dma_wait3A_284] : memref<1000000x64xf32, #tpu.memory_space<hbm>> -> memref<1000000x64xf32, #tpu.memory_space<hbm>>
    tpu.wait_indirect_dma semaphore(%arg9 : memref<!tpu.dma_semaphore, #tpu.memory_space<semaphore_mem>>) src(%dma_wait3A_285 : memref<1000000x64xf32, #tpu.memory_space<hbm>>) dst(%dma_wait3A_279 : memref<128x64xf32, #tpu.memory_space<vmem>>)
    %dma_wait3A_286 = arith.constant 0 : i32
    %dma_wait3A_287 = arith.constant 2 : i32
    %dma_wait3A_288 = arith.constant 1 : i32
    %dma_wait3A_289 = arith.constant 2 : i32
    %dma_wait3A_290 = arith.constant 128 : i32
    %dma_wait3A_291 = arith.constant 0 : i32
    %dma_wait3A_292 = tpu.memref_slice %arg6[%dma_wait3A_289, %dma_wait3A_290, %dma_wait3A_291] : memref<4x256x64xf32, #tpu.memory_space<vmem>> -> memref<1x128x64xf32, #tpu.memory_space<vmem>>
    %dma_wait3A_293 = tpu.memref_squeeze %dma_wait3A_292 : memref<1x128x64xf32, #tpu.memory_space<vmem>> -> memref<128x64xf32, #tpu.memory_space<vmem>>
    %dma_wait3A_294 = arith.constant 0 : i32
    %dma_wait3A_295 = tpu.memref_slice %arg5[%dma_wait3A_286, %dma_wait3A_287, %dma_wait3A_288, %dma_wait3A_294] : memref<2x4x2x128xi32, #tpu.memory_space<vmem>> -> memref<1x1x1x128xi32, #tpu.memory_space<vmem>>
    %dma_wait3A_296 = tpu.memref_squeeze %dma_wait3A_295 : memref<1x1x1x128xi32, #tpu.memory_space<vmem>> -> memref<128xi32, #tpu.memory_space<vmem>>
    %dma_wait3A_297 = arith.constant 0 : i32
    %dma_wait3A_298 = arith.constant 0 : i32
    %dma_wait3A_299 = tpu.memref_slice %arg3[%dma_wait3A_297, %dma_wait3A_298] : memref<1000000x64xf32, #tpu.memory_space<hbm>> -> memref<1000000x64xf32, #tpu.memory_space<hbm>>
    tpu.wait_indirect_dma semaphore(%arg9 : memref<!tpu.dma_semaphore, #tpu.memory_space<semaphore_mem>>) src(%dma_wait3A_299 : memref<1000000x64xf32, #tpu.memory_space<hbm>>) dst(%dma_wait3A_293 : memref<128x64xf32, #tpu.memory_space<vmem>>)
    %mul3A_300 = arith.constant 400 : i32
    %mul3A_301 = arith.muli %add3A, %mul3A_300 : i32
    %add3A_302 = arith.constant 2 : i32
    %add3A_303 = arith.addi %mul3A_301, %add3A_302 : i32
    %mul3A_304 = arith.constant 256 : i32
    %mul3A_305 = arith.muli %add3A_303, %mul3A_304 : i32
    %dma_start3A_306 = arith.constant 2 : i32
    %dma_start3A_307 = arith.constant 0 : i32
    %dma_start3A_308 = arith.constant 0 : i32
    %dma_start3A_309 = tpu.memref_slice %arg6[%dma_start3A_306, %dma_start3A_307, %dma_start3A_308] : memref<4x256x64xf32, #tpu.memory_space<vmem>> -> memref<1x256x64xf32, #tpu.memory_space<vmem>>
    %dma_start3A_310 = tpu.memref_squeeze %dma_start3A_309 : memref<1x256x64xf32, #tpu.memory_space<vmem>> -> memref<256x64xf32, #tpu.memory_space<vmem>>
    %dma_start3A_311 = arith.constant 0 : i32
    %dma_start3A_312 = tpu.memref_slice %arg4[%mul3A_305, %dma_start3A_311] : memref<3276800x128xf32, #tpu.memory_space<hbm>> -> memref<256x64xf32, #tpu.memory_space<hbm>>
    %dma_start3A_313 = arith.constant 0 : i32
    %dma_start3A_314 = tpu.memref_slice %arg4[%mul3A_305, %dma_start3A_313] : memref<3276800x128xf32, #tpu.memory_space<hbm>> -> memref<256x64xf32, #tpu.memory_space<hbm>>
    %dma_start3A_315 = arith.constant 0 : i32
    %dma_start3A_316 = arith.constant 0 : i32
    %dma_start3A_317 = tpu.memref_slice %arg6[%dma_start3A_306, %dma_start3A_315, %dma_start3A_316] : memref<4x256x64xf32, #tpu.memory_space<vmem>> -> memref<1x256x64xf32, #tpu.memory_space<vmem>>
    %dma_start3A_318 = tpu.memref_squeeze %dma_start3A_317 : memref<1x256x64xf32, #tpu.memory_space<vmem>> -> memref<256x64xf32, #tpu.memory_space<vmem>>
    tpu.enqueue_dma source(%dma_start3A_318 : memref<256x64xf32, #tpu.memory_space<vmem>>) target(%dma_start3A_314 : memref<256x64xf32, #tpu.memory_space<hbm>>) target_semaphore(%arg13 : memref<!tpu.dma_semaphore, #tpu.memory_space<semaphore_mem>>)
    %dma_wait3A_319 = arith.constant 0 : i32
    %dma_wait3A_320 = arith.constant 3 : i32
    %dma_wait3A_321 = arith.constant 0 : i32
    %dma_wait3A_322 = arith.constant 3 : i32
    %dma_wait3A_323 = arith.constant 0 : i32
    %dma_wait3A_324 = arith.constant 0 : i32
    %dma_wait3A_325 = tpu.memref_slice %arg6[%dma_wait3A_322, %dma_wait3A_323, %dma_wait3A_324] : memref<4x256x64xf32, #tpu.memory_space<vmem>> -> memref<1x128x64xf32, #tpu.memory_space<vmem>>
    %dma_wait3A_326 = tpu.memref_squeeze %dma_wait3A_325 : memref<1x128x64xf32, #tpu.memory_space<vmem>> -> memref<128x64xf32, #tpu.memory_space<vmem>>
    %dma_wait3A_327 = arith.constant 0 : i32
    %dma_wait3A_328 = tpu.memref_slice %arg5[%dma_wait3A_319, %dma_wait3A_320, %dma_wait3A_321, %dma_wait3A_327] : memref<2x4x2x128xi32, #tpu.memory_space<vmem>> -> memref<1x1x1x128xi32, #tpu.memory_space<vmem>>
    %dma_wait3A_329 = tpu.memref_squeeze %dma_wait3A_328 : memref<1x1x1x128xi32, #tpu.memory_space<vmem>> -> memref<128xi32, #tpu.memory_space<vmem>>
    %dma_wait3A_330 = arith.constant 0 : i32
    %dma_wait3A_331 = arith.constant 0 : i32
    %dma_wait3A_332 = tpu.memref_slice %arg3[%dma_wait3A_330, %dma_wait3A_331] : memref<1000000x64xf32, #tpu.memory_space<hbm>> -> memref<1000000x64xf32, #tpu.memory_space<hbm>>
    tpu.wait_indirect_dma semaphore(%arg10 : memref<!tpu.dma_semaphore, #tpu.memory_space<semaphore_mem>>) src(%dma_wait3A_332 : memref<1000000x64xf32, #tpu.memory_space<hbm>>) dst(%dma_wait3A_326 : memref<128x64xf32, #tpu.memory_space<vmem>>)
    %dma_wait3A_333 = arith.constant 0 : i32
    %dma_wait3A_334 = arith.constant 3 : i32
    %dma_wait3A_335 = arith.constant 1 : i32
    %dma_wait3A_336 = arith.constant 3 : i32
    %dma_wait3A_337 = arith.constant 128 : i32
    %dma_wait3A_338 = arith.constant 0 : i32
    %dma_wait3A_339 = tpu.memref_slice %arg6[%dma_wait3A_336, %dma_wait3A_337, %dma_wait3A_338] : memref<4x256x64xf32, #tpu.memory_space<vmem>> -> memref<1x128x64xf32, #tpu.memory_space<vmem>>
    %dma_wait3A_340 = tpu.memref_squeeze %dma_wait3A_339 : memref<1x128x64xf32, #tpu.memory_space<vmem>> -> memref<128x64xf32, #tpu.memory_space<vmem>>
    %dma_wait3A_341 = arith.constant 0 : i32
    %dma_wait3A_342 = tpu.memref_slice %arg5[%dma_wait3A_333, %dma_wait3A_334, %dma_wait3A_335, %dma_wait3A_341] : memref<2x4x2x128xi32, #tpu.memory_space<vmem>> -> memref<1x1x1x128xi32, #tpu.memory_space<vmem>>
    %dma_wait3A_343 = tpu.memref_squeeze %dma_wait3A_342 : memref<1x1x1x128xi32, #tpu.memory_space<vmem>> -> memref<128xi32, #tpu.memory_space<vmem>>
    %dma_wait3A_344 = arith.constant 0 : i32
    %dma_wait3A_345 = arith.constant 0 : i32
    %dma_wait3A_346 = tpu.memref_slice %arg3[%dma_wait3A_344, %dma_wait3A_345] : memref<1000000x64xf32, #tpu.memory_space<hbm>> -> memref<1000000x64xf32, #tpu.memory_space<hbm>>
    tpu.wait_indirect_dma semaphore(%arg10 : memref<!tpu.dma_semaphore, #tpu.memory_space<semaphore_mem>>) src(%dma_wait3A_346 : memref<1000000x64xf32, #tpu.memory_space<hbm>>) dst(%dma_wait3A_340 : memref<128x64xf32, #tpu.memory_space<vmem>>)
    %mul3A_347 = arith.constant 400 : i32
    %mul3A_348 = arith.muli %add3A, %mul3A_347 : i32
    %add3A_349 = arith.constant 3 : i32
    %add3A_350 = arith.addi %mul3A_348, %add3A_349 : i32
    %mul3A_351 = arith.constant 256 : i32
    %mul3A_352 = arith.muli %add3A_350, %mul3A_351 : i32
    %dma_start3A_353 = arith.constant 3 : i32
    %dma_start3A_354 = arith.constant 0 : i32
    %dma_start3A_355 = arith.constant 0 : i32
    %dma_start3A_356 = tpu.memref_slice %arg6[%dma_start3A_353, %dma_start3A_354, %dma_start3A_355] : memref<4x256x64xf32, #tpu.memory_space<vmem>> -> memref<1x256x64xf32, #tpu.memory_space<vmem>>
    %dma_start3A_357 = tpu.memref_squeeze %dma_start3A_356 : memref<1x256x64xf32, #tpu.memory_space<vmem>> -> memref<256x64xf32, #tpu.memory_space<vmem>>
    %dma_start3A_358 = arith.constant 0 : i32
    %dma_start3A_359 = tpu.memref_slice %arg4[%mul3A_352, %dma_start3A_358] : memref<3276800x128xf32, #tpu.memory_space<hbm>> -> memref<256x64xf32, #tpu.memory_space<hbm>>
    %dma_start3A_360 = arith.constant 0 : i32
    %dma_start3A_361 = tpu.memref_slice %arg4[%mul3A_352, %dma_start3A_360] : memref<3276800x128xf32, #tpu.memory_space<hbm>> -> memref<256x64xf32, #tpu.memory_space<hbm>>
    %dma_start3A_362 = arith.constant 0 : i32
    %dma_start3A_363 = arith.constant 0 : i32
    %dma_start3A_364 = tpu.memref_slice %arg6[%dma_start3A_353, %dma_start3A_362, %dma_start3A_363] : memref<4x256x64xf32, #tpu.memory_space<vmem>> -> memref<1x256x64xf32, #tpu.memory_space<vmem>>
    %dma_start3A_365 = tpu.memref_squeeze %dma_start3A_364 : memref<1x256x64xf32, #tpu.memory_space<vmem>> -> memref<256x64xf32, #tpu.memory_space<vmem>>
    tpu.enqueue_dma source(%dma_start3A_365 : memref<256x64xf32, #tpu.memory_space<vmem>>) target(%dma_start3A_361 : memref<256x64xf32, #tpu.memory_space<hbm>>) target_semaphore(%arg14 : memref<!tpu.dma_semaphore, #tpu.memory_space<semaphore_mem>>)
    %dma_wait3A_366 = arith.constant 1 : i32
    %dma_wait3A_367 = arith.constant 1 : i32
    %dma_wait3A_368 = arith.constant 0 : i32
    %dma_wait3A_369 = arith.constant 0 : i32
    %dma_wait3A_370 = arith.constant 0 : i32
    %dma_wait3A_371 = tpu.memref_slice %arg5[%dma_wait3A_367, %dma_wait3A_368, %dma_wait3A_369, %dma_wait3A_370] : memref<2x4x2x128xi32, #tpu.memory_space<vmem>> -> memref<1x4x2x128xi32, #tpu.memory_space<vmem>>
    %dma_wait3A_372 = tpu.memref_squeeze %dma_wait3A_371 : memref<1x4x2x128xi32, #tpu.memory_space<vmem>> -> memref<4x2x128xi32, #tpu.memory_space<vmem>>
    %dma_wait3A_373 = arith.constant 0 : i32
    %dma_wait3A_374 = arith.constant 0 : i32
    %dma_wait3A_375 = arith.constant 0 : i32
    %dma_wait3A_376 = tpu.memref_slice %arg2[%add3A, %dma_wait3A_366, %dma_wait3A_373, %dma_wait3A_374, %dma_wait3A_375] : memref<32x100x4x2x128xi32, #tpu.memory_space<hbm>> -> memref<1x1x4x2x128xi32, #tpu.memory_space<hbm>>
    %dma_wait3A_377 = tpu.memref_squeeze %dma_wait3A_376 : memref<1x1x4x2x128xi32, #tpu.memory_space<hbm>> -> memref<4x2x128xi32, #tpu.memory_space<hbm>>
    %dma_wait3A_378 = arith.constant 0 : i32
    %dma_wait3A_379 = arith.constant 0 : i32
    %dma_wait3A_380 = arith.constant 0 : i32
    %dma_wait3A_381 = tpu.memref_slice %arg5[%dma_wait3A_367, %dma_wait3A_378, %dma_wait3A_379, %dma_wait3A_380] : memref<2x4x2x128xi32, #tpu.memory_space<vmem>> -> memref<1x4x2x128xi32, #tpu.memory_space<vmem>>
    %dma_wait3A_382 = tpu.memref_squeeze %dma_wait3A_381 : memref<1x4x2x128xi32, #tpu.memory_space<vmem>> -> memref<4x2x128xi32, #tpu.memory_space<vmem>>
    %dma_wait3A_383 = arith.constant 0 : i32
    %dma_wait3A_384 = arith.constant 0 : i32
    %dma_wait3A_385 = arith.constant 0 : i32
    %dma_wait3A_386 = tpu.memref_slice %arg2[%add3A, %dma_wait3A_366, %dma_wait3A_383, %dma_wait3A_384, %dma_wait3A_385] : memref<32x100x4x2x128xi32, #tpu.memory_space<hbm>> -> memref<1x1x4x2x128xi32, #tpu.memory_space<hbm>>
    %dma_wait3A_387 = tpu.memref_squeeze %dma_wait3A_386 : memref<1x1x4x2x128xi32, #tpu.memory_space<hbm>> -> memref<4x2x128xi32, #tpu.memory_space<hbm>>
    tpu.wait_dma2 semaphore(%arg16 : memref<!tpu.dma_semaphore, #tpu.memory_space<semaphore_mem>>) src(%dma_wait3A_387 : memref<4x2x128xi32, #tpu.memory_space<hbm>>) dst(%dma_wait3A_382 : memref<4x2x128xi32, #tpu.memory_space<vmem>>)
    %min3A_388 = arith.constant 2 : i32
    %min3A_389 = arith.constant 99 : i32
    %min3A_390 = arith.minsi %min3A_388, %min3A_389 : i32
    %dma_start3A_391 = arith.constant 0 : i32
    %dma_start3A_392 = arith.constant 0 : i32
    %dma_start3A_393 = arith.constant 0 : i32
    %dma_start3A_394 = arith.constant 0 : i32
    %dma_start3A_395 = tpu.memref_slice %arg5[%dma_start3A_391, %dma_start3A_392, %dma_start3A_393, %dma_start3A_394] : memref<2x4x2x128xi32, #tpu.memory_space<vmem>> -> memref<1x4x2x128xi32, #tpu.memory_space<vmem>>
    %dma_start3A_396 = tpu.memref_squeeze %dma_start3A_395 : memref<1x4x2x128xi32, #tpu.memory_space<vmem>> -> memref<4x2x128xi32, #tpu.memory_space<vmem>>
    %dma_start3A_397 = arith.constant 0 : i32
    %dma_start3A_398 = arith.constant 0 : i32
    %dma_start3A_399 = arith.constant 0 : i32
    %dma_start3A_400 = tpu.memref_slice %arg2[%add3A, %min3A_390, %dma_start3A_397, %dma_start3A_398, %dma_start3A_399] : memref<32x100x4x2x128xi32, #tpu.memory_space<hbm>> -> memref<1x1x4x2x128xi32, #tpu.memory_space<hbm>>
    %dma_start3A_401 = tpu.memref_squeeze %dma_start3A_400 : memref<1x1x4x2x128xi32, #tpu.memory_space<hbm>> -> memref<4x2x128xi32, #tpu.memory_space<hbm>>
    %dma_start3A_402 = arith.constant 0 : i32
    %dma_start3A_403 = arith.constant 0 : i32
    %dma_start3A_404 = arith.constant 0 : i32
    %dma_start3A_405 = tpu.memref_slice %arg5[%dma_start3A_391, %dma_start3A_402, %dma_start3A_403, %dma_start3A_404] : memref<2x4x2x128xi32, #tpu.memory_space<vmem>> -> memref<1x4x2x128xi32, #tpu.memory_space<vmem>>
    %dma_start3A_406 = tpu.memref_squeeze %dma_start3A_405 : memref<1x4x2x128xi32, #tpu.memory_space<vmem>> -> memref<4x2x128xi32, #tpu.memory_space<vmem>>
    %dma_start3A_407 = arith.constant 0 : i32
    %dma_start3A_408 = arith.constant 0 : i32
    %dma_start3A_409 = arith.constant 0 : i32
    %dma_start3A_410 = tpu.memref_slice %arg2[%add3A, %min3A_390, %dma_start3A_407, %dma_start3A_408, %dma_start3A_409] : memref<32x100x4x2x128xi32, #tpu.memory_space<hbm>> -> memref<1x1x4x2x128xi32, #tpu.memory_space<hbm>>
    %dma_start3A_411 = tpu.memref_squeeze %dma_start3A_410 : memref<1x1x4x2x128xi32, #tpu.memory_space<hbm>> -> memref<4x2x128xi32, #tpu.memory_space<hbm>>
    tpu.enqueue_dma source(%dma_start3A_411 : memref<4x2x128xi32, #tpu.memory_space<hbm>>) target(%dma_start3A_406 : memref<4x2x128xi32, #tpu.memory_space<vmem>>) target_semaphore(%arg15 : memref<!tpu.dma_semaphore, #tpu.memory_space<semaphore_mem>>)
    %mul3A_412 = arith.constant 400 : i32
    %mul3A_413 = arith.muli %add3A, %mul3A_412 : i32
    %add3A_414 = arith.constant 0 : i32
    %add3A_415 = arith.addi %mul3A_413, %add3A_414 : i32
    %mul3A_416 = arith.constant 256 : i32
    %mul3A_417 = arith.muli %add3A_415, %mul3A_416 : i32
    %dma_wait3A_418 = arith.constant 0 : i32
    %dma_wait3A_419 = arith.constant 0 : i32
    %dma_wait3A_420 = arith.constant 0 : i32
    %dma_wait3A_421 = tpu.memref_slice %arg6[%dma_wait3A_418, %dma_wait3A_419, %dma_wait3A_420] : memref<4x256x64xf32, #tpu.memory_space<vmem>> -> memref<1x256x64xf32, #tpu.memory_space<vmem>>
    %dma_wait3A_422 = tpu.memref_squeeze %dma_wait3A_421 : memref<1x256x64xf32, #tpu.memory_space<vmem>> -> memref<256x64xf32, #tpu.memory_space<vmem>>
    %dma_wait3A_423 = arith.constant 0 : i32
    %dma_wait3A_424 = tpu.memref_slice %arg4[%mul3A_417, %dma_wait3A_423] : memref<3276800x128xf32, #tpu.memory_space<hbm>> -> memref<256x64xf32, #tpu.memory_space<hbm>>
    %dma_wait3A_425 = arith.constant 0 : i32
    %dma_wait3A_426 = tpu.memref_slice %arg4[%mul3A_417, %dma_wait3A_425] : memref<3276800x128xf32, #tpu.memory_space<hbm>> -> memref<256x64xf32, #tpu.memory_space<hbm>>
    %dma_wait3A_427 = arith.constant 0 : i32
    %dma_wait3A_428 = arith.constant 0 : i32
    %dma_wait3A_429 = tpu.memref_slice %arg6[%dma_wait3A_418, %dma_wait3A_427, %dma_wait3A_428] : memref<4x256x64xf32, #tpu.memory_space<vmem>> -> memref<1x256x64xf32, #tpu.memory_space<vmem>>
    %dma_wait3A_430 = tpu.memref_squeeze %dma_wait3A_429 : memref<1x256x64xf32, #tpu.memory_space<vmem>> -> memref<256x64xf32, #tpu.memory_space<vmem>>
    tpu.wait_dma2 semaphore(%arg11 : memref<!tpu.dma_semaphore, #tpu.memory_space<semaphore_mem>>) src(%dma_wait3A_430 : memref<256x64xf32, #tpu.memory_space<vmem>>) dst(%dma_wait3A_426 : memref<256x64xf32, #tpu.memory_space<hbm>>)
    %dma_start3A_431 = arith.constant 1 : i32
    %dma_start3A_432 = arith.constant 0 : i32
    %dma_start3A_433 = arith.constant 0 : i32
    %dma_start3A_434 = arith.constant 0 : i32
    %dma_start3A_435 = arith.constant 0 : i32
    %dma_start3A_436 = arith.constant 0 : i32
    %dma_start3A_437 = tpu.memref_slice %arg6[%dma_start3A_434, %dma_start3A_435, %dma_start3A_436] : memref<4x256x64xf32, #tpu.memory_space<vmem>> -> memref<1x128x64xf32, #tpu.memory_space<vmem>>
    %dma_start3A_438 = tpu.memref_squeeze %dma_start3A_437 : memref<1x128x64xf32, #tpu.memory_space<vmem>> -> memref<128x64xf32, #tpu.memory_space<vmem>>
    %dma_start3A_439 = arith.constant 0 : i32
    %dma_start3A_440 = tpu.memref_slice %arg5[%dma_start3A_431, %dma_start3A_432, %dma_start3A_433, %dma_start3A_439] : memref<2x4x2x128xi32, #tpu.memory_space<vmem>> -> memref<1x1x1x128xi32, #tpu.memory_space<vmem>>
    %dma_start3A_441 = tpu.memref_squeeze %dma_start3A_440 : memref<1x1x1x128xi32, #tpu.memory_space<vmem>> -> memref<128xi32, #tpu.memory_space<vmem>>
    %dma_start3A_442 = arith.constant 0 : i32
    %dma_start3A_443 = arith.constant 0 : i32
    %dma_start3A_444 = tpu.memref_slice %arg3[%dma_start3A_442, %dma_start3A_443] : memref<1000000x64xf32, #tpu.memory_space<hbm>> -> memref<1000000x64xf32, #tpu.memory_space<hbm>>
    tpu.enqueue_indirect_dma source(%dma_start3A_444 : memref<1000000x64xf32, #tpu.memory_space<hbm>>) target(%dma_start3A_438 : memref<128x64xf32, #tpu.memory_space<vmem>>) offsets(%dma_start3A_441 : memref<128xi32, #tpu.memory_space<vmem>>) semaphore(%arg7 : memref<!tpu.dma_semaphore, #tpu.memory_space<semaphore_mem>>)
    %dma_start3A_445 = arith.constant 1 : i32
    %dma_start3A_446 = arith.constant 0 : i32
    %dma_start3A_447 = arith.constant 1 : i32
    %dma_start3A_448 = arith.constant 0 : i32
    %dma_start3A_449 = arith.constant 128 : i32
    %dma_start3A_450 = arith.constant 0 : i32
    %dma_start3A_451 = tpu.memref_slice %arg6[%dma_start3A_448, %dma_start3A_449, %dma_start3A_450] : memref<4x256x64xf32, #tpu.memory_space<vmem>> -> memref<1x128x64xf32, #tpu.memory_space<vmem>>
    %dma_start3A_452 = tpu.memref_squeeze %dma_start3A_451 : memref<1x128x64xf32, #tpu.memory_space<vmem>> -> memref<128x64xf32, #tpu.memory_space<vmem>>
    %dma_start3A_453 = arith.constant 0 : i32
    %dma_start3A_454 = tpu.memref_slice %arg5[%dma_start3A_445, %dma_start3A_446, %dma_start3A_447, %dma_start3A_453] : memref<2x4x2x128xi32, #tpu.memory_space<vmem>> -> memref<1x1x1x128xi32, #tpu.memory_space<vmem>>
    %dma_start3A_455 = tpu.memref_squeeze %dma_start3A_454 : memref<1x1x1x128xi32, #tpu.memory_space<vmem>> -> memref<128xi32, #tpu.memory_space<vmem>>
    %dma_start3A_456 = arith.constant 0 : i32
    %dma_start3A_457 = arith.constant 0 : i32
    %dma_start3A_458 = tpu.memref_slice %arg3[%dma_start3A_456, %dma_start3A_457] : memref<1000000x64xf32, #tpu.memory_space<hbm>> -> memref<1000000x64xf32, #tpu.memory_space<hbm>>
    tpu.enqueue_indirect_dma source(%dma_start3A_458 : memref<1000000x64xf32, #tpu.memory_space<hbm>>) target(%dma_start3A_452 : memref<128x64xf32, #tpu.memory_space<vmem>>) offsets(%dma_start3A_455 : memref<128xi32, #tpu.memory_space<vmem>>) semaphore(%arg7 : memref<!tpu.dma_semaphore, #tpu.memory_space<semaphore_mem>>)
    %mul3A_459 = arith.constant 400 : i32
    %mul3A_460 = arith.muli %add3A, %mul3A_459 : i32
    %add3A_461 = arith.constant 1 : i32
    %add3A_462 = arith.addi %mul3A_460, %add3A_461 : i32
    %mul3A_463 = arith.constant 256 : i32
    %mul3A_464 = arith.muli %add3A_462, %mul3A_463 : i32
    %dma_wait3A_465 = arith.constant 1 : i32
    %dma_wait3A_466 = arith.constant 0 : i32
    %dma_wait3A_467 = arith.constant 0 : i32
    %dma_wait3A_468 = tpu.memref_slice %arg6[%dma_wait3A_465, %dma_wait3A_466, %dma_wait3A_467] : memref<4x256x64xf32, #tpu.memory_space<vmem>> -> memref<1x256x64xf32, #tpu.memory_space<vmem>>
    %dma_wait3A_469 = tpu.memref_squeeze %dma_wait3A_468 : memref<1x256x64xf32, #tpu.memory_space<vmem>> -> memref<256x64xf32, #tpu.memory_space<vmem>>
    %dma_wait3A_470 = arith.constant 0 : i32
    %dma_wait3A_471 = tpu.memref_slice %arg4[%mul3A_464, %dma_wait3A_470] : memref<3276800x128xf32, #tpu.memory_space<hbm>> -> memref<256x64xf32, #tpu.memory_space<hbm>>
    %dma_wait3A_472 = arith.constant 0 : i32
    %dma_wait3A_473 = tpu.memref_slice %arg4[%mul3A_464, %dma_wait3A_472] : memref<3276800x128xf32, #tpu.memory_space<hbm>> -> memref<256x64xf32, #tpu.memory_space<hbm>>
    %dma_wait3A_474 = arith.constant 0 : i32
    %dma_wait3A_475 = arith.constant 0 : i32
    %dma_wait3A_476 = tpu.memref_slice %arg6[%dma_wait3A_465, %dma_wait3A_474, %dma_wait3A_475] : memref<4x256x64xf32, #tpu.memory_space<vmem>> -> memref<1x256x64xf32, #tpu.memory_space<vmem>>
    %dma_wait3A_477 = tpu.memref_squeeze %dma_wait3A_476 : memref<1x256x64xf32, #tpu.memory_space<vmem>> -> memref<256x64xf32, #tpu.memory_space<vmem>>
    tpu.wait_dma2 semaphore(%arg12 : memref<!tpu.dma_semaphore, #tpu.memory_space<semaphore_mem>>) src(%dma_wait3A_477 : memref<256x64xf32, #tpu.memory_space<vmem>>) dst(%dma_wait3A_473 : memref<256x64xf32, #tpu.memory_space<hbm>>)
    %dma_start3A_478 = arith.constant 1 : i32
    %dma_start3A_479 = arith.constant 1 : i32
    %dma_start3A_480 = arith.constant 0 : i32
    %dma_start3A_481 = arith.constant 1 : i32
    %dma_start3A_482 = arith.constant 0 : i32
    %dma_start3A_483 = arith.constant 0 : i32
    %dma_start3A_484 = tpu.memref_slice %arg6[%dma_start3A_481, %dma_start3A_482, %dma_start3A_483] : memref<4x256x64xf32, #tpu.memory_space<vmem>> -> memref<1x128x64xf32, #tpu.memory_space<vmem>>
    %dma_start3A_485 = tpu.memref_squeeze %dma_start3A_484 : memref<1x128x64xf32, #tpu.memory_space<vmem>> -> memref<128x64xf32, #tpu.memory_space<vmem>>
    %dma_start3A_486 = arith.constant 0 : i32
    %dma_start3A_487 = tpu.memref_slice %arg5[%dma_start3A_478, %dma_start3A_479, %dma_start3A_480, %dma_start3A_486] : memref<2x4x2x128xi32, #tpu.memory_space<vmem>> -> memref<1x1x1x128xi32, #tpu.memory_space<vmem>>
    %dma_start3A_488 = tpu.memref_squeeze %dma_start3A_487 : memref<1x1x1x128xi32, #tpu.memory_space<vmem>> -> memref<128xi32, #tpu.memory_space<vmem>>
    %dma_start3A_489 = arith.constant 0 : i32
    %dma_start3A_490 = arith.constant 0 : i32
    %dma_start3A_491 = tpu.memref_slice %arg3[%dma_start3A_489, %dma_start3A_490] : memref<1000000x64xf32, #tpu.memory_space<hbm>> -> memref<1000000x64xf32, #tpu.memory_space<hbm>>
    tpu.enqueue_indirect_dma source(%dma_start3A_491 : memref<1000000x64xf32, #tpu.memory_space<hbm>>) target(%dma_start3A_485 : memref<128x64xf32, #tpu.memory_space<vmem>>) offsets(%dma_start3A_488 : memref<128xi32, #tpu.memory_space<vmem>>) semaphore(%arg8 : memref<!tpu.dma_semaphore, #tpu.memory_space<semaphore_mem>>)
    %dma_start3A_492 = arith.constant 1 : i32
    %dma_start3A_493 = arith.constant 1 : i32
    %dma_start3A_494 = arith.constant 1 : i32
    %dma_start3A_495 = arith.constant 1 : i32
    %dma_start3A_496 = arith.constant 128 : i32
    %dma_start3A_497 = arith.constant 0 : i32
    %dma_start3A_498 = tpu.memref_slice %arg6[%dma_start3A_495, %dma_start3A_496, %dma_start3A_497] : memref<4x256x64xf32, #tpu.memory_space<vmem>> -> memref<1x128x64xf32, #tpu.memory_space<vmem>>
    %dma_start3A_499 = tpu.memref_squeeze %dma_start3A_498 : memref<1x128x64xf32, #tpu.memory_space<vmem>> -> memref<128x64xf32, #tpu.memory_space<vmem>>
    %dma_start3A_500 = arith.constant 0 : i32
    %dma_start3A_501 = tpu.memref_slice %arg5[%dma_start3A_492, %dma_start3A_493, %dma_start3A_494, %dma_start3A_500] : memref<2x4x2x128xi32, #tpu.memory_space<vmem>> -> memref<1x1x1x128xi32, #tpu.memory_space<vmem>>
    %dma_start3A_502 = tpu.memref_squeeze %dma_start3A_501 : memref<1x1x1x128xi32, #tpu.memory_space<vmem>> -> memref<128xi32, #tpu.memory_space<vmem>>
    %dma_start3A_503 = arith.constant 0 : i32
    %dma_start3A_504 = arith.constant 0 : i32
    %dma_start3A_505 = tpu.memref_slice %arg3[%dma_start3A_503, %dma_start3A_504] : memref<1000000x64xf32, #tpu.memory_space<hbm>> -> memref<1000000x64xf32, #tpu.memory_space<hbm>>
    tpu.enqueue_indirect_dma source(%dma_start3A_505 : memref<1000000x64xf32, #tpu.memory_space<hbm>>) target(%dma_start3A_499 : memref<128x64xf32, #tpu.memory_space<vmem>>) offsets(%dma_start3A_502 : memref<128xi32, #tpu.memory_space<vmem>>) semaphore(%arg8 : memref<!tpu.dma_semaphore, #tpu.memory_space<semaphore_mem>>)
    %mul3A_506 = arith.constant 400 : i32
    %mul3A_507 = arith.muli %add3A, %mul3A_506 : i32
    %add3A_508 = arith.constant 2 : i32
    %add3A_509 = arith.addi %mul3A_507, %add3A_508 : i32
    %mul3A_510 = arith.constant 256 : i32
    %mul3A_511 = arith.muli %add3A_509, %mul3A_510 : i32
    %dma_wait3A_512 = arith.constant 2 : i32
    %dma_wait3A_513 = arith.constant 0 : i32
    %dma_wait3A_514 = arith.constant 0 : i32
    %dma_wait3A_515 = tpu.memref_slice %arg6[%dma_wait3A_512, %dma_wait3A_513, %dma_wait3A_514] : memref<4x256x64xf32, #tpu.memory_space<vmem>> -> memref<1x256x64xf32, #tpu.memory_space<vmem>>
    %dma_wait3A_516 = tpu.memref_squeeze %dma_wait3A_515 : memref<1x256x64xf32, #tpu.memory_space<vmem>> -> memref<256x64xf32, #tpu.memory_space<vmem>>
    %dma_wait3A_517 = arith.constant 0 : i32
    %dma_wait3A_518 = tpu.memref_slice %arg4[%mul3A_511, %dma_wait3A_517] : memref<3276800x128xf32, #tpu.memory_space<hbm>> -> memref<256x64xf32, #tpu.memory_space<hbm>>
    %dma_wait3A_519 = arith.constant 0 : i32
    %dma_wait3A_520 = tpu.memref_slice %arg4[%mul3A_511, %dma_wait3A_519] : memref<3276800x128xf32, #tpu.memory_space<hbm>> -> memref<256x64xf32, #tpu.memory_space<hbm>>
    %dma_wait3A_521 = arith.constant 0 : i32
    %dma_wait3A_522 = arith.constant 0 : i32
    %dma_wait3A_523 = tpu.memref_slice %arg6[%dma_wait3A_512, %dma_wait3A_521, %dma_wait3A_522] : memref<4x256x64xf32, #tpu.memory_space<vmem>> -> memref<1x256x64xf32, #tpu.memory_space<vmem>>
    %dma_wait3A_524 = tpu.memref_squeeze %dma_wait3A_523 : memref<1x256x64xf32, #tpu.memory_space<vmem>> -> memref<256x64xf32, #tpu.memory_space<vmem>>
    tpu.wait_dma2 semaphore(%arg13 : memref<!tpu.dma_semaphore, #tpu.memory_space<semaphore_mem>>) src(%dma_wait3A_524 : memref<256x64xf32, #tpu.memory_space<vmem>>) dst(%dma_wait3A_520 : memref<256x64xf32, #tpu.memory_space<hbm>>)
    %dma_start3A_525 = arith.constant 1 : i32
    %dma_start3A_526 = arith.constant 2 : i32
    %dma_start3A_527 = arith.constant 0 : i32
    %dma_start3A_528 = arith.constant 2 : i32
    %dma_start3A_529 = arith.constant 0 : i32
    %dma_start3A_530 = arith.constant 0 : i32
    %dma_start3A_531 = tpu.memref_slice %arg6[%dma_start3A_528, %dma_start3A_529, %dma_start3A_530] : memref<4x256x64xf32, #tpu.memory_space<vmem>> -> memref<1x128x64xf32, #tpu.memory_space<vmem>>
    %dma_start3A_532 = tpu.memref_squeeze %dma_start3A_531 : memref<1x128x64xf32, #tpu.memory_space<vmem>> -> memref<128x64xf32, #tpu.memory_space<vmem>>
    %dma_start3A_533 = arith.constant 0 : i32
    %dma_start3A_534 = tpu.memref_slice %arg5[%dma_start3A_525, %dma_start3A_526, %dma_start3A_527, %dma_start3A_533] : memref<2x4x2x128xi32, #tpu.memory_space<vmem>> -> memref<1x1x1x128xi32, #tpu.memory_space<vmem>>
    %dma_start3A_535 = tpu.memref_squeeze %dma_start3A_534 : memref<1x1x1x128xi32, #tpu.memory_space<vmem>> -> memref<128xi32, #tpu.memory_space<vmem>>
    %dma_start3A_536 = arith.constant 0 : i32
    %dma_start3A_537 = arith.constant 0 : i32
    %dma_start3A_538 = tpu.memref_slice %arg3[%dma_start3A_536, %dma_start3A_537] : memref<1000000x64xf32, #tpu.memory_space<hbm>> -> memref<1000000x64xf32, #tpu.memory_space<hbm>>
    tpu.enqueue_indirect_dma source(%dma_start3A_538 : memref<1000000x64xf32, #tpu.memory_space<hbm>>) target(%dma_start3A_532 : memref<128x64xf32, #tpu.memory_space<vmem>>) offsets(%dma_start3A_535 : memref<128xi32, #tpu.memory_space<vmem>>) semaphore(%arg9 : memref<!tpu.dma_semaphore, #tpu.memory_space<semaphore_mem>>)
    %dma_start3A_539 = arith.constant 1 : i32
    %dma_start3A_540 = arith.constant 2 : i32
    %dma_start3A_541 = arith.constant 1 : i32
    %dma_start3A_542 = arith.constant 2 : i32
    %dma_start3A_543 = arith.constant 128 : i32
    %dma_start3A_544 = arith.constant 0 : i32
    %dma_start3A_545 = tpu.memref_slice %arg6[%dma_start3A_542, %dma_start3A_543, %dma_start3A_544] : memref<4x256x64xf32, #tpu.memory_space<vmem>> -> memref<1x128x64xf32, #tpu.memory_space<vmem>>
    %dma_start3A_546 = tpu.memref_squeeze %dma_start3A_545 : memref<1x128x64xf32, #tpu.memory_space<vmem>> -> memref<128x64xf32, #tpu.memory_space<vmem>>
    %dma_start3A_547 = arith.constant 0 : i32
    %dma_start3A_548 = tpu.memref_slice %arg5[%dma_start3A_539, %dma_start3A_540, %dma_start3A_541, %dma_start3A_547] : memref<2x4x2x128xi32, #tpu.memory_space<vmem>> -> memref<1x1x1x128xi32, #tpu.memory_space<vmem>>
    %dma_start3A_549 = tpu.memref_squeeze %dma_start3A_548 : memref<1x1x1x128xi32, #tpu.memory_space<vmem>> -> memref<128xi32, #tpu.memory_space<vmem>>
    %dma_start3A_550 = arith.constant 0 : i32
    %dma_start3A_551 = arith.constant 0 : i32
    %dma_start3A_552 = tpu.memref_slice %arg3[%dma_start3A_550, %dma_start3A_551] : memref<1000000x64xf32, #tpu.memory_space<hbm>> -> memref<1000000x64xf32, #tpu.memory_space<hbm>>
    tpu.enqueue_indirect_dma source(%dma_start3A_552 : memref<1000000x64xf32, #tpu.memory_space<hbm>>) target(%dma_start3A_546 : memref<128x64xf32, #tpu.memory_space<vmem>>) offsets(%dma_start3A_549 : memref<128xi32, #tpu.memory_space<vmem>>) semaphore(%arg9 : memref<!tpu.dma_semaphore, #tpu.memory_space<semaphore_mem>>)
    %mul3A_553 = arith.constant 400 : i32
    %mul3A_554 = arith.muli %add3A, %mul3A_553 : i32
    %add3A_555 = arith.constant 3 : i32
    %add3A_556 = arith.addi %mul3A_554, %add3A_555 : i32
    %mul3A_557 = arith.constant 256 : i32
    %mul3A_558 = arith.muli %add3A_556, %mul3A_557 : i32
    %dma_wait3A_559 = arith.constant 3 : i32
    %dma_wait3A_560 = arith.constant 0 : i32
    %dma_wait3A_561 = arith.constant 0 : i32
    %dma_wait3A_562 = tpu.memref_slice %arg6[%dma_wait3A_559, %dma_wait3A_560, %dma_wait3A_561] : memref<4x256x64xf32, #tpu.memory_space<vmem>> -> memref<1x256x64xf32, #tpu.memory_space<vmem>>
    %dma_wait3A_563 = tpu.memref_squeeze %dma_wait3A_562 : memref<1x256x64xf32, #tpu.memory_space<vmem>> -> memref<256x64xf32, #tpu.memory_space<vmem>>
    %dma_wait3A_564 = arith.constant 0 : i32
    %dma_wait3A_565 = tpu.memref_slice %arg4[%mul3A_558, %dma_wait3A_564] : memref<3276800x128xf32, #tpu.memory_space<hbm>> -> memref<256x64xf32, #tpu.memory_space<hbm>>
    %dma_wait3A_566 = arith.constant 0 : i32
    %dma_wait3A_567 = tpu.memref_slice %arg4[%mul3A_558, %dma_wait3A_566] : memref<3276800x128xf32, #tpu.memory_space<hbm>> -> memref<256x64xf32, #tpu.memory_space<hbm>>
    %dma_wait3A_568 = arith.constant 0 : i32
    %dma_wait3A_569 = arith.constant 0 : i32
    %dma_wait3A_570 = tpu.memref_slice %arg6[%dma_wait3A_559, %dma_wait3A_568, %dma_wait3A_569] : memref<4x256x64xf32, #tpu.memory_space<vmem>> -> memref<1x256x64xf32, #tpu.memory_space<vmem>>
    %dma_wait3A_571 = tpu.memref_squeeze %dma_wait3A_570 : memref<1x256x64xf32, #tpu.memory_space<vmem>> -> memref<256x64xf32, #tpu.memory_space<vmem>>
    tpu.wait_dma2 semaphore(%arg14 : memref<!tpu.dma_semaphore, #tpu.memory_space<semaphore_mem>>) src(%dma_wait3A_571 : memref<256x64xf32, #tpu.memory_space<vmem>>) dst(%dma_wait3A_567 : memref<256x64xf32, #tpu.memory_space<hbm>>)
    %dma_start3A_572 = arith.constant 1 : i32
    %dma_start3A_573 = arith.constant 3 : i32
    %dma_start3A_574 = arith.constant 0 : i32
    %dma_start3A_575 = arith.constant 3 : i32
    %dma_start3A_576 = arith.constant 0 : i32
    %dma_start3A_577 = arith.constant 0 : i32
    %dma_start3A_578 = tpu.memref_slice %arg6[%dma_start3A_575, %dma_start3A_576, %dma_start3A_577] : memref<4x256x64xf32, #tpu.memory_space<vmem>> -> memref<1x128x64xf32, #tpu.memory_space<vmem>>
    %dma_start3A_579 = tpu.memref_squeeze %dma_start3A_578 : memref<1x128x64xf32, #tpu.memory_space<vmem>> -> memref<128x64xf32, #tpu.memory_space<vmem>>
    %dma_start3A_580 = arith.constant 0 : i32
    %dma_start3A_581 = tpu.memref_slice %arg5[%dma_start3A_572, %dma_start3A_573, %dma_start3A_574, %dma_start3A_580] : memref<2x4x2x128xi32, #tpu.memory_space<vmem>> -> memref<1x1x1x128xi32, #tpu.memory_space<vmem>>
    %dma_start3A_582 = tpu.memref_squeeze %dma_start3A_581 : memref<1x1x1x128xi32, #tpu.memory_space<vmem>> -> memref<128xi32, #tpu.memory_space<vmem>>
    %dma_start3A_583 = arith.constant 0 : i32
    %dma_start3A_584 = arith.constant 0 : i32
    %dma_start3A_585 = tpu.memref_slice %arg3[%dma_start3A_583, %dma_start3A_584] : memref<1000000x64xf32, #tpu.memory_space<hbm>> -> memref<1000000x64xf32, #tpu.memory_space<hbm>>
    tpu.enqueue_indirect_dma source(%dma_start3A_585 : memref<1000000x64xf32, #tpu.memory_space<hbm>>) target(%dma_start3A_579 : memref<128x64xf32, #tpu.memory_space<vmem>>) offsets(%dma_start3A_582 : memref<128xi32, #tpu.memory_space<vmem>>) semaphore(%arg10 : memref<!tpu.dma_semaphore, #tpu.memory_space<semaphore_mem>>)
    %dma_start3A_586 = arith.constant 1 : i32
    %dma_start3A_587 = arith.constant 3 : i32
    %dma_start3A_588 = arith.constant 1 : i32
    %dma_start3A_589 = arith.constant 3 : i32
    %dma_start3A_590 = arith.constant 128 : i32
    %dma_start3A_591 = arith.constant 0 : i32
    %dma_start3A_592 = tpu.memref_slice %arg6[%dma_start3A_589, %dma_start3A_590, %dma_start3A_591] : memref<4x256x64xf32, #tpu.memory_space<vmem>> -> memref<1x128x64xf32, #tpu.memory_space<vmem>>
    %dma_start3A_593 = tpu.memref_squeeze %dma_start3A_592 : memref<1x128x64xf32, #tpu.memory_space<vmem>> -> memref<128x64xf32, #tpu.memory_space<vmem>>
    %dma_start3A_594 = arith.constant 0 : i32
    %dma_start3A_595 = tpu.memref_slice %arg5[%dma_start3A_586, %dma_start3A_587, %dma_start3A_588, %dma_start3A_594] : memref<2x4x2x128xi32, #tpu.memory_space<vmem>> -> memref<1x1x1x128xi32, #tpu.memory_space<vmem>>
    %dma_start3A_596 = tpu.memref_squeeze %dma_start3A_595 : memref<1x1x1x128xi32, #tpu.memory_space<vmem>> -> memref<128xi32, #tpu.memory_space<vmem>>
    %dma_start3A_597 = arith.constant 0 : i32
    %dma_start3A_598 = arith.constant 0 : i32
    %dma_start3A_599 = tpu.memref_slice %arg3[%dma_start3A_597, %dma_start3A_598] : memref<1000000x64xf32, #tpu.memory_space<hbm>> -> memref<1000000x64xf32, #tpu.memory_space<hbm>>
    tpu.enqueue_indirect_dma source(%dma_start3A_599 : memref<1000000x64xf32, #tpu.memory_space<hbm>>) target(%dma_start3A_593 : memref<128x64xf32, #tpu.memory_space<vmem>>) offsets(%dma_start3A_596 : memref<128xi32, #tpu.memory_space<vmem>>) semaphore(%arg10 : memref<!tpu.dma_semaphore, #tpu.memory_space<semaphore_mem>>)
    %dma_wait3A_600 = arith.constant 1 : i32
    %dma_wait3A_601 = arith.constant 0 : i32
    %dma_wait3A_602 = arith.constant 0 : i32
    %dma_wait3A_603 = arith.constant 0 : i32
    %dma_wait3A_604 = arith.constant 0 : i32
    %dma_wait3A_605 = arith.constant 0 : i32
    %dma_wait3A_606 = tpu.memref_slice %arg6[%dma_wait3A_603, %dma_wait3A_604, %dma_wait3A_605] : memref<4x256x64xf32, #tpu.memory_space<vmem>> -> memref<1x128x64xf32, #tpu.memory_space<vmem>>
    %dma_wait3A_607 = tpu.memref_squeeze %dma_wait3A_606 : memref<1x128x64xf32, #tpu.memory_space<vmem>> -> memref<128x64xf32, #tpu.memory_space<vmem>>
    %dma_wait3A_608 = arith.constant 0 : i32
    %dma_wait3A_609 = tpu.memref_slice %arg5[%dma_wait3A_600, %dma_wait3A_601, %dma_wait3A_602, %dma_wait3A_608] : memref<2x4x2x128xi32, #tpu.memory_space<vmem>> -> memref<1x1x1x128xi32, #tpu.memory_space<vmem>>
    %dma_wait3A_610 = tpu.memref_squeeze %dma_wait3A_609 : memref<1x1x1x128xi32, #tpu.memory_space<vmem>> -> memref<128xi32, #tpu.memory_space<vmem>>
    %dma_wait3A_611 = arith.constant 0 : i32
    %dma_wait3A_612 = arith.constant 0 : i32
    %dma_wait3A_613 = tpu.memref_slice %arg3[%dma_wait3A_611, %dma_wait3A_612] : memref<1000000x64xf32, #tpu.memory_space<hbm>> -> memref<1000000x64xf32, #tpu.memory_space<hbm>>
    tpu.wait_indirect_dma semaphore(%arg7 : memref<!tpu.dma_semaphore, #tpu.memory_space<semaphore_mem>>) src(%dma_wait3A_613 : memref<1000000x64xf32, #tpu.memory_space<hbm>>) dst(%dma_wait3A_607 : memref<128x64xf32, #tpu.memory_space<vmem>>)
    %dma_wait3A_614 = arith.constant 1 : i32
    %dma_wait3A_615 = arith.constant 0 : i32
    %dma_wait3A_616 = arith.constant 1 : i32
    %dma_wait3A_617 = arith.constant 0 : i32
    %dma_wait3A_618 = arith.constant 128 : i32
    %dma_wait3A_619 = arith.constant 0 : i32
    %dma_wait3A_620 = tpu.memref_slice %arg6[%dma_wait3A_617, %dma_wait3A_618, %dma_wait3A_619] : memref<4x256x64xf32, #tpu.memory_space<vmem>> -> memref<1x128x64xf32, #tpu.memory_space<vmem>>
    %dma_wait3A_621 = tpu.memref_squeeze %dma_wait3A_620 : memref<1x128x64xf32, #tpu.memory_space<vmem>> -> memref<128x64xf32, #tpu.memory_space<vmem>>
    %dma_wait3A_622 = arith.constant 0 : i32
    %dma_wait3A_623 = tpu.memref_slice %arg5[%dma_wait3A_614, %dma_wait3A_615, %dma_wait3A_616, %dma_wait3A_622] : memref<2x4x2x128xi32, #tpu.memory_space<vmem>> -> memref<1x1x1x128xi32, #tpu.memory_space<vmem>>
    %dma_wait3A_624 = tpu.memref_squeeze %dma_wait3A_623 : memref<1x1x1x128xi32, #tpu.memory_space<vmem>> -> memref<128xi32, #tpu.memory_space<vmem>>
    %dma_wait3A_625 = arith.constant 0 : i32
    %dma_wait3A_626 = arith.constant 0 : i32
    %dma_wait3A_627 = tpu.memref_slice %arg3[%dma_wait3A_625, %dma_wait3A_626] : memref<1000000x64xf32, #tpu.memory_space<hbm>> -> memref<1000000x64xf32, #tpu.memory_space<hbm>>
    tpu.wait_indirect_dma semaphore(%arg7 : memref<!tpu.dma_semaphore, #tpu.memory_space<semaphore_mem>>) src(%dma_wait3A_627 : memref<1000000x64xf32, #tpu.memory_space<hbm>>) dst(%dma_wait3A_621 : memref<128x64xf32, #tpu.memory_space<vmem>>)
    %mul3A_628 = arith.constant 400 : i32
    %mul3A_629 = arith.muli %add3A, %mul3A_628 : i32
    %add3A_630 = arith.constant 4 : i32
    %add3A_631 = arith.addi %mul3A_629, %add3A_630 : i32
    %mul3A_632 = arith.constant 256 : i32
    %mul3A_633 = arith.muli %add3A_631, %mul3A_632 : i32
    %dma_start3A_634 = arith.constant 0 : i32
    %dma_start3A_635 = arith.constant 0 : i32
    %dma_start3A_636 = arith.constant 0 : i32
    %dma_start3A_637 = tpu.memref_slice %arg6[%dma_start3A_634, %dma_start3A_635, %dma_start3A_636] : memref<4x256x64xf32, #tpu.memory_space<vmem>> -> memref<1x256x64xf32, #tpu.memory_space<vmem>>
    %dma_start3A_638 = tpu.memref_squeeze %dma_start3A_637 : memref<1x256x64xf32, #tpu.memory_space<vmem>> -> memref<256x64xf32, #tpu.memory_space<vmem>>
    %dma_start3A_639 = arith.constant 0 : i32
    %dma_start3A_640 = tpu.memref_slice %arg4[%mul3A_633, %dma_start3A_639] : memref<3276800x128xf32, #tpu.memory_space<hbm>> -> memref<256x64xf32, #tpu.memory_space<hbm>>
    %dma_start3A_641 = arith.constant 0 : i32
    %dma_start3A_642 = tpu.memref_slice %arg4[%mul3A_633, %dma_start3A_641] : memref<3276800x128xf32, #tpu.memory_space<hbm>> -> memref<256x64xf32, #tpu.memory_space<hbm>>
    %dma_start3A_643 = arith.constant 0 : i32
    %dma_start3A_644 = arith.constant 0 : i32
    %dma_start3A_645 = tpu.memref_slice %arg6[%dma_start3A_634, %dma_start3A_643, %dma_start3A_644] : memref<4x256x64xf32, #tpu.memory_space<vmem>> -> memref<1x256x64xf32, #tpu.memory_space<vmem>>
    %dma_start3A_646 = tpu.memref_squeeze %dma_start3A_645 : memref<1x256x64xf32, #tpu.memory_space<vmem>> -> memref<256x64xf32, #tpu.memory_space<vmem>>
    tpu.enqueue_dma source(%dma_start3A_646 : memref<256x64xf32, #tpu.memory_space<vmem>>) target(%dma_start3A_642 : memref<256x64xf32, #tpu.memory_space<hbm>>) target_semaphore(%arg11 : memref<!tpu.dma_semaphore, #tpu.memory_space<semaphore_mem>>)
    %dma_wait3A_647 = arith.constant 1 : i32
    %dma_wait3A_648 = arith.constant 1 : i32
    %dma_wait3A_649 = arith.constant 0 : i32
    %dma_wait3A_650 = arith.constant 1 : i32
    %dma_wait3A_651 = arith.constant 0 : i32
    %dma_wait3A_652 = arith.constant 0 : i32
    %dma_wait3A_653 = tpu.memref_slice %arg6[%dma_wait3A_650, %dma_wait3A_651, %dma_wait3A_652] : memref<4x256x64xf32, #tpu.memory_space<vmem>> -> memref<1x128x64xf32, #tpu.memory_space<vmem>>
    %dma_wait3A_654 = tpu.memref_squeeze %dma_wait3A_653 : memref<1x128x64xf32, #tpu.memory_space<vmem>> -> memref<128x64xf32, #tpu.memory_space<vmem>>
    %dma_wait3A_655 = arith.constant 0 : i32
    %dma_wait3A_656 = tpu.memref_slice %arg5[%dma_wait3A_647, %dma_wait3A_648, %dma_wait3A_649, %dma_wait3A_655] : memref<2x4x2x128xi32, #tpu.memory_space<vmem>> -> memref<1x1x1x128xi32, #tpu.memory_space<vmem>>
    %dma_wait3A_657 = tpu.memref_squeeze %dma_wait3A_656 : memref<1x1x1x128xi32, #tpu.memory_space<vmem>> -> memref<128xi32, #tpu.memory_space<vmem>>
    %dma_wait3A_658 = arith.constant 0 : i32
    %dma_wait3A_659 = arith.constant 0 : i32
    %dma_wait3A_660 = tpu.memref_slice %arg3[%dma_wait3A_658, %dma_wait3A_659] : memref<1000000x64xf32, #tpu.memory_space<hbm>> -> memref<1000000x64xf32, #tpu.memory_space<hbm>>
    tpu.wait_indirect_dma semaphore(%arg8 : memref<!tpu.dma_semaphore, #tpu.memory_space<semaphore_mem>>) src(%dma_wait3A_660 : memref<1000000x64xf32, #tpu.memory_space<hbm>>) dst(%dma_wait3A_654 : memref<128x64xf32, #tpu.memory_space<vmem>>)
    %dma_wait3A_661 = arith.constant 1 : i32
    %dma_wait3A_662 = arith.constant 1 : i32
    %dma_wait3A_663 = arith.constant 1 : i32
    %dma_wait3A_664 = arith.constant 1 : i32
    %dma_wait3A_665 = arith.constant 128 : i32
    %dma_wait3A_666 = arith.constant 0 : i32
    %dma_wait3A_667 = tpu.memref_slice %arg6[%dma_wait3A_664, %dma_wait3A_665, %dma_wait3A_666] : memref<4x256x64xf32, #tpu.memory_space<vmem>> -> memref<1x128x64xf32, #tpu.memory_space<vmem>>
    %dma_wait3A_668 = tpu.memref_squeeze %dma_wait3A_667 : memref<1x128x64xf32, #tpu.memory_space<vmem>> -> memref<128x64xf32, #tpu.memory_space<vmem>>
    %dma_wait3A_669 = arith.constant 0 : i32
    %dma_wait3A_670 = tpu.memref_slice %arg5[%dma_wait3A_661, %dma_wait3A_662, %dma_wait3A_663, %dma_wait3A_669] : memref<2x4x2x128xi32, #tpu.memory_space<vmem>> -> memref<1x1x1x128xi32, #tpu.memory_space<vmem>>
    %dma_wait3A_671 = tpu.memref_squeeze %dma_wait3A_670 : memref<1x1x1x128xi32, #tpu.memory_space<vmem>> -> memref<128xi32, #tpu.memory_space<vmem>>
    %dma_wait3A_672 = arith.constant 0 : i32
    %dma_wait3A_673 = arith.constant 0 : i32
    %dma_wait3A_674 = tpu.memref_slice %arg3[%dma_wait3A_672, %dma_wait3A_673] : memref<1000000x64xf32, #tpu.memory_space<hbm>> -> memref<1000000x64xf32, #tpu.memory_space<hbm>>
    tpu.wait_indirect_dma semaphore(%arg8 : memref<!tpu.dma_semaphore, #tpu.memory_space<semaphore_mem>>) src(%dma_wait3A_674 : memref<1000000x64xf32, #tpu.memory_space<hbm>>) dst(%dma_wait3A_668 : memref<128x64xf32, #tpu.memory_space<vmem>>)
    %mul3A_675 = arith.constant 400 : i32
    %mul3A_676 = arith.muli %add3A, %mul3A_675 : i32
    %add3A_677 = arith.constant 5 : i32
    %add3A_678 = arith.addi %mul3A_676, %add3A_677 : i32
    %mul3A_679 = arith.constant 256 : i32
    %mul3A_680 = arith.muli %add3A_678, %mul3A_679 : i32
    %dma_start3A_681 = arith.constant 1 : i32
    %dma_start3A_682 = arith.constant 0 : i32
    %dma_start3A_683 = arith.constant 0 : i32
    %dma_start3A_684 = tpu.memref_slice %arg6[%dma_start3A_681, %dma_start3A_682, %dma_start3A_683] : memref<4x256x64xf32, #tpu.memory_space<vmem>> -> memref<1x256x64xf32, #tpu.memory_space<vmem>>
    %dma_start3A_685 = tpu.memref_squeeze %dma_start3A_684 : memref<1x256x64xf32, #tpu.memory_space<vmem>> -> memref<256x64xf32, #tpu.memory_space<vmem>>
    %dma_start3A_686 = arith.constant 0 : i32
    %dma_start3A_687 = tpu.memref_slice %arg4[%mul3A_680, %dma_start3A_686] : memref<3276800x128xf32, #tpu.memory_space<hbm>> -> memref<256x64xf32, #tpu.memory_space<hbm>>
    %dma_start3A_688 = arith.constant 0 : i32
    %dma_start3A_689 = tpu.memref_slice %arg4[%mul3A_680, %dma_start3A_688] : memref<3276800x128xf32, #tpu.memory_space<hbm>> -> memref<256x64xf32, #tpu.memory_space<hbm>>
    %dma_start3A_690 = arith.constant 0 : i32
    %dma_start3A_691 = arith.constant 0 : i32
    %dma_start3A_692 = tpu.memref_slice %arg6[%dma_start3A_681, %dma_start3A_690, %dma_start3A_691] : memref<4x256x64xf32, #tpu.memory_space<vmem>> -> memref<1x256x64xf32, #tpu.memory_space<vmem>>
    %dma_start3A_693 = tpu.memref_squeeze %dma_start3A_692 : memref<1x256x64xf32, #tpu.memory_space<vmem>> -> memref<256x64xf32, #tpu.memory_space<vmem>>
    tpu.enqueue_dma source(%dma_start3A_693 : memref<256x64xf32, #tpu.memory_space<vmem>>) target(%dma_start3A_689 : memref<256x64xf32, #tpu.memory_space<hbm>>) target_semaphore(%arg12 : memref<!tpu.dma_semaphore, #tpu.memory_space<semaphore_mem>>)
    %dma_wait3A_694 = arith.constant 1 : i32
    %dma_wait3A_695 = arith.constant 2 : i32
    %dma_wait3A_696 = arith.constant 0 : i32
    %dma_wait3A_697 = arith.constant 2 : i32
    %dma_wait3A_698 = arith.constant 0 : i32
    %dma_wait3A_699 = arith.constant 0 : i32
    %dma_wait3A_700 = tpu.memref_slice %arg6[%dma_wait3A_697, %dma_wait3A_698, %dma_wait3A_699] : memref<4x256x64xf32, #tpu.memory_space<vmem>> -> memref<1x128x64xf32, #tpu.memory_space<vmem>>
    %dma_wait3A_701 = tpu.memref_squeeze %dma_wait3A_700 : memref<1x128x64xf32, #tpu.memory_space<vmem>> -> memref<128x64xf32, #tpu.memory_space<vmem>>
    %dma_wait3A_702 = arith.constant 0 : i32
    %dma_wait3A_703 = tpu.memref_slice %arg5[%dma_wait3A_694, %dma_wait3A_695, %dma_wait3A_696, %dma_wait3A_702] : memref<2x4x2x128xi32, #tpu.memory_space<vmem>> -> memref<1x1x1x128xi32, #tpu.memory_space<vmem>>
    %dma_wait3A_704 = tpu.memref_squeeze %dma_wait3A_703 : memref<1x1x1x128xi32, #tpu.memory_space<vmem>> -> memref<128xi32, #tpu.memory_space<vmem>>
    %dma_wait3A_705 = arith.constant 0 : i32
    %dma_wait3A_706 = arith.constant 0 : i32
    %dma_wait3A_707 = tpu.memref_slice %arg3[%dma_wait3A_705, %dma_wait3A_706] : memref<1000000x64xf32, #tpu.memory_space<hbm>> -> memref<1000000x64xf32, #tpu.memory_space<hbm>>
    tpu.wait_indirect_dma semaphore(%arg9 : memref<!tpu.dma_semaphore, #tpu.memory_space<semaphore_mem>>) src(%dma_wait3A_707 : memref<1000000x64xf32, #tpu.memory_space<hbm>>) dst(%dma_wait3A_701 : memref<128x64xf32, #tpu.memory_space<vmem>>)
    %dma_wait3A_708 = arith.constant 1 : i32
    %dma_wait3A_709 = arith.constant 2 : i32
    %dma_wait3A_710 = arith.constant 1 : i32
    %dma_wait3A_711 = arith.constant 2 : i32
    %dma_wait3A_712 = arith.constant 128 : i32
    %dma_wait3A_713 = arith.constant 0 : i32
    %dma_wait3A_714 = tpu.memref_slice %arg6[%dma_wait3A_711, %dma_wait3A_712, %dma_wait3A_713] : memref<4x256x64xf32, #tpu.memory_space<vmem>> -> memref<1x128x64xf32, #tpu.memory_space<vmem>>
    %dma_wait3A_715 = tpu.memref_squeeze %dma_wait3A_714 : memref<1x128x64xf32, #tpu.memory_space<vmem>> -> memref<128x64xf32, #tpu.memory_space<vmem>>
    %dma_wait3A_716 = arith.constant 0 : i32
    %dma_wait3A_717 = tpu.memref_slice %arg5[%dma_wait3A_708, %dma_wait3A_709, %dma_wait3A_710, %dma_wait3A_716] : memref<2x4x2x128xi32, #tpu.memory_space<vmem>> -> memref<1x1x1x128xi32, #tpu.memory_space<vmem>>
    %dma_wait3A_718 = tpu.memref_squeeze %dma_wait3A_717 : memref<1x1x1x128xi32, #tpu.memory_space<vmem>> -> memref<128xi32, #tpu.memory_space<vmem>>
    %dma_wait3A_719 = arith.constant 0 : i32
    %dma_wait3A_720 = arith.constant 0 : i32
    %dma_wait3A_721 = tpu.memref_slice %arg3[%dma_wait3A_719, %dma_wait3A_720] : memref<1000000x64xf32, #tpu.memory_space<hbm>> -> memref<1000000x64xf32, #tpu.memory_space<hbm>>
    tpu.wait_indirect_dma semaphore(%arg9 : memref<!tpu.dma_semaphore, #tpu.memory_space<semaphore_mem>>) src(%dma_wait3A_721 : memref<1000000x64xf32, #tpu.memory_space<hbm>>) dst(%dma_wait3A_715 : memref<128x64xf32, #tpu.memory_space<vmem>>)
    %mul3A_722 = arith.constant 400 : i32
    %mul3A_723 = arith.muli %add3A, %mul3A_722 : i32
    %add3A_724 = arith.constant 6 : i32
    %add3A_725 = arith.addi %mul3A_723, %add3A_724 : i32
    %mul3A_726 = arith.constant 256 : i32
    %mul3A_727 = arith.muli %add3A_725, %mul3A_726 : i32
    %dma_start3A_728 = arith.constant 2 : i32
    %dma_start3A_729 = arith.constant 0 : i32
    %dma_start3A_730 = arith.constant 0 : i32
    %dma_start3A_731 = tpu.memref_slice %arg6[%dma_start3A_728, %dma_start3A_729, %dma_start3A_730] : memref<4x256x64xf32, #tpu.memory_space<vmem>> -> memref<1x256x64xf32, #tpu.memory_space<vmem>>
    %dma_start3A_732 = tpu.memref_squeeze %dma_start3A_731 : memref<1x256x64xf32, #tpu.memory_space<vmem>> -> memref<256x64xf32, #tpu.memory_space<vmem>>
    %dma_start3A_733 = arith.constant 0 : i32
    %dma_start3A_734 = tpu.memref_slice %arg4[%mul3A_727, %dma_start3A_733] : memref<3276800x128xf32, #tpu.memory_space<hbm>> -> memref<256x64xf32, #tpu.memory_space<hbm>>
    %dma_start3A_735 = arith.constant 0 : i32
    %dma_start3A_736 = tpu.memref_slice %arg4[%mul3A_727, %dma_start3A_735] : memref<3276800x128xf32, #tpu.memory_space<hbm>> -> memref<256x64xf32, #tpu.memory_space<hbm>>
    %dma_start3A_737 = arith.constant 0 : i32
    %dma_start3A_738 = arith.constant 0 : i32
    %dma_start3A_739 = tpu.memref_slice %arg6[%dma_start3A_728, %dma_start3A_737, %dma_start3A_738] : memref<4x256x64xf32, #tpu.memory_space<vmem>> -> memref<1x256x64xf32, #tpu.memory_space<vmem>>
    %dma_start3A_740 = tpu.memref_squeeze %dma_start3A_739 : memref<1x256x64xf32, #tpu.memory_space<vmem>> -> memref<256x64xf32, #tpu.memory_space<vmem>>
    tpu.enqueue_dma source(%dma_start3A_740 : memref<256x64xf32, #tpu.memory_space<vmem>>) target(%dma_start3A_736 : memref<256x64xf32, #tpu.memory_space<hbm>>) target_semaphore(%arg13 : memref<!tpu.dma_semaphore, #tpu.memory_space<semaphore_mem>>)
    %dma_wait3A_741 = arith.constant 1 : i32
    %dma_wait3A_742 = arith.constant 3 : i32
    %dma_wait3A_743 = arith.constant 0 : i32
    %dma_wait3A_744 = arith.constant 3 : i32
    %dma_wait3A_745 = arith.constant 0 : i32
    %dma_wait3A_746 = arith.constant 0 : i32
    %dma_wait3A_747 = tpu.memref_slice %arg6[%dma_wait3A_744, %dma_wait3A_745, %dma_wait3A_746] : memref<4x256x64xf32, #tpu.memory_space<vmem>> -> memref<1x128x64xf32, #tpu.memory_space<vmem>>
    %dma_wait3A_748 = tpu.memref_squeeze %dma_wait3A_747 : memref<1x128x64xf32, #tpu.memory_space<vmem>> -> memref<128x64xf32, #tpu.memory_space<vmem>>
    %dma_wait3A_749 = arith.constant 0 : i32
    %dma_wait3A_750 = tpu.memref_slice %arg5[%dma_wait3A_741, %dma_wait3A_742, %dma_wait3A_743, %dma_wait3A_749] : memref<2x4x2x128xi32, #tpu.memory_space<vmem>> -> memref<1x1x1x128xi32, #tpu.memory_space<vmem>>
    %dma_wait3A_751 = tpu.memref_squeeze %dma_wait3A_750 : memref<1x1x1x128xi32, #tpu.memory_space<vmem>> -> memref<128xi32, #tpu.memory_space<vmem>>
    %dma_wait3A_752 = arith.constant 0 : i32
    %dma_wait3A_753 = arith.constant 0 : i32
    %dma_wait3A_754 = tpu.memref_slice %arg3[%dma_wait3A_752, %dma_wait3A_753] : memref<1000000x64xf32, #tpu.memory_space<hbm>> -> memref<1000000x64xf32, #tpu.memory_space<hbm>>
    tpu.wait_indirect_dma semaphore(%arg10 : memref<!tpu.dma_semaphore, #tpu.memory_space<semaphore_mem>>) src(%dma_wait3A_754 : memref<1000000x64xf32, #tpu.memory_space<hbm>>) dst(%dma_wait3A_748 : memref<128x64xf32, #tpu.memory_space<vmem>>)
    %dma_wait3A_755 = arith.constant 1 : i32
    %dma_wait3A_756 = arith.constant 3 : i32
    %dma_wait3A_757 = arith.constant 1 : i32
    %dma_wait3A_758 = arith.constant 3 : i32
    %dma_wait3A_759 = arith.constant 128 : i32
    %dma_wait3A_760 = arith.constant 0 : i32
    %dma_wait3A_761 = tpu.memref_slice %arg6[%dma_wait3A_758, %dma_wait3A_759, %dma_wait3A_760] : memref<4x256x64xf32, #tpu.memory_space<vmem>> -> memref<1x128x64xf32, #tpu.memory_space<vmem>>
    %dma_wait3A_762 = tpu.memref_squeeze %dma_wait3A_761 : memref<1x128x64xf32, #tpu.memory_space<vmem>> -> memref<128x64xf32, #tpu.memory_space<vmem>>
    %dma_wait3A_763 = arith.constant 0 : i32
    %dma_wait3A_764 = tpu.memref_slice %arg5[%dma_wait3A_755, %dma_wait3A_756, %dma_wait3A_757, %dma_wait3A_763] : memref<2x4x2x128xi32, #tpu.memory_space<vmem>> -> memref<1x1x1x128xi32, #tpu.memory_space<vmem>>
    %dma_wait3A_765 = tpu.memref_squeeze %dma_wait3A_764 : memref<1x1x1x128xi32, #tpu.memory_space<vmem>> -> memref<128xi32, #tpu.memory_space<vmem>>
    %dma_wait3A_766 = arith.constant 0 : i32
    %dma_wait3A_767 = arith.constant 0 : i32
    %dma_wait3A_768 = tpu.memref_slice %arg3[%dma_wait3A_766, %dma_wait3A_767] : memref<1000000x64xf32, #tpu.memory_space<hbm>> -> memref<1000000x64xf32, #tpu.memory_space<hbm>>
    tpu.wait_indirect_dma semaphore(%arg10 : memref<!tpu.dma_semaphore, #tpu.memory_space<semaphore_mem>>) src(%dma_wait3A_768 : memref<1000000x64xf32, #tpu.memory_space<hbm>>) dst(%dma_wait3A_762 : memref<128x64xf32, #tpu.memory_space<vmem>>)
    %mul3A_769 = arith.constant 400 : i32
    %mul3A_770 = arith.muli %add3A, %mul3A_769 : i32
    %add3A_771 = arith.constant 7 : i32
    %add3A_772 = arith.addi %mul3A_770, %add3A_771 : i32
    %mul3A_773 = arith.constant 256 : i32
    %mul3A_774 = arith.muli %add3A_772, %mul3A_773 : i32
    %dma_start3A_775 = arith.constant 3 : i32
    %dma_start3A_776 = arith.constant 0 : i32
    %dma_start3A_777 = arith.constant 0 : i32
    %dma_start3A_778 = tpu.memref_slice %arg6[%dma_start3A_775, %dma_start3A_776, %dma_start3A_777] : memref<4x256x64xf32, #tpu.memory_space<vmem>> -> memref<1x256x64xf32, #tpu.memory_space<vmem>>
    %dma_start3A_779 = tpu.memref_squeeze %dma_start3A_778 : memref<1x256x64xf32, #tpu.memory_space<vmem>> -> memref<256x64xf32, #tpu.memory_space<vmem>>
    %dma_start3A_780 = arith.constant 0 : i32
    %dma_start3A_781 = tpu.memref_slice %arg4[%mul3A_774, %dma_start3A_780] : memref<3276800x128xf32, #tpu.memory_space<hbm>> -> memref<256x64xf32, #tpu.memory_space<hbm>>
    %dma_start3A_782 = arith.constant 0 : i32
    %dma_start3A_783 = tpu.memref_slice %arg4[%mul3A_774, %dma_start3A_782] : memref<3276800x128xf32, #tpu.memory_space<hbm>> -> memref<256x64xf32, #tpu.memory_space<hbm>>
    %dma_start3A_784 = arith.constant 0 : i32
    %dma_start3A_785 = arith.constant 0 : i32
    %dma_start3A_786 = tpu.memref_slice %arg6[%dma_start3A_775, %dma_start3A_784, %dma_start3A_785] : memref<4x256x64xf32, #tpu.memory_space<vmem>> -> memref<1x256x64xf32, #tpu.memory_space<vmem>>
    %dma_start3A_787 = tpu.memref_squeeze %dma_start3A_786 : memref<1x256x64xf32, #tpu.memory_space<vmem>> -> memref<256x64xf32, #tpu.memory_space<vmem>>
    tpu.enqueue_dma source(%dma_start3A_787 : memref<256x64xf32, #tpu.memory_space<vmem>>) target(%dma_start3A_783 : memref<256x64xf32, #tpu.memory_space<hbm>>) target_semaphore(%arg14 : memref<!tpu.dma_semaphore, #tpu.memory_space<semaphore_mem>>)
    %scan3A = arith.constant 0 : i32
    %scan3A_788 = arith.constant 1 : i32
    %scan3A_789 = arith.constant 49 : i32
    %scan3A_790 = arith.addi %scan3A_788, %scan3A_789 : i32
    %scan3A_791 = arith.constant 1 : i32
    scf.for %scan3A_891 = %scan3A_788 to %scan3A_790 step %scan3A_791  : i32 {
      %mul3A_892 = arith.constant 2 : i32
      %mul3A_893 = arith.muli %mul3A_892, %scan3A_891 : i32
      %dma_wait3A_894 = arith.constant 0 : i32
      %dma_wait3A_895 = arith.constant 0 : i32
      %dma_wait3A_896 = arith.constant 0 : i32
      %dma_wait3A_897 = arith.constant 0 : i32
      %dma_wait3A_898 = tpu.memref_slice %arg5[%dma_wait3A_894, %dma_wait3A_895, %dma_wait3A_896, %dma_wait3A_897] : memref<2x4x2x128xi32, #tpu.memory_space<vmem>> -> memref<1x4x2x128xi32, #tpu.memory_space<vmem>>
      %dma_wait3A_899 = tpu.memref_squeeze %dma_wait3A_898 : memref<1x4x2x128xi32, #tpu.memory_space<vmem>> -> memref<4x2x128xi32, #tpu.memory_space<vmem>>
      %dma_wait3A_900 = arith.constant 0 : i32
      %dma_wait3A_901 = arith.constant 0 : i32
      %dma_wait3A_902 = arith.constant 0 : i32
      %dma_wait3A_903 = tpu.memref_slice %arg2[%add3A, %mul3A_893, %dma_wait3A_900, %dma_wait3A_901, %dma_wait3A_902] : memref<32x100x4x2x128xi32, #tpu.memory_space<hbm>> -> memref<1x1x4x2x128xi32, #tpu.memory_space<hbm>>
      %dma_wait3A_904 = tpu.memref_squeeze %dma_wait3A_903 : memref<1x1x4x2x128xi32, #tpu.memory_space<hbm>> -> memref<4x2x128xi32, #tpu.memory_space<hbm>>
      %dma_wait3A_905 = arith.constant 0 : i32
      %dma_wait3A_906 = arith.constant 0 : i32
      %dma_wait3A_907 = arith.constant 0 : i32
      %dma_wait3A_908 = tpu.memref_slice %arg5[%dma_wait3A_894, %dma_wait3A_905, %dma_wait3A_906, %dma_wait3A_907] : memref<2x4x2x128xi32, #tpu.memory_space<vmem>> -> memref<1x4x2x128xi32, #tpu.memory_space<vmem>>
      %dma_wait3A_909 = tpu.memref_squeeze %dma_wait3A_908 : memref<1x4x2x128xi32, #tpu.memory_space<vmem>> -> memref<4x2x128xi32, #tpu.memory_space<vmem>>
      %dma_wait3A_910 = arith.constant 0 : i32
      %dma_wait3A_911 = arith.constant 0 : i32
      %dma_wait3A_912 = arith.constant 0 : i32
      %dma_wait3A_913 = tpu.memref_slice %arg2[%add3A, %mul3A_893, %dma_wait3A_910, %dma_wait3A_911, %dma_wait3A_912] : memref<32x100x4x2x128xi32, #tpu.memory_space<hbm>> -> memref<1x1x4x2x128xi32, #tpu.memory_space<hbm>>
      %dma_wait3A_914 = tpu.memref_squeeze %dma_wait3A_913 : memref<1x1x4x2x128xi32, #tpu.memory_space<hbm>> -> memref<4x2x128xi32, #tpu.memory_space<hbm>>
      tpu.wait_dma2 semaphore(%arg15 : memref<!tpu.dma_semaphore, #tpu.memory_space<semaphore_mem>>) src(%dma_wait3A_914 : memref<4x2x128xi32, #tpu.memory_space<hbm>>) dst(%dma_wait3A_909 : memref<4x2x128xi32, #tpu.memory_space<vmem>>)
      %add3A_915 = arith.constant 1 : i32
      %add3A_916 = arith.addi %mul3A_893, %add3A_915 : i32
      %min3A_917 = arith.constant 99 : i32
      %min3A_918 = arith.minsi %add3A_916, %min3A_917 : i32
      %dma_start3A_919 = arith.constant 1 : i32
      %dma_start3A_920 = arith.constant 0 : i32
      %dma_start3A_921 = arith.constant 0 : i32
      %dma_start3A_922 = arith.constant 0 : i32
      %dma_start3A_923 = tpu.memref_slice %arg5[%dma_start3A_919, %dma_start3A_920, %dma_start3A_921, %dma_start3A_922] : memref<2x4x2x128xi32, #tpu.memory_space<vmem>> -> memref<1x4x2x128xi32, #tpu.memory_space<vmem>>
      %dma_start3A_924 = tpu.memref_squeeze %dma_start3A_923 : memref<1x4x2x128xi32, #tpu.memory_space<vmem>> -> memref<4x2x128xi32, #tpu.memory_space<vmem>>
      %dma_start3A_925 = arith.constant 0 : i32
      %dma_start3A_926 = arith.constant 0 : i32
      %dma_start3A_927 = arith.constant 0 : i32
      %dma_start3A_928 = tpu.memref_slice %arg2[%add3A, %min3A_918, %dma_start3A_925, %dma_start3A_926, %dma_start3A_927] : memref<32x100x4x2x128xi32, #tpu.memory_space<hbm>> -> memref<1x1x4x2x128xi32, #tpu.memory_space<hbm>>
      %dma_start3A_929 = tpu.memref_squeeze %dma_start3A_928 : memref<1x1x4x2x128xi32, #tpu.memory_space<hbm>> -> memref<4x2x128xi32, #tpu.memory_space<hbm>>
      %dma_start3A_930 = arith.constant 0 : i32
      %dma_start3A_931 = arith.constant 0 : i32
      %dma_start3A_932 = arith.constant 0 : i32
      %dma_start3A_933 = tpu.memref_slice %arg5[%dma_start3A_919, %dma_start3A_930, %dma_start3A_931, %dma_start3A_932] : memref<2x4x2x128xi32, #tpu.memory_space<vmem>> -> memref<1x4x2x128xi32, #tpu.memory_space<vmem>>
      %dma_start3A_934 = tpu.memref_squeeze %dma_start3A_933 : memref<1x4x2x128xi32, #tpu.memory_space<vmem>> -> memref<4x2x128xi32, #tpu.memory_space<vmem>>
      %dma_start3A_935 = arith.constant 0 : i32
      %dma_start3A_936 = arith.constant 0 : i32
      %dma_start3A_937 = arith.constant 0 : i32
      %dma_start3A_938 = tpu.memref_slice %arg2[%add3A, %min3A_918, %dma_start3A_935, %dma_start3A_936, %dma_start3A_937] : memref<32x100x4x2x128xi32, #tpu.memory_space<hbm>> -> memref<1x1x4x2x128xi32, #tpu.memory_space<hbm>>
      %dma_start3A_939 = tpu.memref_squeeze %dma_start3A_938 : memref<1x1x4x2x128xi32, #tpu.memory_space<hbm>> -> memref<4x2x128xi32, #tpu.memory_space<hbm>>
      tpu.enqueue_dma source(%dma_start3A_939 : memref<4x2x128xi32, #tpu.memory_space<hbm>>) target(%dma_start3A_934 : memref<4x2x128xi32, #tpu.memory_space<vmem>>) target_semaphore(%arg16 : memref<!tpu.dma_semaphore, #tpu.memory_space<semaphore_mem>>)
      %mul3A_940 = arith.constant 4 : i32
      %mul3A_941 = arith.muli %mul3A_893, %mul3A_940 : i32
      %sub3A = arith.constant 4 : i32
      %sub3A_942 = arith.subi %mul3A_941, %sub3A : i32
      %add3A_943 = arith.constant 0 : i32
      %add3A_944 = arith.addi %sub3A_942, %add3A_943 : i32
      %mul3A_945 = arith.constant 400 : i32
      %mul3A_946 = arith.muli %add3A, %mul3A_945 : i32
      %add3A_947 = arith.addi %mul3A_946, %add3A_944 : i32
      %mul3A_948 = arith.constant 256 : i32
      %mul3A_949 = arith.muli %add3A_947, %mul3A_948 : i32
      %dma_wait3A_950 = arith.constant 0 : i32
      %dma_wait3A_951 = arith.constant 0 : i32
      %dma_wait3A_952 = arith.constant 0 : i32
      %dma_wait3A_953 = tpu.memref_slice %arg6[%dma_wait3A_950, %dma_wait3A_951, %dma_wait3A_952] : memref<4x256x64xf32, #tpu.memory_space<vmem>> -> memref<1x256x64xf32, #tpu.memory_space<vmem>>
      %dma_wait3A_954 = tpu.memref_squeeze %dma_wait3A_953 : memref<1x256x64xf32, #tpu.memory_space<vmem>> -> memref<256x64xf32, #tpu.memory_space<vmem>>
      %dma_wait3A_955 = arith.constant 0 : i32
      %dma_wait3A_956 = tpu.memref_slice %arg4[%mul3A_949, %dma_wait3A_955] : memref<3276800x128xf32, #tpu.memory_space<hbm>> -> memref<256x64xf32, #tpu.memory_space<hbm>>
      %dma_wait3A_957 = arith.constant 0 : i32
      %dma_wait3A_958 = tpu.memref_slice %arg4[%mul3A_949, %dma_wait3A_957] : memref<3276800x128xf32, #tpu.memory_space<hbm>> -> memref<256x64xf32, #tpu.memory_space<hbm>>
      %dma_wait3A_959 = arith.constant 0 : i32
      %dma_wait3A_960 = arith.constant 0 : i32
      %dma_wait3A_961 = tpu.memref_slice %arg6[%dma_wait3A_950, %dma_wait3A_959, %dma_wait3A_960] : memref<4x256x64xf32, #tpu.memory_space<vmem>> -> memref<1x256x64xf32, #tpu.memory_space<vmem>>
      %dma_wait3A_962 = tpu.memref_squeeze %dma_wait3A_961 : memref<1x256x64xf32, #tpu.memory_space<vmem>> -> memref<256x64xf32, #tpu.memory_space<vmem>>
      tpu.wait_dma2 semaphore(%arg11 : memref<!tpu.dma_semaphore, #tpu.memory_space<semaphore_mem>>) src(%dma_wait3A_962 : memref<256x64xf32, #tpu.memory_space<vmem>>) dst(%dma_wait3A_958 : memref<256x64xf32, #tpu.memory_space<hbm>>)
      %dma_start3A_963 = arith.constant 0 : i32
      %dma_start3A_964 = arith.constant 0 : i32
      %dma_start3A_965 = arith.constant 0 : i32
      %dma_start3A_966 = arith.constant 0 : i32
      %dma_start3A_967 = arith.constant 0 : i32
      %dma_start3A_968 = arith.constant 0 : i32
      %dma_start3A_969 = tpu.memref_slice %arg6[%dma_start3A_966, %dma_start3A_967, %dma_start3A_968] : memref<4x256x64xf32, #tpu.memory_space<vmem>> -> memref<1x128x64xf32, #tpu.memory_space<vmem>>
      %dma_start3A_970 = tpu.memref_squeeze %dma_start3A_969 : memref<1x128x64xf32, #tpu.memory_space<vmem>> -> memref<128x64xf32, #tpu.memory_space<vmem>>
      %dma_start3A_971 = arith.constant 0 : i32
      %dma_start3A_972 = tpu.memref_slice %arg5[%dma_start3A_963, %dma_start3A_964, %dma_start3A_965, %dma_start3A_971] : memref<2x4x2x128xi32, #tpu.memory_space<vmem>> -> memref<1x1x1x128xi32, #tpu.memory_space<vmem>>
      %dma_start3A_973 = tpu.memref_squeeze %dma_start3A_972 : memref<1x1x1x128xi32, #tpu.memory_space<vmem>> -> memref<128xi32, #tpu.memory_space<vmem>>
      %dma_start3A_974 = arith.constant 0 : i32
      %dma_start3A_975 = arith.constant 0 : i32
      %dma_start3A_976 = tpu.memref_slice %arg3[%dma_start3A_974, %dma_start3A_975] : memref<1000000x64xf32, #tpu.memory_space<hbm>> -> memref<1000000x64xf32, #tpu.memory_space<hbm>>
      tpu.enqueue_indirect_dma source(%dma_start3A_976 : memref<1000000x64xf32, #tpu.memory_space<hbm>>) target(%dma_start3A_970 : memref<128x64xf32, #tpu.memory_space<vmem>>) offsets(%dma_start3A_973 : memref<128xi32, #tpu.memory_space<vmem>>) semaphore(%arg7 : memref<!tpu.dma_semaphore, #tpu.memory_space<semaphore_mem>>)
      %dma_start3A_977 = arith.constant 0 : i32
      %dma_start3A_978 = arith.constant 0 : i32
      %dma_start3A_979 = arith.constant 1 : i32
      %dma_start3A_980 = arith.constant 0 : i32
      %dma_start3A_981 = arith.constant 128 : i32
      %dma_start3A_982 = arith.constant 0 : i32
      %dma_start3A_983 = tpu.memref_slice %arg6[%dma_start3A_980, %dma_start3A_981, %dma_start3A_982] : memref<4x256x64xf32, #tpu.memory_space<vmem>> -> memref<1x128x64xf32, #tpu.memory_space<vmem>>
      %dma_start3A_984 = tpu.memref_squeeze %dma_start3A_983 : memref<1x128x64xf32, #tpu.memory_space<vmem>> -> memref<128x64xf32, #tpu.memory_space<vmem>>
      %dma_start3A_985 = arith.constant 0 : i32
      %dma_start3A_986 = tpu.memref_slice %arg5[%dma_start3A_977, %dma_start3A_978, %dma_start3A_979, %dma_start3A_985] : memref<2x4x2x128xi32, #tpu.memory_space<vmem>> -> memref<1x1x1x128xi32, #tpu.memory_space<vmem>>
      %dma_start3A_987 = tpu.memref_squeeze %dma_start3A_986 : memref<1x1x1x128xi32, #tpu.memory_space<vmem>> -> memref<128xi32, #tpu.memory_space<vmem>>
      %dma_start3A_988 = arith.constant 0 : i32
      %dma_start3A_989 = arith.constant 0 : i32
      %dma_start3A_990 = tpu.memref_slice %arg3[%dma_start3A_988, %dma_start3A_989] : memref<1000000x64xf32, #tpu.memory_space<hbm>> -> memref<1000000x64xf32, #tpu.memory_space<hbm>>
      tpu.enqueue_indirect_dma source(%dma_start3A_990 : memref<1000000x64xf32, #tpu.memory_space<hbm>>) target(%dma_start3A_984 : memref<128x64xf32, #tpu.memory_space<vmem>>) offsets(%dma_start3A_987 : memref<128xi32, #tpu.memory_space<vmem>>) semaphore(%arg7 : memref<!tpu.dma_semaphore, #tpu.memory_space<semaphore_mem>>)
      %sub3A_991 = arith.constant 4 : i32
      %sub3A_992 = arith.subi %mul3A_941, %sub3A_991 : i32
      %add3A_993 = arith.constant 1 : i32
      %add3A_994 = arith.addi %sub3A_992, %add3A_993 : i32
      %mul3A_995 = arith.constant 400 : i32
      %mul3A_996 = arith.muli %add3A, %mul3A_995 : i32
      %add3A_997 = arith.addi %mul3A_996, %add3A_994 : i32
      %mul3A_998 = arith.constant 256 : i32
      %mul3A_999 = arith.muli %add3A_997, %mul3A_998 : i32
      %dma_wait3A_1000 = arith.constant 1 : i32
      %dma_wait3A_1001 = arith.constant 0 : i32
      %dma_wait3A_1002 = arith.constant 0 : i32
      %dma_wait3A_1003 = tpu.memref_slice %arg6[%dma_wait3A_1000, %dma_wait3A_1001, %dma_wait3A_1002] : memref<4x256x64xf32, #tpu.memory_space<vmem>> -> memref<1x256x64xf32, #tpu.memory_space<vmem>>
      %dma_wait3A_1004 = tpu.memref_squeeze %dma_wait3A_1003 : memref<1x256x64xf32, #tpu.memory_space<vmem>> -> memref<256x64xf32, #tpu.memory_space<vmem>>
      %dma_wait3A_1005 = arith.constant 0 : i32
      %dma_wait3A_1006 = tpu.memref_slice %arg4[%mul3A_999, %dma_wait3A_1005] : memref<3276800x128xf32, #tpu.memory_space<hbm>> -> memref<256x64xf32, #tpu.memory_space<hbm>>
      %dma_wait3A_1007 = arith.constant 0 : i32
      %dma_wait3A_1008 = tpu.memref_slice %arg4[%mul3A_999, %dma_wait3A_1007] : memref<3276800x128xf32, #tpu.memory_space<hbm>> -> memref<256x64xf32, #tpu.memory_space<hbm>>
      %dma_wait3A_1009 = arith.constant 0 : i32
      %dma_wait3A_1010 = arith.constant 0 : i32
      %dma_wait3A_1011 = tpu.memref_slice %arg6[%dma_wait3A_1000, %dma_wait3A_1009, %dma_wait3A_1010] : memref<4x256x64xf32, #tpu.memory_space<vmem>> -> memref<1x256x64xf32, #tpu.memory_space<vmem>>
      %dma_wait3A_1012 = tpu.memref_squeeze %dma_wait3A_1011 : memref<1x256x64xf32, #tpu.memory_space<vmem>> -> memref<256x64xf32, #tpu.memory_space<vmem>>
      tpu.wait_dma2 semaphore(%arg12 : memref<!tpu.dma_semaphore, #tpu.memory_space<semaphore_mem>>) src(%dma_wait3A_1012 : memref<256x64xf32, #tpu.memory_space<vmem>>) dst(%dma_wait3A_1008 : memref<256x64xf32, #tpu.memory_space<hbm>>)
      %dma_start3A_1013 = arith.constant 0 : i32
      %dma_start3A_1014 = arith.constant 1 : i32
      %dma_start3A_1015 = arith.constant 0 : i32
      %dma_start3A_1016 = arith.constant 1 : i32
      %dma_start3A_1017 = arith.constant 0 : i32
      %dma_start3A_1018 = arith.constant 0 : i32
      %dma_start3A_1019 = tpu.memref_slice %arg6[%dma_start3A_1016, %dma_start3A_1017, %dma_start3A_1018] : memref<4x256x64xf32, #tpu.memory_space<vmem>> -> memref<1x128x64xf32, #tpu.memory_space<vmem>>
      %dma_start3A_1020 = tpu.memref_squeeze %dma_start3A_1019 : memref<1x128x64xf32, #tpu.memory_space<vmem>> -> memref<128x64xf32, #tpu.memory_space<vmem>>
      %dma_start3A_1021 = arith.constant 0 : i32
      %dma_start3A_1022 = tpu.memref_slice %arg5[%dma_start3A_1013, %dma_start3A_1014, %dma_start3A_1015, %dma_start3A_1021] : memref<2x4x2x128xi32, #tpu.memory_space<vmem>> -> memref<1x1x1x128xi32, #tpu.memory_space<vmem>>
      %dma_start3A_1023 = tpu.memref_squeeze %dma_start3A_1022 : memref<1x1x1x128xi32, #tpu.memory_space<vmem>> -> memref<128xi32, #tpu.memory_space<vmem>>
      %dma_start3A_1024 = arith.constant 0 : i32
      %dma_start3A_1025 = arith.constant 0 : i32
      %dma_start3A_1026 = tpu.memref_slice %arg3[%dma_start3A_1024, %dma_start3A_1025] : memref<1000000x64xf32, #tpu.memory_space<hbm>> -> memref<1000000x64xf32, #tpu.memory_space<hbm>>
      tpu.enqueue_indirect_dma source(%dma_start3A_1026 : memref<1000000x64xf32, #tpu.memory_space<hbm>>) target(%dma_start3A_1020 : memref<128x64xf32, #tpu.memory_space<vmem>>) offsets(%dma_start3A_1023 : memref<128xi32, #tpu.memory_space<vmem>>) semaphore(%arg8 : memref<!tpu.dma_semaphore, #tpu.memory_space<semaphore_mem>>)
      %dma_start3A_1027 = arith.constant 0 : i32
      %dma_start3A_1028 = arith.constant 1 : i32
      %dma_start3A_1029 = arith.constant 1 : i32
      %dma_start3A_1030 = arith.constant 1 : i32
      %dma_start3A_1031 = arith.constant 128 : i32
      %dma_start3A_1032 = arith.constant 0 : i32
      %dma_start3A_1033 = tpu.memref_slice %arg6[%dma_start3A_1030, %dma_start3A_1031, %dma_start3A_1032] : memref<4x256x64xf32, #tpu.memory_space<vmem>> -> memref<1x128x64xf32, #tpu.memory_space<vmem>>
      %dma_start3A_1034 = tpu.memref_squeeze %dma_start3A_1033 : memref<1x128x64xf32, #tpu.memory_space<vmem>> -> memref<128x64xf32, #tpu.memory_space<vmem>>
      %dma_start3A_1035 = arith.constant 0 : i32
      %dma_start3A_1036 = tpu.memref_slice %arg5[%dma_start3A_1027, %dma_start3A_1028, %dma_start3A_1029, %dma_start3A_1035] : memref<2x4x2x128xi32, #tpu.memory_space<vmem>> -> memref<1x1x1x128xi32, #tpu.memory_space<vmem>>
      %dma_start3A_1037 = tpu.memref_squeeze %dma_start3A_1036 : memref<1x1x1x128xi32, #tpu.memory_space<vmem>> -> memref<128xi32, #tpu.memory_space<vmem>>
      %dma_start3A_1038 = arith.constant 0 : i32
      %dma_start3A_1039 = arith.constant 0 : i32
      %dma_start3A_1040 = tpu.memref_slice %arg3[%dma_start3A_1038, %dma_start3A_1039] : memref<1000000x64xf32, #tpu.memory_space<hbm>> -> memref<1000000x64xf32, #tpu.memory_space<hbm>>
      tpu.enqueue_indirect_dma source(%dma_start3A_1040 : memref<1000000x64xf32, #tpu.memory_space<hbm>>) target(%dma_start3A_1034 : memref<128x64xf32, #tpu.memory_space<vmem>>) offsets(%dma_start3A_1037 : memref<128xi32, #tpu.memory_space<vmem>>) semaphore(%arg8 : memref<!tpu.dma_semaphore, #tpu.memory_space<semaphore_mem>>)
      %sub3A_1041 = arith.constant 4 : i32
      %sub3A_1042 = arith.subi %mul3A_941, %sub3A_1041 : i32
      %add3A_1043 = arith.constant 2 : i32
      %add3A_1044 = arith.addi %sub3A_1042, %add3A_1043 : i32
      %mul3A_1045 = arith.constant 400 : i32
      %mul3A_1046 = arith.muli %add3A, %mul3A_1045 : i32
      %add3A_1047 = arith.addi %mul3A_1046, %add3A_1044 : i32
      %mul3A_1048 = arith.constant 256 : i32
      %mul3A_1049 = arith.muli %add3A_1047, %mul3A_1048 : i32
      %dma_wait3A_1050 = arith.constant 2 : i32
      %dma_wait3A_1051 = arith.constant 0 : i32
      %dma_wait3A_1052 = arith.constant 0 : i32
      %dma_wait3A_1053 = tpu.memref_slice %arg6[%dma_wait3A_1050, %dma_wait3A_1051, %dma_wait3A_1052] : memref<4x256x64xf32, #tpu.memory_space<vmem>> -> memref<1x256x64xf32, #tpu.memory_space<vmem>>
      %dma_wait3A_1054 = tpu.memref_squeeze %dma_wait3A_1053 : memref<1x256x64xf32, #tpu.memory_space<vmem>> -> memref<256x64xf32, #tpu.memory_space<vmem>>
      %dma_wait3A_1055 = arith.constant 0 : i32
      %dma_wait3A_1056 = tpu.memref_slice %arg4[%mul3A_1049, %dma_wait3A_1055] : memref<3276800x128xf32, #tpu.memory_space<hbm>> -> memref<256x64xf32, #tpu.memory_space<hbm>>
      %dma_wait3A_1057 = arith.constant 0 : i32
      %dma_wait3A_1058 = tpu.memref_slice %arg4[%mul3A_1049, %dma_wait3A_1057] : memref<3276800x128xf32, #tpu.memory_space<hbm>> -> memref<256x64xf32, #tpu.memory_space<hbm>>
      %dma_wait3A_1059 = arith.constant 0 : i32
      %dma_wait3A_1060 = arith.constant 0 : i32
      %dma_wait3A_1061 = tpu.memref_slice %arg6[%dma_wait3A_1050, %dma_wait3A_1059, %dma_wait3A_1060] : memref<4x256x64xf32, #tpu.memory_space<vmem>> -> memref<1x256x64xf32, #tpu.memory_space<vmem>>
      %dma_wait3A_1062 = tpu.memref_squeeze %dma_wait3A_1061 : memref<1x256x64xf32, #tpu.memory_space<vmem>> -> memref<256x64xf32, #tpu.memory_space<vmem>>
      tpu.wait_dma2 semaphore(%arg13 : memref<!tpu.dma_semaphore, #tpu.memory_space<semaphore_mem>>) src(%dma_wait3A_1062 : memref<256x64xf32, #tpu.memory_space<vmem>>) dst(%dma_wait3A_1058 : memref<256x64xf32, #tpu.memory_space<hbm>>)
      %dma_start3A_1063 = arith.constant 0 : i32
      %dma_start3A_1064 = arith.constant 2 : i32
      %dma_start3A_1065 = arith.constant 0 : i32
      %dma_start3A_1066 = arith.constant 2 : i32
      %dma_start3A_1067 = arith.constant 0 : i32
      %dma_start3A_1068 = arith.constant 0 : i32
      %dma_start3A_1069 = tpu.memref_slice %arg6[%dma_start3A_1066, %dma_start3A_1067, %dma_start3A_1068] : memref<4x256x64xf32, #tpu.memory_space<vmem>> -> memref<1x128x64xf32, #tpu.memory_space<vmem>>
      %dma_start3A_1070 = tpu.memref_squeeze %dma_start3A_1069 : memref<1x128x64xf32, #tpu.memory_space<vmem>> -> memref<128x64xf32, #tpu.memory_space<vmem>>
      %dma_start3A_1071 = arith.constant 0 : i32
      %dma_start3A_1072 = tpu.memref_slice %arg5[%dma_start3A_1063, %dma_start3A_1064, %dma_start3A_1065, %dma_start3A_1071] : memref<2x4x2x128xi32, #tpu.memory_space<vmem>> -> memref<1x1x1x128xi32, #tpu.memory_space<vmem>>
      %dma_start3A_1073 = tpu.memref_squeeze %dma_start3A_1072 : memref<1x1x1x128xi32, #tpu.memory_space<vmem>> -> memref<128xi32, #tpu.memory_space<vmem>>
      %dma_start3A_1074 = arith.constant 0 : i32
      %dma_start3A_1075 = arith.constant 0 : i32
      %dma_start3A_1076 = tpu.memref_slice %arg3[%dma_start3A_1074, %dma_start3A_1075] : memref<1000000x64xf32, #tpu.memory_space<hbm>> -> memref<1000000x64xf32, #tpu.memory_space<hbm>>
      tpu.enqueue_indirect_dma source(%dma_start3A_1076 : memref<1000000x64xf32, #tpu.memory_space<hbm>>) target(%dma_start3A_1070 : memref<128x64xf32, #tpu.memory_space<vmem>>) offsets(%dma_start3A_1073 : memref<128xi32, #tpu.memory_space<vmem>>) semaphore(%arg9 : memref<!tpu.dma_semaphore, #tpu.memory_space<semaphore_mem>>)
      %dma_start3A_1077 = arith.constant 0 : i32
      %dma_start3A_1078 = arith.constant 2 : i32
      %dma_start3A_1079 = arith.constant 1 : i32
      %dma_start3A_1080 = arith.constant 2 : i32
      %dma_start3A_1081 = arith.constant 128 : i32
      %dma_start3A_1082 = arith.constant 0 : i32
      %dma_start3A_1083 = tpu.memref_slice %arg6[%dma_start3A_1080, %dma_start3A_1081, %dma_start3A_1082] : memref<4x256x64xf32, #tpu.memory_space<vmem>> -> memref<1x128x64xf32, #tpu.memory_space<vmem>>
      %dma_start3A_1084 = tpu.memref_squeeze %dma_start3A_1083 : memref<1x128x64xf32, #tpu.memory_space<vmem>> -> memref<128x64xf32, #tpu.memory_space<vmem>>
      %dma_start3A_1085 = arith.constant 0 : i32
      %dma_start3A_1086 = tpu.memref_slice %arg5[%dma_start3A_1077, %dma_start3A_1078, %dma_start3A_1079, %dma_start3A_1085] : memref<2x4x2x128xi32, #tpu.memory_space<vmem>> -> memref<1x1x1x128xi32, #tpu.memory_space<vmem>>
      %dma_start3A_1087 = tpu.memref_squeeze %dma_start3A_1086 : memref<1x1x1x128xi32, #tpu.memory_space<vmem>> -> memref<128xi32, #tpu.memory_space<vmem>>
      %dma_start3A_1088 = arith.constant 0 : i32
      %dma_start3A_1089 = arith.constant 0 : i32
      %dma_start3A_1090 = tpu.memref_slice %arg3[%dma_start3A_1088, %dma_start3A_1089] : memref<1000000x64xf32, #tpu.memory_space<hbm>> -> memref<1000000x64xf32, #tpu.memory_space<hbm>>
      tpu.enqueue_indirect_dma source(%dma_start3A_1090 : memref<1000000x64xf32, #tpu.memory_space<hbm>>) target(%dma_start3A_1084 : memref<128x64xf32, #tpu.memory_space<vmem>>) offsets(%dma_start3A_1087 : memref<128xi32, #tpu.memory_space<vmem>>) semaphore(%arg9 : memref<!tpu.dma_semaphore, #tpu.memory_space<semaphore_mem>>)
      %sub3A_1091 = arith.constant 4 : i32
      %sub3A_1092 = arith.subi %mul3A_941, %sub3A_1091 : i32
      %add3A_1093 = arith.constant 3 : i32
      %add3A_1094 = arith.addi %sub3A_1092, %add3A_1093 : i32
      %mul3A_1095 = arith.constant 400 : i32
      %mul3A_1096 = arith.muli %add3A, %mul3A_1095 : i32
      %add3A_1097 = arith.addi %mul3A_1096, %add3A_1094 : i32
      %mul3A_1098 = arith.constant 256 : i32
      %mul3A_1099 = arith.muli %add3A_1097, %mul3A_1098 : i32
      %dma_wait3A_1100 = arith.constant 3 : i32
      %dma_wait3A_1101 = arith.constant 0 : i32
      %dma_wait3A_1102 = arith.constant 0 : i32
      %dma_wait3A_1103 = tpu.memref_slice %arg6[%dma_wait3A_1100, %dma_wait3A_1101, %dma_wait3A_1102] : memref<4x256x64xf32, #tpu.memory_space<vmem>> -> memref<1x256x64xf32, #tpu.memory_space<vmem>>
      %dma_wait3A_1104 = tpu.memref_squeeze %dma_wait3A_1103 : memref<1x256x64xf32, #tpu.memory_space<vmem>> -> memref<256x64xf32, #tpu.memory_space<vmem>>
      %dma_wait3A_1105 = arith.constant 0 : i32
      %dma_wait3A_1106 = tpu.memref_slice %arg4[%mul3A_1099, %dma_wait3A_1105] : memref<3276800x128xf32, #tpu.memory_space<hbm>> -> memref<256x64xf32, #tpu.memory_space<hbm>>
      %dma_wait3A_1107 = arith.constant 0 : i32
      %dma_wait3A_1108 = tpu.memref_slice %arg4[%mul3A_1099, %dma_wait3A_1107] : memref<3276800x128xf32, #tpu.memory_space<hbm>> -> memref<256x64xf32, #tpu.memory_space<hbm>>
      %dma_wait3A_1109 = arith.constant 0 : i32
      %dma_wait3A_1110 = arith.constant 0 : i32
      %dma_wait3A_1111 = tpu.memref_slice %arg6[%dma_wait3A_1100, %dma_wait3A_1109, %dma_wait3A_1110] : memref<4x256x64xf32, #tpu.memory_space<vmem>> -> memref<1x256x64xf32, #tpu.memory_space<vmem>>
      %dma_wait3A_1112 = tpu.memref_squeeze %dma_wait3A_1111 : memref<1x256x64xf32, #tpu.memory_space<vmem>> -> memref<256x64xf32, #tpu.memory_space<vmem>>
      tpu.wait_dma2 semaphore(%arg14 : memref<!tpu.dma_semaphore, #tpu.memory_space<semaphore_mem>>) src(%dma_wait3A_1112 : memref<256x64xf32, #tpu.memory_space<vmem>>) dst(%dma_wait3A_1108 : memref<256x64xf32, #tpu.memory_space<hbm>>)
      %dma_start3A_1113 = arith.constant 0 : i32
      %dma_start3A_1114 = arith.constant 3 : i32
      %dma_start3A_1115 = arith.constant 0 : i32
      %dma_start3A_1116 = arith.constant 3 : i32
      %dma_start3A_1117 = arith.constant 0 : i32
      %dma_start3A_1118 = arith.constant 0 : i32
      %dma_start3A_1119 = tpu.memref_slice %arg6[%dma_start3A_1116, %dma_start3A_1117, %dma_start3A_1118] : memref<4x256x64xf32, #tpu.memory_space<vmem>> -> memref<1x128x64xf32, #tpu.memory_space<vmem>>
      %dma_start3A_1120 = tpu.memref_squeeze %dma_start3A_1119 : memref<1x128x64xf32, #tpu.memory_space<vmem>> -> memref<128x64xf32, #tpu.memory_space<vmem>>
      %dma_start3A_1121 = arith.constant 0 : i32
      %dma_start3A_1122 = tpu.memref_slice %arg5[%dma_start3A_1113, %dma_start3A_1114, %dma_start3A_1115, %dma_start3A_1121] : memref<2x4x2x128xi32, #tpu.memory_space<vmem>> -> memref<1x1x1x128xi32, #tpu.memory_space<vmem>>
      %dma_start3A_1123 = tpu.memref_squeeze %dma_start3A_1122 : memref<1x1x1x128xi32, #tpu.memory_space<vmem>> -> memref<128xi32, #tpu.memory_space<vmem>>
      %dma_start3A_1124 = arith.constant 0 : i32
      %dma_start3A_1125 = arith.constant 0 : i32
      %dma_start3A_1126 = tpu.memref_slice %arg3[%dma_start3A_1124, %dma_start3A_1125] : memref<1000000x64xf32, #tpu.memory_space<hbm>> -> memref<1000000x64xf32, #tpu.memory_space<hbm>>
      tpu.enqueue_indirect_dma source(%dma_start3A_1126 : memref<1000000x64xf32, #tpu.memory_space<hbm>>) target(%dma_start3A_1120 : memref<128x64xf32, #tpu.memory_space<vmem>>) offsets(%dma_start3A_1123 : memref<128xi32, #tpu.memory_space<vmem>>) semaphore(%arg10 : memref<!tpu.dma_semaphore, #tpu.memory_space<semaphore_mem>>)
      %dma_start3A_1127 = arith.constant 0 : i32
      %dma_start3A_1128 = arith.constant 3 : i32
      %dma_start3A_1129 = arith.constant 1 : i32
      %dma_start3A_1130 = arith.constant 3 : i32
      %dma_start3A_1131 = arith.constant 128 : i32
      %dma_start3A_1132 = arith.constant 0 : i32
      %dma_start3A_1133 = tpu.memref_slice %arg6[%dma_start3A_1130, %dma_start3A_1131, %dma_start3A_1132] : memref<4x256x64xf32, #tpu.memory_space<vmem>> -> memref<1x128x64xf32, #tpu.memory_space<vmem>>
      %dma_start3A_1134 = tpu.memref_squeeze %dma_start3A_1133 : memref<1x128x64xf32, #tpu.memory_space<vmem>> -> memref<128x64xf32, #tpu.memory_space<vmem>>
      %dma_start3A_1135 = arith.constant 0 : i32
      %dma_start3A_1136 = tpu.memref_slice %arg5[%dma_start3A_1127, %dma_start3A_1128, %dma_start3A_1129, %dma_start3A_1135] : memref<2x4x2x128xi32, #tpu.memory_space<vmem>> -> memref<1x1x1x128xi32, #tpu.memory_space<vmem>>
      %dma_start3A_1137 = tpu.memref_squeeze %dma_start3A_1136 : memref<1x1x1x128xi32, #tpu.memory_space<vmem>> -> memref<128xi32, #tpu.memory_space<vmem>>
      %dma_start3A_1138 = arith.constant 0 : i32
      %dma_start3A_1139 = arith.constant 0 : i32
      %dma_start3A_1140 = tpu.memref_slice %arg3[%dma_start3A_1138, %dma_start3A_1139] : memref<1000000x64xf32, #tpu.memory_space<hbm>> -> memref<1000000x64xf32, #tpu.memory_space<hbm>>
      tpu.enqueue_indirect_dma source(%dma_start3A_1140 : memref<1000000x64xf32, #tpu.memory_space<hbm>>) target(%dma_start3A_1134 : memref<128x64xf32, #tpu.memory_space<vmem>>) offsets(%dma_start3A_1137 : memref<128xi32, #tpu.memory_space<vmem>>) semaphore(%arg10 : memref<!tpu.dma_semaphore, #tpu.memory_space<semaphore_mem>>)
      %add3A_1141 = arith.constant 0 : i32
      %add3A_1142 = arith.addi %mul3A_941, %add3A_1141 : i32
      %dma_wait3A_1143 = arith.constant 0 : i32
      %dma_wait3A_1144 = arith.constant 0 : i32
      %dma_wait3A_1145 = arith.constant 0 : i32
      %dma_wait3A_1146 = arith.constant 0 : i32
      %dma_wait3A_1147 = arith.constant 0 : i32
      %dma_wait3A_1148 = arith.constant 0 : i32
      %dma_wait3A_1149 = tpu.memref_slice %arg6[%dma_wait3A_1146, %dma_wait3A_1147, %dma_wait3A_1148] : memref<4x256x64xf32, #tpu.memory_space<vmem>> -> memref<1x128x64xf32, #tpu.memory_space<vmem>>
      %dma_wait3A_1150 = tpu.memref_squeeze %dma_wait3A_1149 : memref<1x128x64xf32, #tpu.memory_space<vmem>> -> memref<128x64xf32, #tpu.memory_space<vmem>>
      %dma_wait3A_1151 = arith.constant 0 : i32
      %dma_wait3A_1152 = tpu.memref_slice %arg5[%dma_wait3A_1143, %dma_wait3A_1144, %dma_wait3A_1145, %dma_wait3A_1151] : memref<2x4x2x128xi32, #tpu.memory_space<vmem>> -> memref<1x1x1x128xi32, #tpu.memory_space<vmem>>
      %dma_wait3A_1153 = tpu.memref_squeeze %dma_wait3A_1152 : memref<1x1x1x128xi32, #tpu.memory_space<vmem>> -> memref<128xi32, #tpu.memory_space<vmem>>
      %dma_wait3A_1154 = arith.constant 0 : i32
      %dma_wait3A_1155 = arith.constant 0 : i32
      %dma_wait3A_1156 = tpu.memref_slice %arg3[%dma_wait3A_1154, %dma_wait3A_1155] : memref<1000000x64xf32, #tpu.memory_space<hbm>> -> memref<1000000x64xf32, #tpu.memory_space<hbm>>
      tpu.wait_indirect_dma semaphore(%arg7 : memref<!tpu.dma_semaphore, #tpu.memory_space<semaphore_mem>>) src(%dma_wait3A_1156 : memref<1000000x64xf32, #tpu.memory_space<hbm>>) dst(%dma_wait3A_1150 : memref<128x64xf32, #tpu.memory_space<vmem>>)
      %dma_wait3A_1157 = arith.constant 0 : i32
      %dma_wait3A_1158 = arith.constant 0 : i32
      %dma_wait3A_1159 = arith.constant 1 : i32
      %dma_wait3A_1160 = arith.constant 0 : i32
      %dma_wait3A_1161 = arith.constant 128 : i32
      %dma_wait3A_1162 = arith.constant 0 : i32
      %dma_wait3A_1163 = tpu.memref_slice %arg6[%dma_wait3A_1160, %dma_wait3A_1161, %dma_wait3A_1162] : memref<4x256x64xf32, #tpu.memory_space<vmem>> -> memref<1x128x64xf32, #tpu.memory_space<vmem>>
      %dma_wait3A_1164 = tpu.memref_squeeze %dma_wait3A_1163 : memref<1x128x64xf32, #tpu.memory_space<vmem>> -> memref<128x64xf32, #tpu.memory_space<vmem>>
      %dma_wait3A_1165 = arith.constant 0 : i32
      %dma_wait3A_1166 = tpu.memref_slice %arg5[%dma_wait3A_1157, %dma_wait3A_1158, %dma_wait3A_1159, %dma_wait3A_1165] : memref<2x4x2x128xi32, #tpu.memory_space<vmem>> -> memref<1x1x1x128xi32, #tpu.memory_space<vmem>>
      %dma_wait3A_1167 = tpu.memref_squeeze %dma_wait3A_1166 : memref<1x1x1x128xi32, #tpu.memory_space<vmem>> -> memref<128xi32, #tpu.memory_space<vmem>>
      %dma_wait3A_1168 = arith.constant 0 : i32
      %dma_wait3A_1169 = arith.constant 0 : i32
      %dma_wait3A_1170 = tpu.memref_slice %arg3[%dma_wait3A_1168, %dma_wait3A_1169] : memref<1000000x64xf32, #tpu.memory_space<hbm>> -> memref<1000000x64xf32, #tpu.memory_space<hbm>>
      tpu.wait_indirect_dma semaphore(%arg7 : memref<!tpu.dma_semaphore, #tpu.memory_space<semaphore_mem>>) src(%dma_wait3A_1170 : memref<1000000x64xf32, #tpu.memory_space<hbm>>) dst(%dma_wait3A_1164 : memref<128x64xf32, #tpu.memory_space<vmem>>)
      %mul3A_1171 = arith.constant 400 : i32
      %mul3A_1172 = arith.muli %add3A, %mul3A_1171 : i32
      %add3A_1173 = arith.addi %mul3A_1172, %add3A_1142 : i32
      %mul3A_1174 = arith.constant 256 : i32
      %mul3A_1175 = arith.muli %add3A_1173, %mul3A_1174 : i32
      %dma_start3A_1176 = arith.constant 0 : i32
      %dma_start3A_1177 = arith.constant 0 : i32
      %dma_start3A_1178 = arith.constant 0 : i32
      %dma_start3A_1179 = tpu.memref_slice %arg6[%dma_start3A_1176, %dma_start3A_1177, %dma_start3A_1178] : memref<4x256x64xf32, #tpu.memory_space<vmem>> -> memref<1x256x64xf32, #tpu.memory_space<vmem>>
      %dma_start3A_1180 = tpu.memref_squeeze %dma_start3A_1179 : memref<1x256x64xf32, #tpu.memory_space<vmem>> -> memref<256x64xf32, #tpu.memory_space<vmem>>
      %dma_start3A_1181 = arith.constant 0 : i32
      %dma_start3A_1182 = tpu.memref_slice %arg4[%mul3A_1175, %dma_start3A_1181] : memref<3276800x128xf32, #tpu.memory_space<hbm>> -> memref<256x64xf32, #tpu.memory_space<hbm>>
      %dma_start3A_1183 = arith.constant 0 : i32
      %dma_start3A_1184 = tpu.memref_slice %arg4[%mul3A_1175, %dma_start3A_1183] : memref<3276800x128xf32, #tpu.memory_space<hbm>> -> memref<256x64xf32, #tpu.memory_space<hbm>>
      %dma_start3A_1185 = arith.constant 0 : i32
      %dma_start3A_1186 = arith.constant 0 : i32
      %dma_start3A_1187 = tpu.memref_slice %arg6[%dma_start3A_1176, %dma_start3A_1185, %dma_start3A_1186] : memref<4x256x64xf32, #tpu.memory_space<vmem>> -> memref<1x256x64xf32, #tpu.memory_space<vmem>>
      %dma_start3A_1188 = tpu.memref_squeeze %dma_start3A_1187 : memref<1x256x64xf32, #tpu.memory_space<vmem>> -> memref<256x64xf32, #tpu.memory_space<vmem>>
      tpu.enqueue_dma source(%dma_start3A_1188 : memref<256x64xf32, #tpu.memory_space<vmem>>) target(%dma_start3A_1184 : memref<256x64xf32, #tpu.memory_space<hbm>>) target_semaphore(%arg11 : memref<!tpu.dma_semaphore, #tpu.memory_space<semaphore_mem>>)
      %add3A_1189 = arith.constant 1 : i32
      %add3A_1190 = arith.addi %mul3A_941, %add3A_1189 : i32
      %dma_wait3A_1191 = arith.constant 0 : i32
      %dma_wait3A_1192 = arith.constant 1 : i32
      %dma_wait3A_1193 = arith.constant 0 : i32
      %dma_wait3A_1194 = arith.constant 1 : i32
      %dma_wait3A_1195 = arith.constant 0 : i32
      %dma_wait3A_1196 = arith.constant 0 : i32
      %dma_wait3A_1197 = tpu.memref_slice %arg6[%dma_wait3A_1194, %dma_wait3A_1195, %dma_wait3A_1196] : memref<4x256x64xf32, #tpu.memory_space<vmem>> -> memref<1x128x64xf32, #tpu.memory_space<vmem>>
      %dma_wait3A_1198 = tpu.memref_squeeze %dma_wait3A_1197 : memref<1x128x64xf32, #tpu.memory_space<vmem>> -> memref<128x64xf32, #tpu.memory_space<vmem>>
      %dma_wait3A_1199 = arith.constant 0 : i32
      %dma_wait3A_1200 = tpu.memref_slice %arg5[%dma_wait3A_1191, %dma_wait3A_1192, %dma_wait3A_1193, %dma_wait3A_1199] : memref<2x4x2x128xi32, #tpu.memory_space<vmem>> -> memref<1x1x1x128xi32, #tpu.memory_space<vmem>>
      %dma_wait3A_1201 = tpu.memref_squeeze %dma_wait3A_1200 : memref<1x1x1x128xi32, #tpu.memory_space<vmem>> -> memref<128xi32, #tpu.memory_space<vmem>>
      %dma_wait3A_1202 = arith.constant 0 : i32
      %dma_wait3A_1203 = arith.constant 0 : i32
      %dma_wait3A_1204 = tpu.memref_slice %arg3[%dma_wait3A_1202, %dma_wait3A_1203] : memref<1000000x64xf32, #tpu.memory_space<hbm>> -> memref<1000000x64xf32, #tpu.memory_space<hbm>>
      tpu.wait_indirect_dma semaphore(%arg8 : memref<!tpu.dma_semaphore, #tpu.memory_space<semaphore_mem>>) src(%dma_wait3A_1204 : memref<1000000x64xf32, #tpu.memory_space<hbm>>) dst(%dma_wait3A_1198 : memref<128x64xf32, #tpu.memory_space<vmem>>)
      %dma_wait3A_1205 = arith.constant 0 : i32
      %dma_wait3A_1206 = arith.constant 1 : i32
      %dma_wait3A_1207 = arith.constant 1 : i32
      %dma_wait3A_1208 = arith.constant 1 : i32
      %dma_wait3A_1209 = arith.constant 128 : i32
      %dma_wait3A_1210 = arith.constant 0 : i32
      %dma_wait3A_1211 = tpu.memref_slice %arg6[%dma_wait3A_1208, %dma_wait3A_1209, %dma_wait3A_1210] : memref<4x256x64xf32, #tpu.memory_space<vmem>> -> memref<1x128x64xf32, #tpu.memory_space<vmem>>
      %dma_wait3A_1212 = tpu.memref_squeeze %dma_wait3A_1211 : memref<1x128x64xf32, #tpu.memory_space<vmem>> -> memref<128x64xf32, #tpu.memory_space<vmem>>
      %dma_wait3A_1213 = arith.constant 0 : i32
      %dma_wait3A_1214 = tpu.memref_slice %arg5[%dma_wait3A_1205, %dma_wait3A_1206, %dma_wait3A_1207, %dma_wait3A_1213] : memref<2x4x2x128xi32, #tpu.memory_space<vmem>> -> memref<1x1x1x128xi32, #tpu.memory_space<vmem>>
      %dma_wait3A_1215 = tpu.memref_squeeze %dma_wait3A_1214 : memref<1x1x1x128xi32, #tpu.memory_space<vmem>> -> memref<128xi32, #tpu.memory_space<vmem>>
      %dma_wait3A_1216 = arith.constant 0 : i32
      %dma_wait3A_1217 = arith.constant 0 : i32
      %dma_wait3A_1218 = tpu.memref_slice %arg3[%dma_wait3A_1216, %dma_wait3A_1217] : memref<1000000x64xf32, #tpu.memory_space<hbm>> -> memref<1000000x64xf32, #tpu.memory_space<hbm>>
      tpu.wait_indirect_dma semaphore(%arg8 : memref<!tpu.dma_semaphore, #tpu.memory_space<semaphore_mem>>) src(%dma_wait3A_1218 : memref<1000000x64xf32, #tpu.memory_space<hbm>>) dst(%dma_wait3A_1212 : memref<128x64xf32, #tpu.memory_space<vmem>>)
      %mul3A_1219 = arith.constant 400 : i32
      %mul3A_1220 = arith.muli %add3A, %mul3A_1219 : i32
      %add3A_1221 = arith.addi %mul3A_1220, %add3A_1190 : i32
      %mul3A_1222 = arith.constant 256 : i32
      %mul3A_1223 = arith.muli %add3A_1221, %mul3A_1222 : i32
      %dma_start3A_1224 = arith.constant 1 : i32
      %dma_start3A_1225 = arith.constant 0 : i32
      %dma_start3A_1226 = arith.constant 0 : i32
      %dma_start3A_1227 = tpu.memref_slice %arg6[%dma_start3A_1224, %dma_start3A_1225, %dma_start3A_1226] : memref<4x256x64xf32, #tpu.memory_space<vmem>> -> memref<1x256x64xf32, #tpu.memory_space<vmem>>
      %dma_start3A_1228 = tpu.memref_squeeze %dma_start3A_1227 : memref<1x256x64xf32, #tpu.memory_space<vmem>> -> memref<256x64xf32, #tpu.memory_space<vmem>>
      %dma_start3A_1229 = arith.constant 0 : i32
      %dma_start3A_1230 = tpu.memref_slice %arg4[%mul3A_1223, %dma_start3A_1229] : memref<3276800x128xf32, #tpu.memory_space<hbm>> -> memref<256x64xf32, #tpu.memory_space<hbm>>
      %dma_start3A_1231 = arith.constant 0 : i32
      %dma_start3A_1232 = tpu.memref_slice %arg4[%mul3A_1223, %dma_start3A_1231] : memref<3276800x128xf32, #tpu.memory_space<hbm>> -> memref<256x64xf32, #tpu.memory_space<hbm>>
      %dma_start3A_1233 = arith.constant 0 : i32
      %dma_start3A_1234 = arith.constant 0 : i32
      %dma_start3A_1235 = tpu.memref_slice %arg6[%dma_start3A_1224, %dma_start3A_1233, %dma_start3A_1234] : memref<4x256x64xf32, #tpu.memory_space<vmem>> -> memref<1x256x64xf32, #tpu.memory_space<vmem>>
      %dma_start3A_1236 = tpu.memref_squeeze %dma_start3A_1235 : memref<1x256x64xf32, #tpu.memory_space<vmem>> -> memref<256x64xf32, #tpu.memory_space<vmem>>
      tpu.enqueue_dma source(%dma_start3A_1236 : memref<256x64xf32, #tpu.memory_space<vmem>>) target(%dma_start3A_1232 : memref<256x64xf32, #tpu.memory_space<hbm>>) target_semaphore(%arg12 : memref<!tpu.dma_semaphore, #tpu.memory_space<semaphore_mem>>)
      %add3A_1237 = arith.constant 2 : i32
      %add3A_1238 = arith.addi %mul3A_941, %add3A_1237 : i32
      %dma_wait3A_1239 = arith.constant 0 : i32
      %dma_wait3A_1240 = arith.constant 2 : i32
      %dma_wait3A_1241 = arith.constant 0 : i32
      %dma_wait3A_1242 = arith.constant 2 : i32
      %dma_wait3A_1243 = arith.constant 0 : i32
      %dma_wait3A_1244 = arith.constant 0 : i32
      %dma_wait3A_1245 = tpu.memref_slice %arg6[%dma_wait3A_1242, %dma_wait3A_1243, %dma_wait3A_1244] : memref<4x256x64xf32, #tpu.memory_space<vmem>> -> memref<1x128x64xf32, #tpu.memory_space<vmem>>
      %dma_wait3A_1246 = tpu.memref_squeeze %dma_wait3A_1245 : memref<1x128x64xf32, #tpu.memory_space<vmem>> -> memref<128x64xf32, #tpu.memory_space<vmem>>
      %dma_wait3A_1247 = arith.constant 0 : i32
      %dma_wait3A_1248 = tpu.memref_slice %arg5[%dma_wait3A_1239, %dma_wait3A_1240, %dma_wait3A_1241, %dma_wait3A_1247] : memref<2x4x2x128xi32, #tpu.memory_space<vmem>> -> memref<1x1x1x128xi32, #tpu.memory_space<vmem>>
      %dma_wait3A_1249 = tpu.memref_squeeze %dma_wait3A_1248 : memref<1x1x1x128xi32, #tpu.memory_space<vmem>> -> memref<128xi32, #tpu.memory_space<vmem>>
      %dma_wait3A_1250 = arith.constant 0 : i32
      %dma_wait3A_1251 = arith.constant 0 : i32
      %dma_wait3A_1252 = tpu.memref_slice %arg3[%dma_wait3A_1250, %dma_wait3A_1251] : memref<1000000x64xf32, #tpu.memory_space<hbm>> -> memref<1000000x64xf32, #tpu.memory_space<hbm>>
      tpu.wait_indirect_dma semaphore(%arg9 : memref<!tpu.dma_semaphore, #tpu.memory_space<semaphore_mem>>) src(%dma_wait3A_1252 : memref<1000000x64xf32, #tpu.memory_space<hbm>>) dst(%dma_wait3A_1246 : memref<128x64xf32, #tpu.memory_space<vmem>>)
      %dma_wait3A_1253 = arith.constant 0 : i32
      %dma_wait3A_1254 = arith.constant 2 : i32
      %dma_wait3A_1255 = arith.constant 1 : i32
      %dma_wait3A_1256 = arith.constant 2 : i32
      %dma_wait3A_1257 = arith.constant 128 : i32
      %dma_wait3A_1258 = arith.constant 0 : i32
      %dma_wait3A_1259 = tpu.memref_slice %arg6[%dma_wait3A_1256, %dma_wait3A_1257, %dma_wait3A_1258] : memref<4x256x64xf32, #tpu.memory_space<vmem>> -> memref<1x128x64xf32, #tpu.memory_space<vmem>>
      %dma_wait3A_1260 = tpu.memref_squeeze %dma_wait3A_1259 : memref<1x128x64xf32, #tpu.memory_space<vmem>> -> memref<128x64xf32, #tpu.memory_space<vmem>>
      %dma_wait3A_1261 = arith.constant 0 : i32
      %dma_wait3A_1262 = tpu.memref_slice %arg5[%dma_wait3A_1253, %dma_wait3A_1254, %dma_wait3A_1255, %dma_wait3A_1261] : memref<2x4x2x128xi32, #tpu.memory_space<vmem>> -> memref<1x1x1x128xi32, #tpu.memory_space<vmem>>
      %dma_wait3A_1263 = tpu.memref_squeeze %dma_wait3A_1262 : memref<1x1x1x128xi32, #tpu.memory_space<vmem>> -> memref<128xi32, #tpu.memory_space<vmem>>
      %dma_wait3A_1264 = arith.constant 0 : i32
      %dma_wait3A_1265 = arith.constant 0 : i32
      %dma_wait3A_1266 = tpu.memref_slice %arg3[%dma_wait3A_1264, %dma_wait3A_1265] : memref<1000000x64xf32, #tpu.memory_space<hbm>> -> memref<1000000x64xf32, #tpu.memory_space<hbm>>
      tpu.wait_indirect_dma semaphore(%arg9 : memref<!tpu.dma_semaphore, #tpu.memory_space<semaphore_mem>>) src(%dma_wait3A_1266 : memref<1000000x64xf32, #tpu.memory_space<hbm>>) dst(%dma_wait3A_1260 : memref<128x64xf32, #tpu.memory_space<vmem>>)
      %mul3A_1267 = arith.constant 400 : i32
      %mul3A_1268 = arith.muli %add3A, %mul3A_1267 : i32
      %add3A_1269 = arith.addi %mul3A_1268, %add3A_1238 : i32
      %mul3A_1270 = arith.constant 256 : i32
      %mul3A_1271 = arith.muli %add3A_1269, %mul3A_1270 : i32
      %dma_start3A_1272 = arith.constant 2 : i32
      %dma_start3A_1273 = arith.constant 0 : i32
      %dma_start3A_1274 = arith.constant 0 : i32
      %dma_start3A_1275 = tpu.memref_slice %arg6[%dma_start3A_1272, %dma_start3A_1273, %dma_start3A_1274] : memref<4x256x64xf32, #tpu.memory_space<vmem>> -> memref<1x256x64xf32, #tpu.memory_space<vmem>>
      %dma_start3A_1276 = tpu.memref_squeeze %dma_start3A_1275 : memref<1x256x64xf32, #tpu.memory_space<vmem>> -> memref<256x64xf32, #tpu.memory_space<vmem>>
      %dma_start3A_1277 = arith.constant 0 : i32
      %dma_start3A_1278 = tpu.memref_slice %arg4[%mul3A_1271, %dma_start3A_1277] : memref<3276800x128xf32, #tpu.memory_space<hbm>> -> memref<256x64xf32, #tpu.memory_space<hbm>>
      %dma_start3A_1279 = arith.constant 0 : i32
      %dma_start3A_1280 = tpu.memref_slice %arg4[%mul3A_1271, %dma_start3A_1279] : memref<3276800x128xf32, #tpu.memory_space<hbm>> -> memref<256x64xf32, #tpu.memory_space<hbm>>
      %dma_start3A_1281 = arith.constant 0 : i32
      %dma_start3A_1282 = arith.constant 0 : i32
      %dma_start3A_1283 = tpu.memref_slice %arg6[%dma_start3A_1272, %dma_start3A_1281, %dma_start3A_1282] : memref<4x256x64xf32, #tpu.memory_space<vmem>> -> memref<1x256x64xf32, #tpu.memory_space<vmem>>
      %dma_start3A_1284 = tpu.memref_squeeze %dma_start3A_1283 : memref<1x256x64xf32, #tpu.memory_space<vmem>> -> memref<256x64xf32, #tpu.memory_space<vmem>>
      tpu.enqueue_dma source(%dma_start3A_1284 : memref<256x64xf32, #tpu.memory_space<vmem>>) target(%dma_start3A_1280 : memref<256x64xf32, #tpu.memory_space<hbm>>) target_semaphore(%arg13 : memref<!tpu.dma_semaphore, #tpu.memory_space<semaphore_mem>>)
      %add3A_1285 = arith.constant 3 : i32
      %add3A_1286 = arith.addi %mul3A_941, %add3A_1285 : i32
      %dma_wait3A_1287 = arith.constant 0 : i32
      %dma_wait3A_1288 = arith.constant 3 : i32
      %dma_wait3A_1289 = arith.constant 0 : i32
      %dma_wait3A_1290 = arith.constant 3 : i32
      %dma_wait3A_1291 = arith.constant 0 : i32
      %dma_wait3A_1292 = arith.constant 0 : i32
      %dma_wait3A_1293 = tpu.memref_slice %arg6[%dma_wait3A_1290, %dma_wait3A_1291, %dma_wait3A_1292] : memref<4x256x64xf32, #tpu.memory_space<vmem>> -> memref<1x128x64xf32, #tpu.memory_space<vmem>>
      %dma_wait3A_1294 = tpu.memref_squeeze %dma_wait3A_1293 : memref<1x128x64xf32, #tpu.memory_space<vmem>> -> memref<128x64xf32, #tpu.memory_space<vmem>>
      %dma_wait3A_1295 = arith.constant 0 : i32
      %dma_wait3A_1296 = tpu.memref_slice %arg5[%dma_wait3A_1287, %dma_wait3A_1288, %dma_wait3A_1289, %dma_wait3A_1295] : memref<2x4x2x128xi32, #tpu.memory_space<vmem>> -> memref<1x1x1x128xi32, #tpu.memory_space<vmem>>
      %dma_wait3A_1297 = tpu.memref_squeeze %dma_wait3A_1296 : memref<1x1x1x128xi32, #tpu.memory_space<vmem>> -> memref<128xi32, #tpu.memory_space<vmem>>
      %dma_wait3A_1298 = arith.constant 0 : i32
      %dma_wait3A_1299 = arith.constant 0 : i32
      %dma_wait3A_1300 = tpu.memref_slice %arg3[%dma_wait3A_1298, %dma_wait3A_1299] : memref<1000000x64xf32, #tpu.memory_space<hbm>> -> memref<1000000x64xf32, #tpu.memory_space<hbm>>
      tpu.wait_indirect_dma semaphore(%arg10 : memref<!tpu.dma_semaphore, #tpu.memory_space<semaphore_mem>>) src(%dma_wait3A_1300 : memref<1000000x64xf32, #tpu.memory_space<hbm>>) dst(%dma_wait3A_1294 : memref<128x64xf32, #tpu.memory_space<vmem>>)
      %dma_wait3A_1301 = arith.constant 0 : i32
      %dma_wait3A_1302 = arith.constant 3 : i32
      %dma_wait3A_1303 = arith.constant 1 : i32
      %dma_wait3A_1304 = arith.constant 3 : i32
      %dma_wait3A_1305 = arith.constant 128 : i32
      %dma_wait3A_1306 = arith.constant 0 : i32
      %dma_wait3A_1307 = tpu.memref_slice %arg6[%dma_wait3A_1304, %dma_wait3A_1305, %dma_wait3A_1306] : memref<4x256x64xf32, #tpu.memory_space<vmem>> -> memref<1x128x64xf32, #tpu.memory_space<vmem>>
      %dma_wait3A_1308 = tpu.memref_squeeze %dma_wait3A_1307 : memref<1x128x64xf32, #tpu.memory_space<vmem>> -> memref<128x64xf32, #tpu.memory_space<vmem>>
      %dma_wait3A_1309 = arith.constant 0 : i32
      %dma_wait3A_1310 = tpu.memref_slice %arg5[%dma_wait3A_1301, %dma_wait3A_1302, %dma_wait3A_1303, %dma_wait3A_1309] : memref<2x4x2x128xi32, #tpu.memory_space<vmem>> -> memref<1x1x1x128xi32, #tpu.memory_space<vmem>>
      %dma_wait3A_1311 = tpu.memref_squeeze %dma_wait3A_1310 : memref<1x1x1x128xi32, #tpu.memory_space<vmem>> -> memref<128xi32, #tpu.memory_space<vmem>>
      %dma_wait3A_1312 = arith.constant 0 : i32
      %dma_wait3A_1313 = arith.constant 0 : i32
      %dma_wait3A_1314 = tpu.memref_slice %arg3[%dma_wait3A_1312, %dma_wait3A_1313] : memref<1000000x64xf32, #tpu.memory_space<hbm>> -> memref<1000000x64xf32, #tpu.memory_space<hbm>>
      tpu.wait_indirect_dma semaphore(%arg10 : memref<!tpu.dma_semaphore, #tpu.memory_space<semaphore_mem>>) src(%dma_wait3A_1314 : memref<1000000x64xf32, #tpu.memory_space<hbm>>) dst(%dma_wait3A_1308 : memref<128x64xf32, #tpu.memory_space<vmem>>)
      %mul3A_1315 = arith.constant 400 : i32
      %mul3A_1316 = arith.muli %add3A, %mul3A_1315 : i32
      %add3A_1317 = arith.addi %mul3A_1316, %add3A_1286 : i32
      %mul3A_1318 = arith.constant 256 : i32
      %mul3A_1319 = arith.muli %add3A_1317, %mul3A_1318 : i32
      %dma_start3A_1320 = arith.constant 3 : i32
      %dma_start3A_1321 = arith.constant 0 : i32
      %dma_start3A_1322 = arith.constant 0 : i32
      %dma_start3A_1323 = tpu.memref_slice %arg6[%dma_start3A_1320, %dma_start3A_1321, %dma_start3A_1322] : memref<4x256x64xf32, #tpu.memory_space<vmem>> -> memref<1x256x64xf32, #tpu.memory_space<vmem>>
      %dma_start3A_1324 = tpu.memref_squeeze %dma_start3A_1323 : memref<1x256x64xf32, #tpu.memory_space<vmem>> -> memref<256x64xf32, #tpu.memory_space<vmem>>
      %dma_start3A_1325 = arith.constant 0 : i32
      %dma_start3A_1326 = tpu.memref_slice %arg4[%mul3A_1319, %dma_start3A_1325] : memref<3276800x128xf32, #tpu.memory_space<hbm>> -> memref<256x64xf32, #tpu.memory_space<hbm>>
      %dma_start3A_1327 = arith.constant 0 : i32
      %dma_start3A_1328 = tpu.memref_slice %arg4[%mul3A_1319, %dma_start3A_1327] : memref<3276800x128xf32, #tpu.memory_space<hbm>> -> memref<256x64xf32, #tpu.memory_space<hbm>>
      %dma_start3A_1329 = arith.constant 0 : i32
      %dma_start3A_1330 = arith.constant 0 : i32
      %dma_start3A_1331 = tpu.memref_slice %arg6[%dma_start3A_1320, %dma_start3A_1329, %dma_start3A_1330] : memref<4x256x64xf32, #tpu.memory_space<vmem>> -> memref<1x256x64xf32, #tpu.memory_space<vmem>>
      %dma_start3A_1332 = tpu.memref_squeeze %dma_start3A_1331 : memref<1x256x64xf32, #tpu.memory_space<vmem>> -> memref<256x64xf32, #tpu.memory_space<vmem>>
      tpu.enqueue_dma source(%dma_start3A_1332 : memref<256x64xf32, #tpu.memory_space<vmem>>) target(%dma_start3A_1328 : memref<256x64xf32, #tpu.memory_space<hbm>>) target_semaphore(%arg14 : memref<!tpu.dma_semaphore, #tpu.memory_space<semaphore_mem>>)
      %mul3A_1333 = arith.constant 2 : i32
      %mul3A_1334 = arith.muli %mul3A_1333, %scan3A_891 : i32
      %add3A_1335 = arith.constant 1 : i32
      %add3A_1336 = arith.addi %mul3A_1334, %add3A_1335 : i32
      %dma_wait3A_1337 = arith.constant 1 : i32
      %dma_wait3A_1338 = arith.constant 0 : i32
      %dma_wait3A_1339 = arith.constant 0 : i32
      %dma_wait3A_1340 = arith.constant 0 : i32
      %dma_wait3A_1341 = tpu.memref_slice %arg5[%dma_wait3A_1337, %dma_wait3A_1338, %dma_wait3A_1339, %dma_wait3A_1340] : memref<2x4x2x128xi32, #tpu.memory_space<vmem>> -> memref<1x4x2x128xi32, #tpu.memory_space<vmem>>
      %dma_wait3A_1342 = tpu.memref_squeeze %dma_wait3A_1341 : memref<1x4x2x128xi32, #tpu.memory_space<vmem>> -> memref<4x2x128xi32, #tpu.memory_space<vmem>>
      %dma_wait3A_1343 = arith.constant 0 : i32
      %dma_wait3A_1344 = arith.constant 0 : i32
      %dma_wait3A_1345 = arith.constant 0 : i32
      %dma_wait3A_1346 = tpu.memref_slice %arg2[%add3A, %add3A_1336, %dma_wait3A_1343, %dma_wait3A_1344, %dma_wait3A_1345] : memref<32x100x4x2x128xi32, #tpu.memory_space<hbm>> -> memref<1x1x4x2x128xi32, #tpu.memory_space<hbm>>
      %dma_wait3A_1347 = tpu.memref_squeeze %dma_wait3A_1346 : memref<1x1x4x2x128xi32, #tpu.memory_space<hbm>> -> memref<4x2x128xi32, #tpu.memory_space<hbm>>
      %dma_wait3A_1348 = arith.constant 0 : i32
      %dma_wait3A_1349 = arith.constant 0 : i32
      %dma_wait3A_1350 = arith.constant 0 : i32
      %dma_wait3A_1351 = tpu.memref_slice %arg5[%dma_wait3A_1337, %dma_wait3A_1348, %dma_wait3A_1349, %dma_wait3A_1350] : memref<2x4x2x128xi32, #tpu.memory_space<vmem>> -> memref<1x4x2x128xi32, #tpu.memory_space<vmem>>
      %dma_wait3A_1352 = tpu.memref_squeeze %dma_wait3A_1351 : memref<1x4x2x128xi32, #tpu.memory_space<vmem>> -> memref<4x2x128xi32, #tpu.memory_space<vmem>>
      %dma_wait3A_1353 = arith.constant 0 : i32
      %dma_wait3A_1354 = arith.constant 0 : i32
      %dma_wait3A_1355 = arith.constant 0 : i32
      %dma_wait3A_1356 = tpu.memref_slice %arg2[%add3A, %add3A_1336, %dma_wait3A_1353, %dma_wait3A_1354, %dma_wait3A_1355] : memref<32x100x4x2x128xi32, #tpu.memory_space<hbm>> -> memref<1x1x4x2x128xi32, #tpu.memory_space<hbm>>
      %dma_wait3A_1357 = tpu.memref_squeeze %dma_wait3A_1356 : memref<1x1x4x2x128xi32, #tpu.memory_space<hbm>> -> memref<4x2x128xi32, #tpu.memory_space<hbm>>
      tpu.wait_dma2 semaphore(%arg16 : memref<!tpu.dma_semaphore, #tpu.memory_space<semaphore_mem>>) src(%dma_wait3A_1357 : memref<4x2x128xi32, #tpu.memory_space<hbm>>) dst(%dma_wait3A_1352 : memref<4x2x128xi32, #tpu.memory_space<vmem>>)
      %add3A_1358 = arith.constant 1 : i32
      %add3A_1359 = arith.addi %add3A_1336, %add3A_1358 : i32
      %min3A_1360 = arith.constant 99 : i32
      %min3A_1361 = arith.minsi %add3A_1359, %min3A_1360 : i32
      %dma_start3A_1362 = arith.constant 0 : i32
      %dma_start3A_1363 = arith.constant 0 : i32
      %dma_start3A_1364 = arith.constant 0 : i32
      %dma_start3A_1365 = arith.constant 0 : i32
      %dma_start3A_1366 = tpu.memref_slice %arg5[%dma_start3A_1362, %dma_start3A_1363, %dma_start3A_1364, %dma_start3A_1365] : memref<2x4x2x128xi32, #tpu.memory_space<vmem>> -> memref<1x4x2x128xi32, #tpu.memory_space<vmem>>
      %dma_start3A_1367 = tpu.memref_squeeze %dma_start3A_1366 : memref<1x4x2x128xi32, #tpu.memory_space<vmem>> -> memref<4x2x128xi32, #tpu.memory_space<vmem>>
      %dma_start3A_1368 = arith.constant 0 : i32
      %dma_start3A_1369 = arith.constant 0 : i32
      %dma_start3A_1370 = arith.constant 0 : i32
      %dma_start3A_1371 = tpu.memref_slice %arg2[%add3A, %min3A_1361, %dma_start3A_1368, %dma_start3A_1369, %dma_start3A_1370] : memref<32x100x4x2x128xi32, #tpu.memory_space<hbm>> -> memref<1x1x4x2x128xi32, #tpu.memory_space<hbm>>
      %dma_start3A_1372 = tpu.memref_squeeze %dma_start3A_1371 : memref<1x1x4x2x128xi32, #tpu.memory_space<hbm>> -> memref<4x2x128xi32, #tpu.memory_space<hbm>>
      %dma_start3A_1373 = arith.constant 0 : i32
      %dma_start3A_1374 = arith.constant 0 : i32
      %dma_start3A_1375 = arith.constant 0 : i32
      %dma_start3A_1376 = tpu.memref_slice %arg5[%dma_start3A_1362, %dma_start3A_1373, %dma_start3A_1374, %dma_start3A_1375] : memref<2x4x2x128xi32, #tpu.memory_space<vmem>> -> memref<1x4x2x128xi32, #tpu.memory_space<vmem>>
      %dma_start3A_1377 = tpu.memref_squeeze %dma_start3A_1376 : memref<1x4x2x128xi32, #tpu.memory_space<vmem>> -> memref<4x2x128xi32, #tpu.memory_space<vmem>>
      %dma_start3A_1378 = arith.constant 0 : i32
      %dma_start3A_1379 = arith.constant 0 : i32
      %dma_start3A_1380 = arith.constant 0 : i32
      %dma_start3A_1381 = tpu.memref_slice %arg2[%add3A, %min3A_1361, %dma_start3A_1378, %dma_start3A_1379, %dma_start3A_1380] : memref<32x100x4x2x128xi32, #tpu.memory_space<hbm>> -> memref<1x1x4x2x128xi32, #tpu.memory_space<hbm>>
      %dma_start3A_1382 = tpu.memref_squeeze %dma_start3A_1381 : memref<1x1x4x2x128xi32, #tpu.memory_space<hbm>> -> memref<4x2x128xi32, #tpu.memory_space<hbm>>
      tpu.enqueue_dma source(%dma_start3A_1382 : memref<4x2x128xi32, #tpu.memory_space<hbm>>) target(%dma_start3A_1377 : memref<4x2x128xi32, #tpu.memory_space<vmem>>) target_semaphore(%arg15 : memref<!tpu.dma_semaphore, #tpu.memory_space<semaphore_mem>>)
      %mul3A_1383 = arith.constant 4 : i32
      %mul3A_1384 = arith.muli %add3A_1336, %mul3A_1383 : i32
      %sub3A_1385 = arith.constant 4 : i32
      %sub3A_1386 = arith.subi %mul3A_1384, %sub3A_1385 : i32
      %add3A_1387 = arith.constant 0 : i32
      %add3A_1388 = arith.addi %sub3A_1386, %add3A_1387 : i32
      %mul3A_1389 = arith.constant 400 : i32
      %mul3A_1390 = arith.muli %add3A, %mul3A_1389 : i32
      %add3A_1391 = arith.addi %mul3A_1390, %add3A_1388 : i32
      %mul3A_1392 = arith.constant 256 : i32
      %mul3A_1393 = arith.muli %add3A_1391, %mul3A_1392 : i32
      %dma_wait3A_1394 = arith.constant 0 : i32
      %dma_wait3A_1395 = arith.constant 0 : i32
      %dma_wait3A_1396 = arith.constant 0 : i32
      %dma_wait3A_1397 = tpu.memref_slice %arg6[%dma_wait3A_1394, %dma_wait3A_1395, %dma_wait3A_1396] : memref<4x256x64xf32, #tpu.memory_space<vmem>> -> memref<1x256x64xf32, #tpu.memory_space<vmem>>
      %dma_wait3A_1398 = tpu.memref_squeeze %dma_wait3A_1397 : memref<1x256x64xf32, #tpu.memory_space<vmem>> -> memref<256x64xf32, #tpu.memory_space<vmem>>
      %dma_wait3A_1399 = arith.constant 0 : i32
      %dma_wait3A_1400 = tpu.memref_slice %arg4[%mul3A_1393, %dma_wait3A_1399] : memref<3276800x128xf32, #tpu.memory_space<hbm>> -> memref<256x64xf32, #tpu.memory_space<hbm>>
      %dma_wait3A_1401 = arith.constant 0 : i32
      %dma_wait3A_1402 = tpu.memref_slice %arg4[%mul3A_1393, %dma_wait3A_1401] : memref<3276800x128xf32, #tpu.memory_space<hbm>> -> memref<256x64xf32, #tpu.memory_space<hbm>>
      %dma_wait3A_1403 = arith.constant 0 : i32
      %dma_wait3A_1404 = arith.constant 0 : i32
      %dma_wait3A_1405 = tpu.memref_slice %arg6[%dma_wait3A_1394, %dma_wait3A_1403, %dma_wait3A_1404] : memref<4x256x64xf32, #tpu.memory_space<vmem>> -> memref<1x256x64xf32, #tpu.memory_space<vmem>>
      %dma_wait3A_1406 = tpu.memref_squeeze %dma_wait3A_1405 : memref<1x256x64xf32, #tpu.memory_space<vmem>> -> memref<256x64xf32, #tpu.memory_space<vmem>>
      tpu.wait_dma2 semaphore(%arg11 : memref<!tpu.dma_semaphore, #tpu.memory_space<semaphore_mem>>) src(%dma_wait3A_1406 : memref<256x64xf32, #tpu.memory_space<vmem>>) dst(%dma_wait3A_1402 : memref<256x64xf32, #tpu.memory_space<hbm>>)
      %dma_start3A_1407 = arith.constant 1 : i32
      %dma_start3A_1408 = arith.constant 0 : i32
      %dma_start3A_1409 = arith.constant 0 : i32
      %dma_start3A_1410 = arith.constant 0 : i32
      %dma_start3A_1411 = arith.constant 0 : i32
      %dma_start3A_1412 = arith.constant 0 : i32
      %dma_start3A_1413 = tpu.memref_slice %arg6[%dma_start3A_1410, %dma_start3A_1411, %dma_start3A_1412] : memref<4x256x64xf32, #tpu.memory_space<vmem>> -> memref<1x128x64xf32, #tpu.memory_space<vmem>>
      %dma_start3A_1414 = tpu.memref_squeeze %dma_start3A_1413 : memref<1x128x64xf32, #tpu.memory_space<vmem>> -> memref<128x64xf32, #tpu.memory_space<vmem>>
      %dma_start3A_1415 = arith.constant 0 : i32
      %dma_start3A_1416 = tpu.memref_slice %arg5[%dma_start3A_1407, %dma_start3A_1408, %dma_start3A_1409, %dma_start3A_1415] : memref<2x4x2x128xi32, #tpu.memory_space<vmem>> -> memref<1x1x1x128xi32, #tpu.memory_space<vmem>>
      %dma_start3A_1417 = tpu.memref_squeeze %dma_start3A_1416 : memref<1x1x1x128xi32, #tpu.memory_space<vmem>> -> memref<128xi32, #tpu.memory_space<vmem>>
      %dma_start3A_1418 = arith.constant 0 : i32
      %dma_start3A_1419 = arith.constant 0 : i32
      %dma_start3A_1420 = tpu.memref_slice %arg3[%dma_start3A_1418, %dma_start3A_1419] : memref<1000000x64xf32, #tpu.memory_space<hbm>> -> memref<1000000x64xf32, #tpu.memory_space<hbm>>
      tpu.enqueue_indirect_dma source(%dma_start3A_1420 : memref<1000000x64xf32, #tpu.memory_space<hbm>>) target(%dma_start3A_1414 : memref<128x64xf32, #tpu.memory_space<vmem>>) offsets(%dma_start3A_1417 : memref<128xi32, #tpu.memory_space<vmem>>) semaphore(%arg7 : memref<!tpu.dma_semaphore, #tpu.memory_space<semaphore_mem>>)
      %dma_start3A_1421 = arith.constant 1 : i32
      %dma_start3A_1422 = arith.constant 0 : i32
      %dma_start3A_1423 = arith.constant 1 : i32
      %dma_start3A_1424 = arith.constant 0 : i32
      %dma_start3A_1425 = arith.constant 128 : i32
      %dma_start3A_1426 = arith.constant 0 : i32
      %dma_start3A_1427 = tpu.memref_slice %arg6[%dma_start3A_1424, %dma_start3A_1425, %dma_start3A_1426] : memref<4x256x64xf32, #tpu.memory_space<vmem>> -> memref<1x128x64xf32, #tpu.memory_space<vmem>>
      %dma_start3A_1428 = tpu.memref_squeeze %dma_start3A_1427 : memref<1x128x64xf32, #tpu.memory_space<vmem>> -> memref<128x64xf32, #tpu.memory_space<vmem>>
      %dma_start3A_1429 = arith.constant 0 : i32
      %dma_start3A_1430 = tpu.memref_slice %arg5[%dma_start3A_1421, %dma_start3A_1422, %dma_start3A_1423, %dma_start3A_1429] : memref<2x4x2x128xi32, #tpu.memory_space<vmem>> -> memref<1x1x1x128xi32, #tpu.memory_space<vmem>>
      %dma_start3A_1431 = tpu.memref_squeeze %dma_start3A_1430 : memref<1x1x1x128xi32, #tpu.memory_space<vmem>> -> memref<128xi32, #tpu.memory_space<vmem>>
      %dma_start3A_1432 = arith.constant 0 : i32
      %dma_start3A_1433 = arith.constant 0 : i32
      %dma_start3A_1434 = tpu.memref_slice %arg3[%dma_start3A_1432, %dma_start3A_1433] : memref<1000000x64xf32, #tpu.memory_space<hbm>> -> memref<1000000x64xf32, #tpu.memory_space<hbm>>
      tpu.enqueue_indirect_dma source(%dma_start3A_1434 : memref<1000000x64xf32, #tpu.memory_space<hbm>>) target(%dma_start3A_1428 : memref<128x64xf32, #tpu.memory_space<vmem>>) offsets(%dma_start3A_1431 : memref<128xi32, #tpu.memory_space<vmem>>) semaphore(%arg7 : memref<!tpu.dma_semaphore, #tpu.memory_space<semaphore_mem>>)
      %sub3A_1435 = arith.constant 4 : i32
      %sub3A_1436 = arith.subi %mul3A_1384, %sub3A_1435 : i32
      %add3A_1437 = arith.constant 1 : i32
      %add3A_1438 = arith.addi %sub3A_1436, %add3A_1437 : i32
      %mul3A_1439 = arith.constant 400 : i32
      %mul3A_1440 = arith.muli %add3A, %mul3A_1439 : i32
      %add3A_1441 = arith.addi %mul3A_1440, %add3A_1438 : i32
      %mul3A_1442 = arith.constant 256 : i32
      %mul3A_1443 = arith.muli %add3A_1441, %mul3A_1442 : i32
      %dma_wait3A_1444 = arith.constant 1 : i32
      %dma_wait3A_1445 = arith.constant 0 : i32
      %dma_wait3A_1446 = arith.constant 0 : i32
      %dma_wait3A_1447 = tpu.memref_slice %arg6[%dma_wait3A_1444, %dma_wait3A_1445, %dma_wait3A_1446] : memref<4x256x64xf32, #tpu.memory_space<vmem>> -> memref<1x256x64xf32, #tpu.memory_space<vmem>>
      %dma_wait3A_1448 = tpu.memref_squeeze %dma_wait3A_1447 : memref<1x256x64xf32, #tpu.memory_space<vmem>> -> memref<256x64xf32, #tpu.memory_space<vmem>>
      %dma_wait3A_1449 = arith.constant 0 : i32
      %dma_wait3A_1450 = tpu.memref_slice %arg4[%mul3A_1443, %dma_wait3A_1449] : memref<3276800x128xf32, #tpu.memory_space<hbm>> -> memref<256x64xf32, #tpu.memory_space<hbm>>
      %dma_wait3A_1451 = arith.constant 0 : i32
      %dma_wait3A_1452 = tpu.memref_slice %arg4[%mul3A_1443, %dma_wait3A_1451] : memref<3276800x128xf32, #tpu.memory_space<hbm>> -> memref<256x64xf32, #tpu.memory_space<hbm>>
      %dma_wait3A_1453 = arith.constant 0 : i32
      %dma_wait3A_1454 = arith.constant 0 : i32
      %dma_wait3A_1455 = tpu.memref_slice %arg6[%dma_wait3A_1444, %dma_wait3A_1453, %dma_wait3A_1454] : memref<4x256x64xf32, #tpu.memory_space<vmem>> -> memref<1x256x64xf32, #tpu.memory_space<vmem>>
      %dma_wait3A_1456 = tpu.memref_squeeze %dma_wait3A_1455 : memref<1x256x64xf32, #tpu.memory_space<vmem>> -> memref<256x64xf32, #tpu.memory_space<vmem>>
      tpu.wait_dma2 semaphore(%arg12 : memref<!tpu.dma_semaphore, #tpu.memory_space<semaphore_mem>>) src(%dma_wait3A_1456 : memref<256x64xf32, #tpu.memory_space<vmem>>) dst(%dma_wait3A_1452 : memref<256x64xf32, #tpu.memory_space<hbm>>)
      %dma_start3A_1457 = arith.constant 1 : i32
      %dma_start3A_1458 = arith.constant 1 : i32
      %dma_start3A_1459 = arith.constant 0 : i32
      %dma_start3A_1460 = arith.constant 1 : i32
      %dma_start3A_1461 = arith.constant 0 : i32
      %dma_start3A_1462 = arith.constant 0 : i32
      %dma_start3A_1463 = tpu.memref_slice %arg6[%dma_start3A_1460, %dma_start3A_1461, %dma_start3A_1462] : memref<4x256x64xf32, #tpu.memory_space<vmem>> -> memref<1x128x64xf32, #tpu.memory_space<vmem>>
      %dma_start3A_1464 = tpu.memref_squeeze %dma_start3A_1463 : memref<1x128x64xf32, #tpu.memory_space<vmem>> -> memref<128x64xf32, #tpu.memory_space<vmem>>
      %dma_start3A_1465 = arith.constant 0 : i32
      %dma_start3A_1466 = tpu.memref_slice %arg5[%dma_start3A_1457, %dma_start3A_1458, %dma_start3A_1459, %dma_start3A_1465] : memref<2x4x2x128xi32, #tpu.memory_space<vmem>> -> memref<1x1x1x128xi32, #tpu.memory_space<vmem>>
      %dma_start3A_1467 = tpu.memref_squeeze %dma_start3A_1466 : memref<1x1x1x128xi32, #tpu.memory_space<vmem>> -> memref<128xi32, #tpu.memory_space<vmem>>
      %dma_start3A_1468 = arith.constant 0 : i32
      %dma_start3A_1469 = arith.constant 0 : i32
      %dma_start3A_1470 = tpu.memref_slice %arg3[%dma_start3A_1468, %dma_start3A_1469] : memref<1000000x64xf32, #tpu.memory_space<hbm>> -> memref<1000000x64xf32, #tpu.memory_space<hbm>>
      tpu.enqueue_indirect_dma source(%dma_start3A_1470 : memref<1000000x64xf32, #tpu.memory_space<hbm>>) target(%dma_start3A_1464 : memref<128x64xf32, #tpu.memory_space<vmem>>) offsets(%dma_start3A_1467 : memref<128xi32, #tpu.memory_space<vmem>>) semaphore(%arg8 : memref<!tpu.dma_semaphore, #tpu.memory_space<semaphore_mem>>)
      %dma_start3A_1471 = arith.constant 1 : i32
      %dma_start3A_1472 = arith.constant 1 : i32
      %dma_start3A_1473 = arith.constant 1 : i32
      %dma_start3A_1474 = arith.constant 1 : i32
      %dma_start3A_1475 = arith.constant 128 : i32
      %dma_start3A_1476 = arith.constant 0 : i32
      %dma_start3A_1477 = tpu.memref_slice %arg6[%dma_start3A_1474, %dma_start3A_1475, %dma_start3A_1476] : memref<4x256x64xf32, #tpu.memory_space<vmem>> -> memref<1x128x64xf32, #tpu.memory_space<vmem>>
      %dma_start3A_1478 = tpu.memref_squeeze %dma_start3A_1477 : memref<1x128x64xf32, #tpu.memory_space<vmem>> -> memref<128x64xf32, #tpu.memory_space<vmem>>
      %dma_start3A_1479 = arith.constant 0 : i32
      %dma_start3A_1480 = tpu.memref_slice %arg5[%dma_start3A_1471, %dma_start3A_1472, %dma_start3A_1473, %dma_start3A_1479] : memref<2x4x2x128xi32, #tpu.memory_space<vmem>> -> memref<1x1x1x128xi32, #tpu.memory_space<vmem>>
      %dma_start3A_1481 = tpu.memref_squeeze %dma_start3A_1480 : memref<1x1x1x128xi32, #tpu.memory_space<vmem>> -> memref<128xi32, #tpu.memory_space<vmem>>
      %dma_start3A_1482 = arith.constant 0 : i32
      %dma_start3A_1483 = arith.constant 0 : i32
      %dma_start3A_1484 = tpu.memref_slice %arg3[%dma_start3A_1482, %dma_start3A_1483] : memref<1000000x64xf32, #tpu.memory_space<hbm>> -> memref<1000000x64xf32, #tpu.memory_space<hbm>>
      tpu.enqueue_indirect_dma source(%dma_start3A_1484 : memref<1000000x64xf32, #tpu.memory_space<hbm>>) target(%dma_start3A_1478 : memref<128x64xf32, #tpu.memory_space<vmem>>) offsets(%dma_start3A_1481 : memref<128xi32, #tpu.memory_space<vmem>>) semaphore(%arg8 : memref<!tpu.dma_semaphore, #tpu.memory_space<semaphore_mem>>)
      %sub3A_1485 = arith.constant 4 : i32
      %sub3A_1486 = arith.subi %mul3A_1384, %sub3A_1485 : i32
      %add3A_1487 = arith.constant 2 : i32
      %add3A_1488 = arith.addi %sub3A_1486, %add3A_1487 : i32
      %mul3A_1489 = arith.constant 400 : i32
      %mul3A_1490 = arith.muli %add3A, %mul3A_1489 : i32
      %add3A_1491 = arith.addi %mul3A_1490, %add3A_1488 : i32
      %mul3A_1492 = arith.constant 256 : i32
      %mul3A_1493 = arith.muli %add3A_1491, %mul3A_1492 : i32
      %dma_wait3A_1494 = arith.constant 2 : i32
      %dma_wait3A_1495 = arith.constant 0 : i32
      %dma_wait3A_1496 = arith.constant 0 : i32
      %dma_wait3A_1497 = tpu.memref_slice %arg6[%dma_wait3A_1494, %dma_wait3A_1495, %dma_wait3A_1496] : memref<4x256x64xf32, #tpu.memory_space<vmem>> -> memref<1x256x64xf32, #tpu.memory_space<vmem>>
      %dma_wait3A_1498 = tpu.memref_squeeze %dma_wait3A_1497 : memref<1x256x64xf32, #tpu.memory_space<vmem>> -> memref<256x64xf32, #tpu.memory_space<vmem>>
      %dma_wait3A_1499 = arith.constant 0 : i32
      %dma_wait3A_1500 = tpu.memref_slice %arg4[%mul3A_1493, %dma_wait3A_1499] : memref<3276800x128xf32, #tpu.memory_space<hbm>> -> memref<256x64xf32, #tpu.memory_space<hbm>>
      %dma_wait3A_1501 = arith.constant 0 : i32
      %dma_wait3A_1502 = tpu.memref_slice %arg4[%mul3A_1493, %dma_wait3A_1501] : memref<3276800x128xf32, #tpu.memory_space<hbm>> -> memref<256x64xf32, #tpu.memory_space<hbm>>
      %dma_wait3A_1503 = arith.constant 0 : i32
      %dma_wait3A_1504 = arith.constant 0 : i32
      %dma_wait3A_1505 = tpu.memref_slice %arg6[%dma_wait3A_1494, %dma_wait3A_1503, %dma_wait3A_1504] : memref<4x256x64xf32, #tpu.memory_space<vmem>> -> memref<1x256x64xf32, #tpu.memory_space<vmem>>
      %dma_wait3A_1506 = tpu.memref_squeeze %dma_wait3A_1505 : memref<1x256x64xf32, #tpu.memory_space<vmem>> -> memref<256x64xf32, #tpu.memory_space<vmem>>
      tpu.wait_dma2 semaphore(%arg13 : memref<!tpu.dma_semaphore, #tpu.memory_space<semaphore_mem>>) src(%dma_wait3A_1506 : memref<256x64xf32, #tpu.memory_space<vmem>>) dst(%dma_wait3A_1502 : memref<256x64xf32, #tpu.memory_space<hbm>>)
      %dma_start3A_1507 = arith.constant 1 : i32
      %dma_start3A_1508 = arith.constant 2 : i32
      %dma_start3A_1509 = arith.constant 0 : i32
      %dma_start3A_1510 = arith.constant 2 : i32
      %dma_start3A_1511 = arith.constant 0 : i32
      %dma_start3A_1512 = arith.constant 0 : i32
      %dma_start3A_1513 = tpu.memref_slice %arg6[%dma_start3A_1510, %dma_start3A_1511, %dma_start3A_1512] : memref<4x256x64xf32, #tpu.memory_space<vmem>> -> memref<1x128x64xf32, #tpu.memory_space<vmem>>
      %dma_start3A_1514 = tpu.memref_squeeze %dma_start3A_1513 : memref<1x128x64xf32, #tpu.memory_space<vmem>> -> memref<128x64xf32, #tpu.memory_space<vmem>>
      %dma_start3A_1515 = arith.constant 0 : i32
      %dma_start3A_1516 = tpu.memref_slice %arg5[%dma_start3A_1507, %dma_start3A_1508, %dma_start3A_1509, %dma_start3A_1515] : memref<2x4x2x128xi32, #tpu.memory_space<vmem>> -> memref<1x1x1x128xi32, #tpu.memory_space<vmem>>
      %dma_start3A_1517 = tpu.memref_squeeze %dma_start3A_1516 : memref<1x1x1x128xi32, #tpu.memory_space<vmem>> -> memref<128xi32, #tpu.memory_space<vmem>>
      %dma_start3A_1518 = arith.constant 0 : i32
      %dma_start3A_1519 = arith.constant 0 : i32
      %dma_start3A_1520 = tpu.memref_slice %arg3[%dma_start3A_1518, %dma_start3A_1519] : memref<1000000x64xf32, #tpu.memory_space<hbm>> -> memref<1000000x64xf32, #tpu.memory_space<hbm>>
      tpu.enqueue_indirect_dma source(%dma_start3A_1520 : memref<1000000x64xf32, #tpu.memory_space<hbm>>) target(%dma_start3A_1514 : memref<128x64xf32, #tpu.memory_space<vmem>>) offsets(%dma_start3A_1517 : memref<128xi32, #tpu.memory_space<vmem>>) semaphore(%arg9 : memref<!tpu.dma_semaphore, #tpu.memory_space<semaphore_mem>>)
      %dma_start3A_1521 = arith.constant 1 : i32
      %dma_start3A_1522 = arith.constant 2 : i32
      %dma_start3A_1523 = arith.constant 1 : i32
      %dma_start3A_1524 = arith.constant 2 : i32
      %dma_start3A_1525 = arith.constant 128 : i32
      %dma_start3A_1526 = arith.constant 0 : i32
      %dma_start3A_1527 = tpu.memref_slice %arg6[%dma_start3A_1524, %dma_start3A_1525, %dma_start3A_1526] : memref<4x256x64xf32, #tpu.memory_space<vmem>> -> memref<1x128x64xf32, #tpu.memory_space<vmem>>
      %dma_start3A_1528 = tpu.memref_squeeze %dma_start3A_1527 : memref<1x128x64xf32, #tpu.memory_space<vmem>> -> memref<128x64xf32, #tpu.memory_space<vmem>>
      %dma_start3A_1529 = arith.constant 0 : i32
      %dma_start3A_1530 = tpu.memref_slice %arg5[%dma_start3A_1521, %dma_start3A_1522, %dma_start3A_1523, %dma_start3A_1529] : memref<2x4x2x128xi32, #tpu.memory_space<vmem>> -> memref<1x1x1x128xi32, #tpu.memory_space<vmem>>
      %dma_start3A_1531 = tpu.memref_squeeze %dma_start3A_1530 : memref<1x1x1x128xi32, #tpu.memory_space<vmem>> -> memref<128xi32, #tpu.memory_space<vmem>>
      %dma_start3A_1532 = arith.constant 0 : i32
      %dma_start3A_1533 = arith.constant 0 : i32
      %dma_start3A_1534 = tpu.memref_slice %arg3[%dma_start3A_1532, %dma_start3A_1533] : memref<1000000x64xf32, #tpu.memory_space<hbm>> -> memref<1000000x64xf32, #tpu.memory_space<hbm>>
      tpu.enqueue_indirect_dma source(%dma_start3A_1534 : memref<1000000x64xf32, #tpu.memory_space<hbm>>) target(%dma_start3A_1528 : memref<128x64xf32, #tpu.memory_space<vmem>>) offsets(%dma_start3A_1531 : memref<128xi32, #tpu.memory_space<vmem>>) semaphore(%arg9 : memref<!tpu.dma_semaphore, #tpu.memory_space<semaphore_mem>>)
      %sub3A_1535 = arith.constant 4 : i32
      %sub3A_1536 = arith.subi %mul3A_1384, %sub3A_1535 : i32
      %add3A_1537 = arith.constant 3 : i32
      %add3A_1538 = arith.addi %sub3A_1536, %add3A_1537 : i32
      %mul3A_1539 = arith.constant 400 : i32
      %mul3A_1540 = arith.muli %add3A, %mul3A_1539 : i32
      %add3A_1541 = arith.addi %mul3A_1540, %add3A_1538 : i32
      %mul3A_1542 = arith.constant 256 : i32
      %mul3A_1543 = arith.muli %add3A_1541, %mul3A_1542 : i32
      %dma_wait3A_1544 = arith.constant 3 : i32
      %dma_wait3A_1545 = arith.constant 0 : i32
      %dma_wait3A_1546 = arith.constant 0 : i32
      %dma_wait3A_1547 = tpu.memref_slice %arg6[%dma_wait3A_1544, %dma_wait3A_1545, %dma_wait3A_1546] : memref<4x256x64xf32, #tpu.memory_space<vmem>> -> memref<1x256x64xf32, #tpu.memory_space<vmem>>
      %dma_wait3A_1548 = tpu.memref_squeeze %dma_wait3A_1547 : memref<1x256x64xf32, #tpu.memory_space<vmem>> -> memref<256x64xf32, #tpu.memory_space<vmem>>
      %dma_wait3A_1549 = arith.constant 0 : i32
      %dma_wait3A_1550 = tpu.memref_slice %arg4[%mul3A_1543, %dma_wait3A_1549] : memref<3276800x128xf32, #tpu.memory_space<hbm>> -> memref<256x64xf32, #tpu.memory_space<hbm>>
      %dma_wait3A_1551 = arith.constant 0 : i32
      %dma_wait3A_1552 = tpu.memref_slice %arg4[%mul3A_1543, %dma_wait3A_1551] : memref<3276800x128xf32, #tpu.memory_space<hbm>> -> memref<256x64xf32, #tpu.memory_space<hbm>>
      %dma_wait3A_1553 = arith.constant 0 : i32
      %dma_wait3A_1554 = arith.constant 0 : i32
      %dma_wait3A_1555 = tpu.memref_slice %arg6[%dma_wait3A_1544, %dma_wait3A_1553, %dma_wait3A_1554] : memref<4x256x64xf32, #tpu.memory_space<vmem>> -> memref<1x256x64xf32, #tpu.memory_space<vmem>>
      %dma_wait3A_1556 = tpu.memref_squeeze %dma_wait3A_1555 : memref<1x256x64xf32, #tpu.memory_space<vmem>> -> memref<256x64xf32, #tpu.memory_space<vmem>>
      tpu.wait_dma2 semaphore(%arg14 : memref<!tpu.dma_semaphore, #tpu.memory_space<semaphore_mem>>) src(%dma_wait3A_1556 : memref<256x64xf32, #tpu.memory_space<vmem>>) dst(%dma_wait3A_1552 : memref<256x64xf32, #tpu.memory_space<hbm>>)
      %dma_start3A_1557 = arith.constant 1 : i32
      %dma_start3A_1558 = arith.constant 3 : i32
      %dma_start3A_1559 = arith.constant 0 : i32
      %dma_start3A_1560 = arith.constant 3 : i32
      %dma_start3A_1561 = arith.constant 0 : i32
      %dma_start3A_1562 = arith.constant 0 : i32
      %dma_start3A_1563 = tpu.memref_slice %arg6[%dma_start3A_1560, %dma_start3A_1561, %dma_start3A_1562] : memref<4x256x64xf32, #tpu.memory_space<vmem>> -> memref<1x128x64xf32, #tpu.memory_space<vmem>>
      %dma_start3A_1564 = tpu.memref_squeeze %dma_start3A_1563 : memref<1x128x64xf32, #tpu.memory_space<vmem>> -> memref<128x64xf32, #tpu.memory_space<vmem>>
      %dma_start3A_1565 = arith.constant 0 : i32
      %dma_start3A_1566 = tpu.memref_slice %arg5[%dma_start3A_1557, %dma_start3A_1558, %dma_start3A_1559, %dma_start3A_1565] : memref<2x4x2x128xi32, #tpu.memory_space<vmem>> -> memref<1x1x1x128xi32, #tpu.memory_space<vmem>>
      %dma_start3A_1567 = tpu.memref_squeeze %dma_start3A_1566 : memref<1x1x1x128xi32, #tpu.memory_space<vmem>> -> memref<128xi32, #tpu.memory_space<vmem>>
      %dma_start3A_1568 = arith.constant 0 : i32
      %dma_start3A_1569 = arith.constant 0 : i32
      %dma_start3A_1570 = tpu.memref_slice %arg3[%dma_start3A_1568, %dma_start3A_1569] : memref<1000000x64xf32, #tpu.memory_space<hbm>> -> memref<1000000x64xf32, #tpu.memory_space<hbm>>
      tpu.enqueue_indirect_dma source(%dma_start3A_1570 : memref<1000000x64xf32, #tpu.memory_space<hbm>>) target(%dma_start3A_1564 : memref<128x64xf32, #tpu.memory_space<vmem>>) offsets(%dma_start3A_1567 : memref<128xi32, #tpu.memory_space<vmem>>) semaphore(%arg10 : memref<!tpu.dma_semaphore, #tpu.memory_space<semaphore_mem>>)
      %dma_start3A_1571 = arith.constant 1 : i32
      %dma_start3A_1572 = arith.constant 3 : i32
      %dma_start3A_1573 = arith.constant 1 : i32
      %dma_start3A_1574 = arith.constant 3 : i32
      %dma_start3A_1575 = arith.constant 128 : i32
      %dma_start3A_1576 = arith.constant 0 : i32
      %dma_start3A_1577 = tpu.memref_slice %arg6[%dma_start3A_1574, %dma_start3A_1575, %dma_start3A_1576] : memref<4x256x64xf32, #tpu.memory_space<vmem>> -> memref<1x128x64xf32, #tpu.memory_space<vmem>>
      %dma_start3A_1578 = tpu.memref_squeeze %dma_start3A_1577 : memref<1x128x64xf32, #tpu.memory_space<vmem>> -> memref<128x64xf32, #tpu.memory_space<vmem>>
      %dma_start3A_1579 = arith.constant 0 : i32
      %dma_start3A_1580 = tpu.memref_slice %arg5[%dma_start3A_1571, %dma_start3A_1572, %dma_start3A_1573, %dma_start3A_1579] : memref<2x4x2x128xi32, #tpu.memory_space<vmem>> -> memref<1x1x1x128xi32, #tpu.memory_space<vmem>>
      %dma_start3A_1581 = tpu.memref_squeeze %dma_start3A_1580 : memref<1x1x1x128xi32, #tpu.memory_space<vmem>> -> memref<128xi32, #tpu.memory_space<vmem>>
      %dma_start3A_1582 = arith.constant 0 : i32
      %dma_start3A_1583 = arith.constant 0 : i32
      %dma_start3A_1584 = tpu.memref_slice %arg3[%dma_start3A_1582, %dma_start3A_1583] : memref<1000000x64xf32, #tpu.memory_space<hbm>> -> memref<1000000x64xf32, #tpu.memory_space<hbm>>
      tpu.enqueue_indirect_dma source(%dma_start3A_1584 : memref<1000000x64xf32, #tpu.memory_space<hbm>>) target(%dma_start3A_1578 : memref<128x64xf32, #tpu.memory_space<vmem>>) offsets(%dma_start3A_1581 : memref<128xi32, #tpu.memory_space<vmem>>) semaphore(%arg10 : memref<!tpu.dma_semaphore, #tpu.memory_space<semaphore_mem>>)
      %add3A_1585 = arith.constant 0 : i32
      %add3A_1586 = arith.addi %mul3A_1384, %add3A_1585 : i32
      %dma_wait3A_1587 = arith.constant 1 : i32
      %dma_wait3A_1588 = arith.constant 0 : i32
      %dma_wait3A_1589 = arith.constant 0 : i32
      %dma_wait3A_1590 = arith.constant 0 : i32
      %dma_wait3A_1591 = arith.constant 0 : i32
      %dma_wait3A_1592 = arith.constant 0 : i32
      %dma_wait3A_1593 = tpu.memref_slice %arg6[%dma_wait3A_1590, %dma_wait3A_1591, %dma_wait3A_1592] : memref<4x256x64xf32, #tpu.memory_space<vmem>> -> memref<1x128x64xf32, #tpu.memory_space<vmem>>
      %dma_wait3A_1594 = tpu.memref_squeeze %dma_wait3A_1593 : memref<1x128x64xf32, #tpu.memory_space<vmem>> -> memref<128x64xf32, #tpu.memory_space<vmem>>
      %dma_wait3A_1595 = arith.constant 0 : i32
      %dma_wait3A_1596 = tpu.memref_slice %arg5[%dma_wait3A_1587, %dma_wait3A_1588, %dma_wait3A_1589, %dma_wait3A_1595] : memref<2x4x2x128xi32, #tpu.memory_space<vmem>> -> memref<1x1x1x128xi32, #tpu.memory_space<vmem>>
      %dma_wait3A_1597 = tpu.memref_squeeze %dma_wait3A_1596 : memref<1x1x1x128xi32, #tpu.memory_space<vmem>> -> memref<128xi32, #tpu.memory_space<vmem>>
      %dma_wait3A_1598 = arith.constant 0 : i32
      %dma_wait3A_1599 = arith.constant 0 : i32
      %dma_wait3A_1600 = tpu.memref_slice %arg3[%dma_wait3A_1598, %dma_wait3A_1599] : memref<1000000x64xf32, #tpu.memory_space<hbm>> -> memref<1000000x64xf32, #tpu.memory_space<hbm>>
      tpu.wait_indirect_dma semaphore(%arg7 : memref<!tpu.dma_semaphore, #tpu.memory_space<semaphore_mem>>) src(%dma_wait3A_1600 : memref<1000000x64xf32, #tpu.memory_space<hbm>>) dst(%dma_wait3A_1594 : memref<128x64xf32, #tpu.memory_space<vmem>>)
      %dma_wait3A_1601 = arith.constant 1 : i32
      %dma_wait3A_1602 = arith.constant 0 : i32
      %dma_wait3A_1603 = arith.constant 1 : i32
      %dma_wait3A_1604 = arith.constant 0 : i32
      %dma_wait3A_1605 = arith.constant 128 : i32
      %dma_wait3A_1606 = arith.constant 0 : i32
      %dma_wait3A_1607 = tpu.memref_slice %arg6[%dma_wait3A_1604, %dma_wait3A_1605, %dma_wait3A_1606] : memref<4x256x64xf32, #tpu.memory_space<vmem>> -> memref<1x128x64xf32, #tpu.memory_space<vmem>>
      %dma_wait3A_1608 = tpu.memref_squeeze %dma_wait3A_1607 : memref<1x128x64xf32, #tpu.memory_space<vmem>> -> memref<128x64xf32, #tpu.memory_space<vmem>>
      %dma_wait3A_1609 = arith.constant 0 : i32
      %dma_wait3A_1610 = tpu.memref_slice %arg5[%dma_wait3A_1601, %dma_wait3A_1602, %dma_wait3A_1603, %dma_wait3A_1609] : memref<2x4x2x128xi32, #tpu.memory_space<vmem>> -> memref<1x1x1x128xi32, #tpu.memory_space<vmem>>
      %dma_wait3A_1611 = tpu.memref_squeeze %dma_wait3A_1610 : memref<1x1x1x128xi32, #tpu.memory_space<vmem>> -> memref<128xi32, #tpu.memory_space<vmem>>
      %dma_wait3A_1612 = arith.constant 0 : i32
      %dma_wait3A_1613 = arith.constant 0 : i32
      %dma_wait3A_1614 = tpu.memref_slice %arg3[%dma_wait3A_1612, %dma_wait3A_1613] : memref<1000000x64xf32, #tpu.memory_space<hbm>> -> memref<1000000x64xf32, #tpu.memory_space<hbm>>
      tpu.wait_indirect_dma semaphore(%arg7 : memref<!tpu.dma_semaphore, #tpu.memory_space<semaphore_mem>>) src(%dma_wait3A_1614 : memref<1000000x64xf32, #tpu.memory_space<hbm>>) dst(%dma_wait3A_1608 : memref<128x64xf32, #tpu.memory_space<vmem>>)
      %mul3A_1615 = arith.constant 400 : i32
      %mul3A_1616 = arith.muli %add3A, %mul3A_1615 : i32
      %add3A_1617 = arith.addi %mul3A_1616, %add3A_1586 : i32
      %mul3A_1618 = arith.constant 256 : i32
      %mul3A_1619 = arith.muli %add3A_1617, %mul3A_1618 : i32
      %dma_start3A_1620 = arith.constant 0 : i32
      %dma_start3A_1621 = arith.constant 0 : i32
      %dma_start3A_1622 = arith.constant 0 : i32
      %dma_start3A_1623 = tpu.memref_slice %arg6[%dma_start3A_1620, %dma_start3A_1621, %dma_start3A_1622] : memref<4x256x64xf32, #tpu.memory_space<vmem>> -> memref<1x256x64xf32, #tpu.memory_space<vmem>>
      %dma_start3A_1624 = tpu.memref_squeeze %dma_start3A_1623 : memref<1x256x64xf32, #tpu.memory_space<vmem>> -> memref<256x64xf32, #tpu.memory_space<vmem>>
      %dma_start3A_1625 = arith.constant 0 : i32
      %dma_start3A_1626 = tpu.memref_slice %arg4[%mul3A_1619, %dma_start3A_1625] : memref<3276800x128xf32, #tpu.memory_space<hbm>> -> memref<256x64xf32, #tpu.memory_space<hbm>>
      %dma_start3A_1627 = arith.constant 0 : i32
      %dma_start3A_1628 = tpu.memref_slice %arg4[%mul3A_1619, %dma_start3A_1627] : memref<3276800x128xf32, #tpu.memory_space<hbm>> -> memref<256x64xf32, #tpu.memory_space<hbm>>
      %dma_start3A_1629 = arith.constant 0 : i32
      %dma_start3A_1630 = arith.constant 0 : i32
      %dma_start3A_1631 = tpu.memref_slice %arg6[%dma_start3A_1620, %dma_start3A_1629, %dma_start3A_1630] : memref<4x256x64xf32, #tpu.memory_space<vmem>> -> memref<1x256x64xf32, #tpu.memory_space<vmem>>
      %dma_start3A_1632 = tpu.memref_squeeze %dma_start3A_1631 : memref<1x256x64xf32, #tpu.memory_space<vmem>> -> memref<256x64xf32, #tpu.memory_space<vmem>>
      tpu.enqueue_dma source(%dma_start3A_1632 : memref<256x64xf32, #tpu.memory_space<vmem>>) target(%dma_start3A_1628 : memref<256x64xf32, #tpu.memory_space<hbm>>) target_semaphore(%arg11 : memref<!tpu.dma_semaphore, #tpu.memory_space<semaphore_mem>>)
      %add3A_1633 = arith.constant 1 : i32
      %add3A_1634 = arith.addi %mul3A_1384, %add3A_1633 : i32
      %dma_wait3A_1635 = arith.constant 1 : i32
      %dma_wait3A_1636 = arith.constant 1 : i32
      %dma_wait3A_1637 = arith.constant 0 : i32
      %dma_wait3A_1638 = arith.constant 1 : i32
      %dma_wait3A_1639 = arith.constant 0 : i32
      %dma_wait3A_1640 = arith.constant 0 : i32
      %dma_wait3A_1641 = tpu.memref_slice %arg6[%dma_wait3A_1638, %dma_wait3A_1639, %dma_wait3A_1640] : memref<4x256x64xf32, #tpu.memory_space<vmem>> -> memref<1x128x64xf32, #tpu.memory_space<vmem>>
      %dma_wait3A_1642 = tpu.memref_squeeze %dma_wait3A_1641 : memref<1x128x64xf32, #tpu.memory_space<vmem>> -> memref<128x64xf32, #tpu.memory_space<vmem>>
      %dma_wait3A_1643 = arith.constant 0 : i32
      %dma_wait3A_1644 = tpu.memref_slice %arg5[%dma_wait3A_1635, %dma_wait3A_1636, %dma_wait3A_1637, %dma_wait3A_1643] : memref<2x4x2x128xi32, #tpu.memory_space<vmem>> -> memref<1x1x1x128xi32, #tpu.memory_space<vmem>>
      %dma_wait3A_1645 = tpu.memref_squeeze %dma_wait3A_1644 : memref<1x1x1x128xi32, #tpu.memory_space<vmem>> -> memref<128xi32, #tpu.memory_space<vmem>>
      %dma_wait3A_1646 = arith.constant 0 : i32
      %dma_wait3A_1647 = arith.constant 0 : i32
      %dma_wait3A_1648 = tpu.memref_slice %arg3[%dma_wait3A_1646, %dma_wait3A_1647] : memref<1000000x64xf32, #tpu.memory_space<hbm>> -> memref<1000000x64xf32, #tpu.memory_space<hbm>>
      tpu.wait_indirect_dma semaphore(%arg8 : memref<!tpu.dma_semaphore, #tpu.memory_space<semaphore_mem>>) src(%dma_wait3A_1648 : memref<1000000x64xf32, #tpu.memory_space<hbm>>) dst(%dma_wait3A_1642 : memref<128x64xf32, #tpu.memory_space<vmem>>)
      %dma_wait3A_1649 = arith.constant 1 : i32
      %dma_wait3A_1650 = arith.constant 1 : i32
      %dma_wait3A_1651 = arith.constant 1 : i32
      %dma_wait3A_1652 = arith.constant 1 : i32
      %dma_wait3A_1653 = arith.constant 128 : i32
      %dma_wait3A_1654 = arith.constant 0 : i32
      %dma_wait3A_1655 = tpu.memref_slice %arg6[%dma_wait3A_1652, %dma_wait3A_1653, %dma_wait3A_1654] : memref<4x256x64xf32, #tpu.memory_space<vmem>> -> memref<1x128x64xf32, #tpu.memory_space<vmem>>
      %dma_wait3A_1656 = tpu.memref_squeeze %dma_wait3A_1655 : memref<1x128x64xf32, #tpu.memory_space<vmem>> -> memref<128x64xf32, #tpu.memory_space<vmem>>
      %dma_wait3A_1657 = arith.constant 0 : i32
      %dma_wait3A_1658 = tpu.memref_slice %arg5[%dma_wait3A_1649, %dma_wait3A_1650, %dma_wait3A_1651, %dma_wait3A_1657] : memref<2x4x2x128xi32, #tpu.memory_space<vmem>> -> memref<1x1x1x128xi32, #tpu.memory_space<vmem>>
      %dma_wait3A_1659 = tpu.memref_squeeze %dma_wait3A_1658 : memref<1x1x1x128xi32, #tpu.memory_space<vmem>> -> memref<128xi32, #tpu.memory_space<vmem>>
      %dma_wait3A_1660 = arith.constant 0 : i32
      %dma_wait3A_1661 = arith.constant 0 : i32
      %dma_wait3A_1662 = tpu.memref_slice %arg3[%dma_wait3A_1660, %dma_wait3A_1661] : memref<1000000x64xf32, #tpu.memory_space<hbm>> -> memref<1000000x64xf32, #tpu.memory_space<hbm>>
      tpu.wait_indirect_dma semaphore(%arg8 : memref<!tpu.dma_semaphore, #tpu.memory_space<semaphore_mem>>) src(%dma_wait3A_1662 : memref<1000000x64xf32, #tpu.memory_space<hbm>>) dst(%dma_wait3A_1656 : memref<128x64xf32, #tpu.memory_space<vmem>>)
      %mul3A_1663 = arith.constant 400 : i32
      %mul3A_1664 = arith.muli %add3A, %mul3A_1663 : i32
      %add3A_1665 = arith.addi %mul3A_1664, %add3A_1634 : i32
      %mul3A_1666 = arith.constant 256 : i32
      %mul3A_1667 = arith.muli %add3A_1665, %mul3A_1666 : i32
      %dma_start3A_1668 = arith.constant 1 : i32
      %dma_start3A_1669 = arith.constant 0 : i32
      %dma_start3A_1670 = arith.constant 0 : i32
      %dma_start3A_1671 = tpu.memref_slice %arg6[%dma_start3A_1668, %dma_start3A_1669, %dma_start3A_1670] : memref<4x256x64xf32, #tpu.memory_space<vmem>> -> memref<1x256x64xf32, #tpu.memory_space<vmem>>
      %dma_start3A_1672 = tpu.memref_squeeze %dma_start3A_1671 : memref<1x256x64xf32, #tpu.memory_space<vmem>> -> memref<256x64xf32, #tpu.memory_space<vmem>>
      %dma_start3A_1673 = arith.constant 0 : i32
      %dma_start3A_1674 = tpu.memref_slice %arg4[%mul3A_1667, %dma_start3A_1673] : memref<3276800x128xf32, #tpu.memory_space<hbm>> -> memref<256x64xf32, #tpu.memory_space<hbm>>
      %dma_start3A_1675 = arith.constant 0 : i32
      %dma_start3A_1676 = tpu.memref_slice %arg4[%mul3A_1667, %dma_start3A_1675] : memref<3276800x128xf32, #tpu.memory_space<hbm>> -> memref<256x64xf32, #tpu.memory_space<hbm>>
      %dma_start3A_1677 = arith.constant 0 : i32
      %dma_start3A_1678 = arith.constant 0 : i32
      %dma_start3A_1679 = tpu.memref_slice %arg6[%dma_start3A_1668, %dma_start3A_1677, %dma_start3A_1678] : memref<4x256x64xf32, #tpu.memory_space<vmem>> -> memref<1x256x64xf32, #tpu.memory_space<vmem>>
      %dma_start3A_1680 = tpu.memref_squeeze %dma_start3A_1679 : memref<1x256x64xf32, #tpu.memory_space<vmem>> -> memref<256x64xf32, #tpu.memory_space<vmem>>
      tpu.enqueue_dma source(%dma_start3A_1680 : memref<256x64xf32, #tpu.memory_space<vmem>>) target(%dma_start3A_1676 : memref<256x64xf32, #tpu.memory_space<hbm>>) target_semaphore(%arg12 : memref<!tpu.dma_semaphore, #tpu.memory_space<semaphore_mem>>)
      %add3A_1681 = arith.constant 2 : i32
      %add3A_1682 = arith.addi %mul3A_1384, %add3A_1681 : i32
      %dma_wait3A_1683 = arith.constant 1 : i32
      %dma_wait3A_1684 = arith.constant 2 : i32
      %dma_wait3A_1685 = arith.constant 0 : i32
      %dma_wait3A_1686 = arith.constant 2 : i32
      %dma_wait3A_1687 = arith.constant 0 : i32
      %dma_wait3A_1688 = arith.constant 0 : i32
      %dma_wait3A_1689 = tpu.memref_slice %arg6[%dma_wait3A_1686, %dma_wait3A_1687, %dma_wait3A_1688] : memref<4x256x64xf32, #tpu.memory_space<vmem>> -> memref<1x128x64xf32, #tpu.memory_space<vmem>>
      %dma_wait3A_1690 = tpu.memref_squeeze %dma_wait3A_1689 : memref<1x128x64xf32, #tpu.memory_space<vmem>> -> memref<128x64xf32, #tpu.memory_space<vmem>>
      %dma_wait3A_1691 = arith.constant 0 : i32
      %dma_wait3A_1692 = tpu.memref_slice %arg5[%dma_wait3A_1683, %dma_wait3A_1684, %dma_wait3A_1685, %dma_wait3A_1691] : memref<2x4x2x128xi32, #tpu.memory_space<vmem>> -> memref<1x1x1x128xi32, #tpu.memory_space<vmem>>
      %dma_wait3A_1693 = tpu.memref_squeeze %dma_wait3A_1692 : memref<1x1x1x128xi32, #tpu.memory_space<vmem>> -> memref<128xi32, #tpu.memory_space<vmem>>
      %dma_wait3A_1694 = arith.constant 0 : i32
      %dma_wait3A_1695 = arith.constant 0 : i32
      %dma_wait3A_1696 = tpu.memref_slice %arg3[%dma_wait3A_1694, %dma_wait3A_1695] : memref<1000000x64xf32, #tpu.memory_space<hbm>> -> memref<1000000x64xf32, #tpu.memory_space<hbm>>
      tpu.wait_indirect_dma semaphore(%arg9 : memref<!tpu.dma_semaphore, #tpu.memory_space<semaphore_mem>>) src(%dma_wait3A_1696 : memref<1000000x64xf32, #tpu.memory_space<hbm>>) dst(%dma_wait3A_1690 : memref<128x64xf32, #tpu.memory_space<vmem>>)
      %dma_wait3A_1697 = arith.constant 1 : i32
      %dma_wait3A_1698 = arith.constant 2 : i32
      %dma_wait3A_1699 = arith.constant 1 : i32
      %dma_wait3A_1700 = arith.constant 2 : i32
      %dma_wait3A_1701 = arith.constant 128 : i32
      %dma_wait3A_1702 = arith.constant 0 : i32
      %dma_wait3A_1703 = tpu.memref_slice %arg6[%dma_wait3A_1700, %dma_wait3A_1701, %dma_wait3A_1702] : memref<4x256x64xf32, #tpu.memory_space<vmem>> -> memref<1x128x64xf32, #tpu.memory_space<vmem>>
      %dma_wait3A_1704 = tpu.memref_squeeze %dma_wait3A_1703 : memref<1x128x64xf32, #tpu.memory_space<vmem>> -> memref<128x64xf32, #tpu.memory_space<vmem>>
      %dma_wait3A_1705 = arith.constant 0 : i32
      %dma_wait3A_1706 = tpu.memref_slice %arg5[%dma_wait3A_1697, %dma_wait3A_1698, %dma_wait3A_1699, %dma_wait3A_1705] : memref<2x4x2x128xi32, #tpu.memory_space<vmem>> -> memref<1x1x1x128xi32, #tpu.memory_space<vmem>>
      %dma_wait3A_1707 = tpu.memref_squeeze %dma_wait3A_1706 : memref<1x1x1x128xi32, #tpu.memory_space<vmem>> -> memref<128xi32, #tpu.memory_space<vmem>>
      %dma_wait3A_1708 = arith.constant 0 : i32
      %dma_wait3A_1709 = arith.constant 0 : i32
      %dma_wait3A_1710 = tpu.memref_slice %arg3[%dma_wait3A_1708, %dma_wait3A_1709] : memref<1000000x64xf32, #tpu.memory_space<hbm>> -> memref<1000000x64xf32, #tpu.memory_space<hbm>>
      tpu.wait_indirect_dma semaphore(%arg9 : memref<!tpu.dma_semaphore, #tpu.memory_space<semaphore_mem>>) src(%dma_wait3A_1710 : memref<1000000x64xf32, #tpu.memory_space<hbm>>) dst(%dma_wait3A_1704 : memref<128x64xf32, #tpu.memory_space<vmem>>)
      %mul3A_1711 = arith.constant 400 : i32
      %mul3A_1712 = arith.muli %add3A, %mul3A_1711 : i32
      %add3A_1713 = arith.addi %mul3A_1712, %add3A_1682 : i32
      %mul3A_1714 = arith.constant 256 : i32
      %mul3A_1715 = arith.muli %add3A_1713, %mul3A_1714 : i32
      %dma_start3A_1716 = arith.constant 2 : i32
      %dma_start3A_1717 = arith.constant 0 : i32
      %dma_start3A_1718 = arith.constant 0 : i32
      %dma_start3A_1719 = tpu.memref_slice %arg6[%dma_start3A_1716, %dma_start3A_1717, %dma_start3A_1718] : memref<4x256x64xf32, #tpu.memory_space<vmem>> -> memref<1x256x64xf32, #tpu.memory_space<vmem>>
      %dma_start3A_1720 = tpu.memref_squeeze %dma_start3A_1719 : memref<1x256x64xf32, #tpu.memory_space<vmem>> -> memref<256x64xf32, #tpu.memory_space<vmem>>
      %dma_start3A_1721 = arith.constant 0 : i32
      %dma_start3A_1722 = tpu.memref_slice %arg4[%mul3A_1715, %dma_start3A_1721] : memref<3276800x128xf32, #tpu.memory_space<hbm>> -> memref<256x64xf32, #tpu.memory_space<hbm>>
      %dma_start3A_1723 = arith.constant 0 : i32
      %dma_start3A_1724 = tpu.memref_slice %arg4[%mul3A_1715, %dma_start3A_1723] : memref<3276800x128xf32, #tpu.memory_space<hbm>> -> memref<256x64xf32, #tpu.memory_space<hbm>>
      %dma_start3A_1725 = arith.constant 0 : i32
      %dma_start3A_1726 = arith.constant 0 : i32
      %dma_start3A_1727 = tpu.memref_slice %arg6[%dma_start3A_1716, %dma_start3A_1725, %dma_start3A_1726] : memref<4x256x64xf32, #tpu.memory_space<vmem>> -> memref<1x256x64xf32, #tpu.memory_space<vmem>>
      %dma_start3A_1728 = tpu.memref_squeeze %dma_start3A_1727 : memref<1x256x64xf32, #tpu.memory_space<vmem>> -> memref<256x64xf32, #tpu.memory_space<vmem>>
      tpu.enqueue_dma source(%dma_start3A_1728 : memref<256x64xf32, #tpu.memory_space<vmem>>) target(%dma_start3A_1724 : memref<256x64xf32, #tpu.memory_space<hbm>>) target_semaphore(%arg13 : memref<!tpu.dma_semaphore, #tpu.memory_space<semaphore_mem>>)
      %add3A_1729 = arith.constant 3 : i32
      %add3A_1730 = arith.addi %mul3A_1384, %add3A_1729 : i32
      %dma_wait3A_1731 = arith.constant 1 : i32
      %dma_wait3A_1732 = arith.constant 3 : i32
      %dma_wait3A_1733 = arith.constant 0 : i32
      %dma_wait3A_1734 = arith.constant 3 : i32
      %dma_wait3A_1735 = arith.constant 0 : i32
      %dma_wait3A_1736 = arith.constant 0 : i32
      %dma_wait3A_1737 = tpu.memref_slice %arg6[%dma_wait3A_1734, %dma_wait3A_1735, %dma_wait3A_1736] : memref<4x256x64xf32, #tpu.memory_space<vmem>> -> memref<1x128x64xf32, #tpu.memory_space<vmem>>
      %dma_wait3A_1738 = tpu.memref_squeeze %dma_wait3A_1737 : memref<1x128x64xf32, #tpu.memory_space<vmem>> -> memref<128x64xf32, #tpu.memory_space<vmem>>
      %dma_wait3A_1739 = arith.constant 0 : i32
      %dma_wait3A_1740 = tpu.memref_slice %arg5[%dma_wait3A_1731, %dma_wait3A_1732, %dma_wait3A_1733, %dma_wait3A_1739] : memref<2x4x2x128xi32, #tpu.memory_space<vmem>> -> memref<1x1x1x128xi32, #tpu.memory_space<vmem>>
      %dma_wait3A_1741 = tpu.memref_squeeze %dma_wait3A_1740 : memref<1x1x1x128xi32, #tpu.memory_space<vmem>> -> memref<128xi32, #tpu.memory_space<vmem>>
      %dma_wait3A_1742 = arith.constant 0 : i32
      %dma_wait3A_1743 = arith.constant 0 : i32
      %dma_wait3A_1744 = tpu.memref_slice %arg3[%dma_wait3A_1742, %dma_wait3A_1743] : memref<1000000x64xf32, #tpu.memory_space<hbm>> -> memref<1000000x64xf32, #tpu.memory_space<hbm>>
      tpu.wait_indirect_dma semaphore(%arg10 : memref<!tpu.dma_semaphore, #tpu.memory_space<semaphore_mem>>) src(%dma_wait3A_1744 : memref<1000000x64xf32, #tpu.memory_space<hbm>>) dst(%dma_wait3A_1738 : memref<128x64xf32, #tpu.memory_space<vmem>>)
      %dma_wait3A_1745 = arith.constant 1 : i32
      %dma_wait3A_1746 = arith.constant 3 : i32
      %dma_wait3A_1747 = arith.constant 1 : i32
      %dma_wait3A_1748 = arith.constant 3 : i32
      %dma_wait3A_1749 = arith.constant 128 : i32
      %dma_wait3A_1750 = arith.constant 0 : i32
      %dma_wait3A_1751 = tpu.memref_slice %arg6[%dma_wait3A_1748, %dma_wait3A_1749, %dma_wait3A_1750] : memref<4x256x64xf32, #tpu.memory_space<vmem>> -> memref<1x128x64xf32, #tpu.memory_space<vmem>>
      %dma_wait3A_1752 = tpu.memref_squeeze %dma_wait3A_1751 : memref<1x128x64xf32, #tpu.memory_space<vmem>> -> memref<128x64xf32, #tpu.memory_space<vmem>>
      %dma_wait3A_1753 = arith.constant 0 : i32
      %dma_wait3A_1754 = tpu.memref_slice %arg5[%dma_wait3A_1745, %dma_wait3A_1746, %dma_wait3A_1747, %dma_wait3A_1753] : memref<2x4x2x128xi32, #tpu.memory_space<vmem>> -> memref<1x1x1x128xi32, #tpu.memory_space<vmem>>
      %dma_wait3A_1755 = tpu.memref_squeeze %dma_wait3A_1754 : memref<1x1x1x128xi32, #tpu.memory_space<vmem>> -> memref<128xi32, #tpu.memory_space<vmem>>
      %dma_wait3A_1756 = arith.constant 0 : i32
      %dma_wait3A_1757 = arith.constant 0 : i32
      %dma_wait3A_1758 = tpu.memref_slice %arg3[%dma_wait3A_1756, %dma_wait3A_1757] : memref<1000000x64xf32, #tpu.memory_space<hbm>> -> memref<1000000x64xf32, #tpu.memory_space<hbm>>
      tpu.wait_indirect_dma semaphore(%arg10 : memref<!tpu.dma_semaphore, #tpu.memory_space<semaphore_mem>>) src(%dma_wait3A_1758 : memref<1000000x64xf32, #tpu.memory_space<hbm>>) dst(%dma_wait3A_1752 : memref<128x64xf32, #tpu.memory_space<vmem>>)
      %mul3A_1759 = arith.constant 400 : i32
      %mul3A_1760 = arith.muli %add3A, %mul3A_1759 : i32
      %add3A_1761 = arith.addi %mul3A_1760, %add3A_1730 : i32
      %mul3A_1762 = arith.constant 256 : i32
      %mul3A_1763 = arith.muli %add3A_1761, %mul3A_1762 : i32
      %dma_start3A_1764 = arith.constant 3 : i32
      %dma_start3A_1765 = arith.constant 0 : i32
      %dma_start3A_1766 = arith.constant 0 : i32
      %dma_start3A_1767 = tpu.memref_slice %arg6[%dma_start3A_1764, %dma_start3A_1765, %dma_start3A_1766] : memref<4x256x64xf32, #tpu.memory_space<vmem>> -> memref<1x256x64xf32, #tpu.memory_space<vmem>>
      %dma_start3A_1768 = tpu.memref_squeeze %dma_start3A_1767 : memref<1x256x64xf32, #tpu.memory_space<vmem>> -> memref<256x64xf32, #tpu.memory_space<vmem>>
      %dma_start3A_1769 = arith.constant 0 : i32
      %dma_start3A_1770 = tpu.memref_slice %arg4[%mul3A_1763, %dma_start3A_1769] : memref<3276800x128xf32, #tpu.memory_space<hbm>> -> memref<256x64xf32, #tpu.memory_space<hbm>>
      %dma_start3A_1771 = arith.constant 0 : i32
      %dma_start3A_1772 = tpu.memref_slice %arg4[%mul3A_1763, %dma_start3A_1771] : memref<3276800x128xf32, #tpu.memory_space<hbm>> -> memref<256x64xf32, #tpu.memory_space<hbm>>
      %dma_start3A_1773 = arith.constant 0 : i32
      %dma_start3A_1774 = arith.constant 0 : i32
      %dma_start3A_1775 = tpu.memref_slice %arg6[%dma_start3A_1764, %dma_start3A_1773, %dma_start3A_1774] : memref<4x256x64xf32, #tpu.memory_space<vmem>> -> memref<1x256x64xf32, #tpu.memory_space<vmem>>
      %dma_start3A_1776 = tpu.memref_squeeze %dma_start3A_1775 : memref<1x256x64xf32, #tpu.memory_space<vmem>> -> memref<256x64xf32, #tpu.memory_space<vmem>>
      tpu.enqueue_dma source(%dma_start3A_1776 : memref<256x64xf32, #tpu.memory_space<vmem>>) target(%dma_start3A_1772 : memref<256x64xf32, #tpu.memory_space<hbm>>) target_semaphore(%arg14 : memref<!tpu.dma_semaphore, #tpu.memory_space<semaphore_mem>>)
    }
    %scan3A_792 = arith.constant 49 : i32
    %dma_wait3A_793 = arith.constant 99 : i32
    %dma_wait3A_794 = arith.constant 0 : i32
    %dma_wait3A_795 = arith.constant 0 : i32
    %dma_wait3A_796 = arith.constant 0 : i32
    %dma_wait3A_797 = arith.constant 0 : i32
    %dma_wait3A_798 = tpu.memref_slice %arg5[%dma_wait3A_794, %dma_wait3A_795, %dma_wait3A_796, %dma_wait3A_797] : memref<2x4x2x128xi32, #tpu.memory_space<vmem>> -> memref<1x4x2x128xi32, #tpu.memory_space<vmem>>
    %dma_wait3A_799 = tpu.memref_squeeze %dma_wait3A_798 : memref<1x4x2x128xi32, #tpu.memory_space<vmem>> -> memref<4x2x128xi32, #tpu.memory_space<vmem>>
    %dma_wait3A_800 = arith.constant 0 : i32
    %dma_wait3A_801 = arith.constant 0 : i32
    %dma_wait3A_802 = arith.constant 0 : i32
    %dma_wait3A_803 = tpu.memref_slice %arg2[%add3A, %dma_wait3A_793, %dma_wait3A_800, %dma_wait3A_801, %dma_wait3A_802] : memref<32x100x4x2x128xi32, #tpu.memory_space<hbm>> -> memref<1x1x4x2x128xi32, #tpu.memory_space<hbm>>
    %dma_wait3A_804 = tpu.memref_squeeze %dma_wait3A_803 : memref<1x1x4x2x128xi32, #tpu.memory_space<hbm>> -> memref<4x2x128xi32, #tpu.memory_space<hbm>>
    %dma_wait3A_805 = arith.constant 0 : i32
    %dma_wait3A_806 = arith.constant 0 : i32
    %dma_wait3A_807 = arith.constant 0 : i32
    %dma_wait3A_808 = tpu.memref_slice %arg5[%dma_wait3A_794, %dma_wait3A_805, %dma_wait3A_806, %dma_wait3A_807] : memref<2x4x2x128xi32, #tpu.memory_space<vmem>> -> memref<1x4x2x128xi32, #tpu.memory_space<vmem>>
    %dma_wait3A_809 = tpu.memref_squeeze %dma_wait3A_808 : memref<1x4x2x128xi32, #tpu.memory_space<vmem>> -> memref<4x2x128xi32, #tpu.memory_space<vmem>>
    %dma_wait3A_810 = arith.constant 0 : i32
    %dma_wait3A_811 = arith.constant 0 : i32
    %dma_wait3A_812 = arith.constant 0 : i32
    %dma_wait3A_813 = tpu.memref_slice %arg2[%add3A, %dma_wait3A_793, %dma_wait3A_810, %dma_wait3A_811, %dma_wait3A_812] : memref<32x100x4x2x128xi32, #tpu.memory_space<hbm>> -> memref<1x1x4x2x128xi32, #tpu.memory_space<hbm>>
    %dma_wait3A_814 = tpu.memref_squeeze %dma_wait3A_813 : memref<1x1x4x2x128xi32, #tpu.memory_space<hbm>> -> memref<4x2x128xi32, #tpu.memory_space<hbm>>
    tpu.wait_dma2 semaphore(%arg15 : memref<!tpu.dma_semaphore, #tpu.memory_space<semaphore_mem>>) src(%dma_wait3A_814 : memref<4x2x128xi32, #tpu.memory_space<hbm>>) dst(%dma_wait3A_809 : memref<4x2x128xi32, #tpu.memory_space<vmem>>)
    %mul3A_815 = arith.constant 400 : i32
    %mul3A_816 = arith.muli %add3A, %mul3A_815 : i32
    %add3A_817 = arith.constant 396 : i32
    %add3A_818 = arith.addi %mul3A_816, %add3A_817 : i32
    %mul3A_819 = arith.constant 256 : i32
    %mul3A_820 = arith.muli %add3A_818, %mul3A_819 : i32
    %dma_wait3A_821 = arith.constant 0 : i32
    %dma_wait3A_822 = arith.constant 0 : i32
    %dma_wait3A_823 = arith.constant 0 : i32
    %dma_wait3A_824 = tpu.memref_slice %arg6[%dma_wait3A_821, %dma_wait3A_822, %dma_wait3A_823] : memref<4x256x64xf32, #tpu.memory_space<vmem>> -> memref<1x256x64xf32, #tpu.memory_space<vmem>>
    %dma_wait3A_825 = tpu.memref_squeeze %dma_wait3A_824 : memref<1x256x64xf32, #tpu.memory_space<vmem>> -> memref<256x64xf32, #tpu.memory_space<vmem>>
    %dma_wait3A_826 = arith.constant 0 : i32
    %dma_wait3A_827 = tpu.memref_slice %arg4[%mul3A_820, %dma_wait3A_826] : memref<3276800x128xf32, #tpu.memory_space<hbm>> -> memref<256x64xf32, #tpu.memory_space<hbm>>
    %dma_wait3A_828 = arith.constant 0 : i32
    %dma_wait3A_829 = tpu.memref_slice %arg4[%mul3A_820, %dma_wait3A_828] : memref<3276800x128xf32, #tpu.memory_space<hbm>> -> memref<256x64xf32, #tpu.memory_space<hbm>>
    %dma_wait3A_830 = arith.constant 0 : i32
    %dma_wait3A_831 = arith.constant 0 : i32
    %dma_wait3A_832 = tpu.memref_slice %arg6[%dma_wait3A_821, %dma_wait3A_830, %dma_wait3A_831] : memref<4x256x64xf32, #tpu.memory_space<vmem>> -> memref<1x256x64xf32, #tpu.memory_space<vmem>>
    %dma_wait3A_833 = tpu.memref_squeeze %dma_wait3A_832 : memref<1x256x64xf32, #tpu.memory_space<vmem>> -> memref<256x64xf32, #tpu.memory_space<vmem>>
    tpu.wait_dma2 semaphore(%arg11 : memref<!tpu.dma_semaphore, #tpu.memory_space<semaphore_mem>>) src(%dma_wait3A_833 : memref<256x64xf32, #tpu.memory_space<vmem>>) dst(%dma_wait3A_829 : memref<256x64xf32, #tpu.memory_space<hbm>>)
    %mul3A_834 = arith.constant 400 : i32
    %mul3A_835 = arith.muli %add3A, %mul3A_834 : i32
    %add3A_836 = arith.constant 397 : i32
    %add3A_837 = arith.addi %mul3A_835, %add3A_836 : i32
    %mul3A_838 = arith.constant 256 : i32
    %mul3A_839 = arith.muli %add3A_837, %mul3A_838 : i32
    %dma_wait3A_840 = arith.constant 1 : i32
    %dma_wait3A_841 = arith.constant 0 : i32
    %dma_wait3A_842 = arith.constant 0 : i32
    %dma_wait3A_843 = tpu.memref_slice %arg6[%dma_wait3A_840, %dma_wait3A_841, %dma_wait3A_842] : memref<4x256x64xf32, #tpu.memory_space<vmem>> -> memref<1x256x64xf32, #tpu.memory_space<vmem>>
    %dma_wait3A_844 = tpu.memref_squeeze %dma_wait3A_843 : memref<1x256x64xf32, #tpu.memory_space<vmem>> -> memref<256x64xf32, #tpu.memory_space<vmem>>
    %dma_wait3A_845 = arith.constant 0 : i32
    %dma_wait3A_846 = tpu.memref_slice %arg4[%mul3A_839, %dma_wait3A_845] : memref<3276800x128xf32, #tpu.memory_space<hbm>> -> memref<256x64xf32, #tpu.memory_space<hbm>>
    %dma_wait3A_847 = arith.constant 0 : i32
    %dma_wait3A_848 = tpu.memref_slice %arg4[%mul3A_839, %dma_wait3A_847] : memref<3276800x128xf32, #tpu.memory_space<hbm>> -> memref<256x64xf32, #tpu.memory_space<hbm>>
    %dma_wait3A_849 = arith.constant 0 : i32
    %dma_wait3A_850 = arith.constant 0 : i32
    %dma_wait3A_851 = tpu.memref_slice %arg6[%dma_wait3A_840, %dma_wait3A_849, %dma_wait3A_850] : memref<4x256x64xf32, #tpu.memory_space<vmem>> -> memref<1x256x64xf32, #tpu.memory_space<vmem>>
    %dma_wait3A_852 = tpu.memref_squeeze %dma_wait3A_851 : memref<1x256x64xf32, #tpu.memory_space<vmem>> -> memref<256x64xf32, #tpu.memory_space<vmem>>
    tpu.wait_dma2 semaphore(%arg12 : memref<!tpu.dma_semaphore, #tpu.memory_space<semaphore_mem>>) src(%dma_wait3A_852 : memref<256x64xf32, #tpu.memory_space<vmem>>) dst(%dma_wait3A_848 : memref<256x64xf32, #tpu.memory_space<hbm>>)
    %mul3A_853 = arith.constant 400 : i32
    %mul3A_854 = arith.muli %add3A, %mul3A_853 : i32
    %add3A_855 = arith.constant 398 : i32
    %add3A_856 = arith.addi %mul3A_854, %add3A_855 : i32
    %mul3A_857 = arith.constant 256 : i32
    %mul3A_858 = arith.muli %add3A_856, %mul3A_857 : i32
    %dma_wait3A_859 = arith.constant 2 : i32
    %dma_wait3A_860 = arith.constant 0 : i32
    %dma_wait3A_861 = arith.constant 0 : i32
    %dma_wait3A_862 = tpu.memref_slice %arg6[%dma_wait3A_859, %dma_wait3A_860, %dma_wait3A_861] : memref<4x256x64xf32, #tpu.memory_space<vmem>> -> memref<1x256x64xf32, #tpu.memory_space<vmem>>
    %dma_wait3A_863 = tpu.memref_squeeze %dma_wait3A_862 : memref<1x256x64xf32, #tpu.memory_space<vmem>> -> memref<256x64xf32, #tpu.memory_space<vmem>>
    %dma_wait3A_864 = arith.constant 0 : i32
    %dma_wait3A_865 = tpu.memref_slice %arg4[%mul3A_858, %dma_wait3A_864] : memref<3276800x128xf32, #tpu.memory_space<hbm>> -> memref<256x64xf32, #tpu.memory_space<hbm>>
    %dma_wait3A_866 = arith.constant 0 : i32
    %dma_wait3A_867 = tpu.memref_slice %arg4[%mul3A_858, %dma_wait3A_866] : memref<3276800x128xf32, #tpu.memory_space<hbm>> -> memref<256x64xf32, #tpu.memory_space<hbm>>
    %dma_wait3A_868 = arith.constant 0 : i32
    %dma_wait3A_869 = arith.constant 0 : i32
    %dma_wait3A_870 = tpu.memref_slice %arg6[%dma_wait3A_859, %dma_wait3A_868, %dma_wait3A_869] : memref<4x256x64xf32, #tpu.memory_space<vmem>> -> memref<1x256x64xf32, #tpu.memory_space<vmem>>
    %dma_wait3A_871 = tpu.memref_squeeze %dma_wait3A_870 : memref<1x256x64xf32, #tpu.memory_space<vmem>> -> memref<256x64xf32, #tpu.memory_space<vmem>>
    tpu.wait_dma2 semaphore(%arg13 : memref<!tpu.dma_semaphore, #tpu.memory_space<semaphore_mem>>) src(%dma_wait3A_871 : memref<256x64xf32, #tpu.memory_space<vmem>>) dst(%dma_wait3A_867 : memref<256x64xf32, #tpu.memory_space<hbm>>)
    %mul3A_872 = arith.constant 400 : i32
    %mul3A_873 = arith.muli %add3A, %mul3A_872 : i32
    %add3A_874 = arith.constant 399 : i32
    %add3A_875 = arith.addi %mul3A_873, %add3A_874 : i32
    %mul3A_876 = arith.constant 256 : i32
    %mul3A_877 = arith.muli %add3A_875, %mul3A_876 : i32
    %dma_wait3A_878 = arith.constant 3 : i32
    %dma_wait3A_879 = arith.constant 0 : i32
    %dma_wait3A_880 = arith.constant 0 : i32
    %dma_wait3A_881 = tpu.memref_slice %arg6[%dma_wait3A_878, %dma_wait3A_879, %dma_wait3A_880] : memref<4x256x64xf32, #tpu.memory_space<vmem>> -> memref<1x256x64xf32, #tpu.memory_space<vmem>>
    %dma_wait3A_882 = tpu.memref_squeeze %dma_wait3A_881 : memref<1x256x64xf32, #tpu.memory_space<vmem>> -> memref<256x64xf32, #tpu.memory_space<vmem>>
    %dma_wait3A_883 = arith.constant 0 : i32
    %dma_wait3A_884 = tpu.memref_slice %arg4[%mul3A_877, %dma_wait3A_883] : memref<3276800x128xf32, #tpu.memory_space<hbm>> -> memref<256x64xf32, #tpu.memory_space<hbm>>
    %dma_wait3A_885 = arith.constant 0 : i32
    %dma_wait3A_886 = tpu.memref_slice %arg4[%mul3A_877, %dma_wait3A_885] : memref<3276800x128xf32, #tpu.memory_space<hbm>> -> memref<256x64xf32, #tpu.memory_space<hbm>>
    %dma_wait3A_887 = arith.constant 0 : i32
    %dma_wait3A_888 = arith.constant 0 : i32
    %dma_wait3A_889 = tpu.memref_slice %arg6[%dma_wait3A_878, %dma_wait3A_887, %dma_wait3A_888] : memref<4x256x64xf32, #tpu.memory_space<vmem>> -> memref<1x256x64xf32, #tpu.memory_space<vmem>>
    %dma_wait3A_890 = tpu.memref_squeeze %dma_wait3A_889 : memref<1x256x64xf32, #tpu.memory_space<vmem>> -> memref<256x64xf32, #tpu.memory_space<vmem>>
    tpu.wait_dma2 semaphore(%arg14 : memref<!tpu.dma_semaphore, #tpu.memory_space<semaphore_mem>>) src(%dma_wait3A_890 : memref<256x64xf32, #tpu.memory_space<vmem>>) dst(%dma_wait3A_886 : memref<256x64xf32, #tpu.memory_space<hbm>>)
    return
  }
}

</mosaic_0001>

<sc_bundles>
// kernel: kernel.3.cloned.1.call-start
scs
__scs_entry_jumppad:
0x0: {  	(pc) =	sbr.rel $0x88, $3  }
0x1: {  	(tag) =	ssettag $0x0;
	lr =	simm.s32 $0x1  }
0x2: {  	[smem:$0x3F9F] =	sst lr;
	_ =	strace $0xD0000000  }
0x3: {  	_ = 	snop  }
0x4: {  	_ = 	snop  }
0x5: {  	_ = 	snop  }
0x6: {  	_ = 	snop  }
0x7: {  	_ = 	snop  }
__scs_overlays_trampoline_lowered:
0x8: {  	[smem:$0x3FAE] =	sst s0  }
0x9: {  	[smem:$0x3FAF] =	sst s1  }
0xa: {  	[smem:$0x3FB0] =	sst s2  }
0xb: {  	[smem:$0x3FB1] =	sst s3  }
0xc: {  	[smem:$0x3FB2] =	sst s4  }
0xd: {  	[smem:$0x3FB3] =	sst s5  }
0xe: {  	[smem:$0x3FB4] =	sst s6  }
0xf: {  	[smem:$0x3FB5] =	sst s7  }
0x10: {  	[smem:$0x3FB6] =	sst s8  }
0x11: {  	[smem:$0x3FB7] =	sst s9;
	s0 =	simm.s32 @!p0 $0x0  }
0x12: {  	s1 =	sld [smem:$0x3F9D];
	s0 =	simm.s32 @p0 $0x1  }
0x13: {  	[smem:$0x3FB8] =	sst s0;
	s0 =	simm.s32 @!p1 $0x0  }
0x14: {  	s2 =	sld [smem:$0x3F9C];
	s0 =	simm.s32 @p1 $0x1  }
0x15: {  	[smem:$0x3FB9] =	sst s0;
	s0 =	simm.s32 @!p2 $0x0  }
0x16: {  	s3 =	sld [smem:$0x3FDB];
	s0 =	simm.s32 @p2 $0x1  }
0x17: {  	s4 =	simm.s32 $0x1BF5;
	[smem:$0x3FBB] =	sst s0  }
0x18: {  	s0 =	sld [smem:$0x3F9E];
	_ =	swait.ge [sflag:s4], $0x0  }
0x19: {  	s7 =	sld [smem:$0x3F9F]  }
0x1a: {  	s8 =	sadd.s32 $0xFFFFE003, lr  }
0x1b: {  	s9 =	sadd.s32 $0xFFFFFEF7, lr;
	s5 =	simm.s32 $0xFFFFFFFF;
	p2 =	slt.u32 s8, $0xFFFFF086  }
0x1c: {  	p1 =	slt.u32 s9, $0xF7A;
	s5 =	simm.s32 @!p2 $0x0  }
0x1d: {  	s5 =	simm.s32 @p1 $0x1;
	p0 =	seq.s32 s7, s2  }
0x1e: {  	s7 =	smul.u32 @!p0 $0xF7A, s2;
	p2 =	seq.s32 @!p0 s5, $0x0  }
0x1f: {  	s9 =	smul.u32 $0xF7A, s1;
	s8 =	simm.s32 @!p0 $0x1BF5;
	p2 =	por !p2, p0  }
0x20: {  	[sflag:s8] =	ssyncset.s32 @!p0 $0xFFFFF086;
	s6 =	sadd.s32 @!p0 s3, s7;
	s7 =	simm.s32 @!p0 $0x108  }
0x21: {  	s3 =	sadd.s32 s3, s9;
	s6 =	sadd.s32 @!p0 $0x88, s6;
	s7 =	simm.s32 @p2 $0x1082  }
0x22: {  	[simem:s7], [sflag:s8] =	dma.local @!p0 [hbm:s6], $0xF7A  }
0x23: {  	s9 =	sor.u32 $0xD0000000, s2;
	s6 =	simm.s32 $0x108;
	_ =	swait.ge @!p0 [sflag:s8], $0x0  }
0x24: {  	s3 =	sadd.s32 $0x88, s3;
	s6 =	simm.s32 @!p1 $0x1082;
	[sflag:s4] =	ssyncset.s32 $0xFFFFF086  }
0x25: {  	[simem:s6], [sflag:s4] =	dma.local [hbm:s3], $0xF7A  }
0x26: {  	[smem:$0x3F9F] =	sst s1;
	(tag) =	ssettag s2;
	_ =	strace s9  }
0x27: {  	s1 =	sld [smem:$0x3FAF]  }
0x28: {  	s2 =	sld [smem:$0x3FB0]  }
0x29: {  	s4 =	sld [smem:$0x3FB2]  }
0x2a: {  	p0 =	seq.s32 s5, $0x0;
	s5 =	sld [smem:$0x3FB3]  }
0x2b: {  	s6 =	sld [smem:$0x3FB4]  }
0x2c: {  	s7 =	sld [smem:$0x3FB5]  }
0x2d: {  	s3 =	simm.s32 $0x108;
	s8 =	sld [smem:$0x3FB6]  }
0x2e: {  	s3 =	simm.s32 @!p0 $0x1082;
	s9 =	sld [smem:$0x3FB7]  }
0x2f: {  	lr =	sadd.s32 s0, s3;
	s0 =	sld [smem:$0x3FAE]  }
0x30: {  	s3 =	sld [smem:$0x3FB1]  }
0x31: {  	[smem:$0x3FBA] =	sst s10  }
0x32: {  	s10 =	sld [smem:$0x3FB8];
	_ =	sdelay $0x3  }
0x33: {  	p0 =	seq.s32 s10, $0x1;
	s10 =	sld [smem:$0x3FBA];
	_ =	sdelay $0x3  }
0x34: {  	[smem:$0x3FBA] =	sst s10  }
0x35: {  	s10 =	sld [smem:$0x3FB9];
	_ =	sdelay $0x3  }
0x36: {  	p1 =	seq.s32 s10, $0x1;
	s10 =	sld [smem:$0x3FBA];
	_ =	sdelay $0x3  }
0x37: {  	[smem:$0x3FBA] =	sst s10  }
0x38: {  	s10 =	sld [smem:$0x3FBB]  }
0x39: {  	_ = 	snop;
	(pc) =	sbr.ind lr, $3  }
0x3a: {  	_ = 	snop  }
0x3b: {  	_ = 	snop  }
0x3c: {  	p2 =	seq.s32 s10, $0x1;
	s10 =	sld [smem:$0x3FBA]  }
0x3d: {  	_ =	shalt  }
0x3e: {  	_ =	shalt  }
0x3f: {  	_ =	shalt  }
0x40: {  	_ =	shalt  }
0x41: {  	_ =	shalt  }
0x42: {  	_ =	shalt  }
0x43: {  	_ =	shalt  }
0x44: {  	_ =	shalt  }
0x45: {  	_ =	shalt  }
0x46: {  	_ =	shalt  }
0x47: {  	_ =	shalt  }
0x48: {  	_ =	shalt  }
0x49: {  	_ =	shalt  }
0x4a: {  	_ =	shalt  }
0x4b: {  	_ =	shalt  }
0x4c: {  	_ =	shalt  }
0x4d: {  	_ =	shalt  }
0x4e: {  	_ =	shalt  }
0x4f: {  	_ =	shalt  }
0x50: {  	_ =	shalt  }
0x51: {  	_ =	shalt  }
0x52: {  	_ =	shalt  }
0x53: {  	_ =	shalt  }
0x54: {  	_ =	shalt  }
0x55: {  	_ =	shalt  }
0x56: {  	_ =	shalt  }
0x57: {  	_ =	shalt  }
0x58: {  	_ =	shalt  }
0x59: {  	_ =	shalt  }
0x5a: {  	_ =	shalt  }
0x5b: {  	_ =	shalt  }
0x5c: {  	_ =	shalt  }
0x5d: {  	_ =	shalt  }
0x5e: {  	_ =	shalt  }
0x5f: {  	_ =	shalt  }
0x60: {  	_ =	shalt  }
0x61: {  	_ =	shalt  }
0x62: {  	_ =	shalt  }
0x63: {  	_ =	shalt  }
0x64: {  	_ =	shalt  }
0x65: {  	_ =	shalt  }
0x66: {  	_ =	shalt  }
0x67: {  	_ =	shalt  }
0x68: {  	_ =	shalt  }
0x69: {  	_ =	shalt  }
0x6a: {  	_ =	shalt  }
0x6b: {  	_ =	shalt  }
0x6c: {  	_ =	shalt  }
0x6d: {  	_ =	shalt  }
0x6e: {  	_ =	shalt  }
0x6f: {  	_ =	shalt  }
0x70: {  	_ =	shalt  }
0x71: {  	_ =	shalt  }
0x72: {  	_ =	shalt  }
0x73: {  	_ =	shalt  }
0x74: {  	_ =	shalt  }
0x75: {  	_ =	shalt  }
0x76: {  	_ =	shalt  }
0x77: {  	_ =	shalt  }
0x78: {  	_ =	shalt  }
0x79: {  	_ =	shalt  }
0x7a: {  	_ =	shalt  }
0x7b: {  	_ =	shalt  }
0x7c: {  	_ =	shalt  }
0x7d: {  	_ =	shalt  }
0x7e: {  	_ =	shalt  }
0x7f: {  	_ =	shalt  }
0x80: {  	_ =	shalt  }
0x81: {  	_ =	shalt  }
0x82: {  	_ =	shalt  }
0x83: {  	_ =	shalt  }
0x84: {  	_ =	shalt  }
0x85: {  	_ =	shalt  }
0x86: {  	_ =	shalt  }
0x87: {  	_ =	shalt  }
.Lfunc_end0:
.L_simem_size_0:
called_computation.1_lowered:
.L_overlay_start_0:
0x88: {  	s2 =	sld [smem:$0x3FD9]  }
0x89: {  	s3 =	sld [smem:$0x3FFE];
	_ =	sdelay $0x1  }
0x8a: {  	s1 =	srdreg.scid  }
0x8b: {  	s0 =	sand.u32 $0x1, s1  }
0x8c: {  	s16 =	sshll.u32 s0, $0xA;
	s2 =	sadd.s32 s3, s2  }
0x8d: {  	s2 =	sadd.s32 s2, s16  }
0x8e: {  	[smem:$0x3FC6] =	sst s2  }
0x8f: {  	_ = 	snop  }
0x90: {  	(tm) =	ssettm $0x1  }
0x91: {  	s17 =	sld [smem:$0x3FFB];
	_ =	sdelay $0x3  }
0x92: {  	_ =	strace s17  }
0x93: {  	s2 =	sld [smem:$0x3FFC];
	_ =	sdelay $0x3  }
0x94: {  	_ =	strace s2  }
0x95: {  	s2 =	sld [smem:$0x3FFD];
	_ =	sdelay $0x3  }
0x96: {  	_ =	strace s2  }
0x97: {  	_ =	strace $0x8FFFFFFF  }
0x98: {  	s18 =	sld [smem:$0x3FDB];
	_ =	sdelay $0x1  }
0x99: {  	s19 =	simm.s32 $_scs_section_size  }
0x9a: {  	s4 =	simm.s32 $_size__tile_overlayer_lowered;
	s5 =	simm.s32 $_tile_overlayer_lowered  }
0x9b: {  	s22 =	simm.s32 $0x1BFF;
	s21 =	sshll.u32 s5, $0x1;
	s2 =	sadd.s32 s19, s18  }
0x9c: {  	s6 =	simm.s32 $0x0;
	s20 =	sshll.u32 s4, $0x1;
	s4 =	sadd.s32 s21, s2  }
0x9d: {  	[timem:s6], [sflag:s22] =	dma.local [hbm:s4], s20  }
0x9e: {  	_ =	swait.ge [sflag:s22], s20  }
0x9f: {  	s3 =	ssub.s32 $0x0, s20;
	[sflag:s22] =	ssyncset.done $0x0  }
0xa0: {  	[sflag:s22] =	ssyncadd.s32 s3;
	_ =	sdelay $0x1  }
0xa1: {  	s23 =	simm.s32 $0x1B8B  }
0xa2: {  	_ =	swait.ge [sflag:s23], $0x1  }
0xa3: {  	[sflag:s23] =	ssyncset.done $0x0  }
0xa4: {  	s25 =	simm.s32 $0x1B8E;
	s24 =	sld [smem:$0x3FFE];
	[sflag:s23] =	ssyncadd.s32 $0xFFFFFFFF  }
0xa5: {  	s26 =	simm.s32 $execute0_lowered;
	[smem:$0x3FD2] =	sst s25  }
0xa6: {  	s4 =	sshll.u32 s26, $0x1;
	_ =	strace $0x80000046;
	[dreg:$0x1] =	wrdreg $0xFFFFFFFF  }
0xa7: {  	s28 =	simm.s32 $_size_execute0_lowered;
	s2 =	sadd.s32 s2, s4;
	[dreg:$0x0] =	wrdreg $0x0  }
0xa8: {  	s4 =	sshll.u32 s28, $0x1;
	[dreg:$0x2] =	wrdreg s2  }
0xa9: {  	[dreg:$0x3] =	wrdreg s4  }
0xaa: {  	[dreg:$0x4] =	wrdreg $0xC0  }
0xab: {  	_ =	task [dreg:s6], $0x5FFFF  }
0xac: {  	[dreg:$0x1] =	wrdreg $0xFFFFFFFF  }
0xad: {  	[dreg:$0x0] =	wrdreg $0x60  }
0xae: {  	[dreg:$0x2] =	wrdreg s24  }
0xaf: {  	[dreg:$0x3] =	wrdreg $0x9  }
0xb0: {  	_ =	task.clear_ibuf [dreg:s6], $0x4FFFF;
	_ =	strace $0x90000046  }
0xb1: {  	s29 =	simm.s32 $0x9;
	_ =	strace $0x80000048  }
0xb2: {  	_ =	swait.ge [sflag:s29], $0x1  }
0xb3: {  	[sflag:s29] =	ssyncadd.s32 $0xFFFFFFFF  }
0xb4: {  	_ =	strace $0x90000048  }
0xb5: {  	_ =	sfence  }
0xb6: {  	s30 =	sld [smem:$0x0];
	_ =	sdelay $0x2  }
0xb7: {  	s31 =	sshll.u32 s1, $0xD;
	s1 =	sshrl.u32 s1, $0x2  }
0xb8: {  	s3 =	sand.u32 $0x4000, s31;
	s1 =	sadd.s32 s1, s30  }
0xb9: {  	s0 =	sor.u32 s3, s0;
	s1 =	sshll.u32 s1, $0x11  }
0xba: {  	s0 =	sor.u32 s1, s0  }
0xbb: {  	s0 =	sadd.s32 $0x8F2B, s0  }
0xbc: {  	[sflag:s0] =	ssyncadd.remote.s32 $0x1  }
0xbd: {  	_ =	sfence.sel $0xFFFF  }
0xbe: {  	[dreg:$0x0] =	wrdreg $0xFFFFFFFF;
	(pc) =	sbr.abs _section_cstart, $3  }
0xbf: {  	[dreg:$0x1] =	wrdreg $0xFFFFFFFF  }
0xc0: {  	_ =	task.clear_ibuf [dreg:s6], $0x2FFFF;
	_ =	strace $0x9FFFFFFF  }
0xc1: {  	(tm) =	ssettm $0x7FFFFFFF  }
tec
execute0_lowered:
.L_overlay_start_1:
0x0: {  	(tag) =	ssettag $0x1  }
0x1: {  	s0 =	rddreg [dreg:$0x0]  }
0x2: {  	s1 =	srdreg.scid;
	s10 =	stileid.u32  }
0x3: {  	s2 =	simm.s32 $0x0;
	s28 =	simm.s32 $0x6800;
	s30 =	simm.s32 $0x8800  }
0x4: {  	s29 =	simm.s32 $0x280;
	s31 =	simm.s32 $0x8;
	s12 =	smul.u32 $0x320, s10  }
0x5: {  	s1 =	sand.u32 $0x1, s1;
	s3 =	sshll.u32 s10, $0x1;
	s19 =	smul.u32 $0x32000, s10  }
0x6: {  	[smem:$0x7FF] =	sst s2;
	s4 =	sadd.s32 $0x64800, s0;
	s15 =	smul.u32 $0x190, s1  }
0x7: {  	s5 =	sor.u32 s1, s3;
	s7 =	ssub.s32 $0x2, s1;
	s1 =	smul.u32 $0x19000, s1  }
0x8: {  	s10 =	simm.s32 $0x1;
	_ =	strace $0x80000047;
	s6 =	smul.u32 $0x19000, s5  }
0x9: {  	s3 =	sadd.s32 $0x800, s0;
	s5 =	smul.u32 $0x190000, s5;
	s8 =	sshrl.u32 s7, $0x1  }
0xa: {  	s0 =	sadd.s32 $0x805A00, s0;
	s7 =	ssub.s32 s7, s8;
	s1 =	sadd.s32 s1, s19  }
0xb: {  	s19 =	simm.s32 $0x9;
	s9 =	sshrl.u32 s6, $0x3;
	s11 =	sadd.s32 s0, s5  }
0xc: {  	s5 =	sadd.s32 s15, s12;
	s6 =	sor.u32 $0x800, s6;
	s21 =	smax.u32 s7, $0x1  }
0xd: {  	s1 =	sor.u32 $0xC00, s1;
	s7 =	simm.s32 $0xC800;
	[dreg:$0x8] =	wrdreg s11  }
0xe: {  	s12 =	simm.s32 $0x3;
	s15 =	simm.s32 $0x5;
	[dreg:$0x2] =	wrdreg s6  }
0xf: {  	s9 =	sadd.s32 s3, s9;
	s8 =	sadd.s32 $0x1000, s11;
	[dreg:$0x12] =	wrdreg s21  }
0x10: {  	s13 =	sadd.s32 $0x2000, s11;
	s14 =	sadd.s32 $0x3000, s11;
	[dreg:$0xa] =	wrdreg s8  }
0x11: {  	s16 =	sadd.s32 $0x4000, s11;
	s17 =	sadd.s32 $0x5000, s11;
	[dreg:$0xb] =	wrdreg s13  }
0x12: {  	s18 =	sadd.s32 $0x6000, s11;
	s5 =	sshll.u32 s5, $0xC;
	[dreg:$0xc] =	wrdreg s14  }
0x13: {  	s20 =	sadd.s32 $0x7000, s11;
	s24 =	sshrl.u32 s1, $0x3;
	[dreg:$0x7] =	wrdreg s9  }
0x14: {  	s21 =	simm.s32 $0x80;
	s6 =	simm.s32 $0x100;
	[dreg:$0xe] =	wrdreg s16  }
0x15: {  	s11 =	simm.s32 $0x40;
	s1 =	simm.s32 $0x0;
	[dreg:$0xf] =	wrdreg s17  }
0x16: {  	s26 =	sadd.s32 $0x80, s9;
	s9 =	sadd.s32 $0x100, s9;
	[dreg:$0x10] =	wrdreg s18  }
0x17: {  	[dreg:$0x11] =	wrdreg s20;
	s16 =	sadd.s32 s5, s0;
	s8 =	smov.u32 s3  }
0x18: {  	s0 =	sadd.s32 s24, s3;
	s20 =	simm.s32 $0x400;
	[dreg:$0x14] =	wrdreg s1  }
0x19: {  	s18 =	simm.s32 $0x180;
	s3 =	simm.s32 $0x300;
	[dreg:$0x9] =	wrdreg s26  }
0x1a: {  	s13 =	simm.s32 $0x4;
	s14 =	simm.s32 $0xA;
	[dreg:$0xd] =	wrdreg s9  }
0x1b: {  	s5 =	simm.s32 $0x6;
	s22 =	sadd.s32 $0xA000, s16;
	[dreg:$0x13] =	wrdreg s0  }
0x1c: {  	s24 =	simm.s32 $0x7;
	s23 =	sadd.s32 $0x8000, s16;
	[dreg:$0x3] =	wrdreg s22  }
0x1d: {  	s17 =	simm.s32 $0x2;
	s25 =	sadd.s32 $0xE000, s16;
	[dreg:$0x4] =	wrdreg s23  }
0x1e: {  	s26 =	sadd.s32 $0xC000, s16;
	s0 =	simm.s32 $0xA800;
	[dreg:$0x5] =	wrdreg s25  }
0x1f: {  	s9 =	simm.s32 $0xE800;
	[dreg:$0x6] =	wrdreg s26;
	s22 =	simm.s32 $0x800  }
0x20: {  	s23 =	simm.s32 $0x2800;
	s25 =	simm.s32 $0x4800;
	s26 =	simm.s32 $0x200  }
.LBB2_1:
0x21: {  	s1 =	rddreg [dreg:$0x7]  }
0x22: {  	[tilespmem:s2], [sflag:$0x9] =	stream.linear.gather [hbm4b:s1+s2], $0x400, $0x38;
	[tilespmem:$0x10800] =	vst v63  }
0x23: {  	_ =	swait.ge [sflag:s19], $0x400  }
0x24: {  	[sflag:s19] =	ssyncset.done $0x0  }
0x25: {  	s1 =	rddreg [dreg:$0x9];
	[sflag:s19] =	ssyncadd.s32 $0xFFFFFC00  }
0x26: {  	[tilespmem:s20], [sflag:$0xA] =	stream.linear.gather [hbm4b:s1+s2], $0x400, $0x38;
	[tilespmem:$0x10800] =	vst v63  }
0x27: {  	_ = 	snop  }
0x28: {  	[tilespmem:s22], [sflag:$0x1] =	stream.indirect.gather [hbm4b:s4+s21], $0x40, s2, s21, $0xb8;
	[tilespmem:$0x10800] =	vst v63  }
0x29: {  	_ = 	snop  }
0x2a: {  	[tilespmem:s23], [sflag:$0x1] =	stream.indirect.gather [hbm4b:s4+s21], $0x40, s21, s21, $0xb8;
	[tilespmem:$0x10800] =	vst v63  }
0x2b: {  	_ = 	snop  }
0x2c: {  	[tilespmem:s25], [sflag:$0x2] =	stream.indirect.gather [hbm4b:s4+s21], $0x40, s6, s21, $0xb8;
	[tilespmem:$0x10800] =	vst v63  }
0x2d: {  	_ = 	snop  }
0x2e: {  	[tilespmem:s28], [sflag:$0x2] =	stream.indirect.gather [hbm4b:s4+s21], $0x40, s18, s21, $0xb8;
	[tilespmem:$0x10800] =	vst v63  }
0x2f: {  	_ = 	snop  }
0x30: {  	[tilespmem:s30], [sflag:$0x3] =	stream.indirect.gather [hbm4b:s4+s21], $0x40, s26, s21, $0xb8;
	[tilespmem:$0x10800] =	vst v63  }
0x31: {  	_ = 	snop  }
0x32: {  	[tilespmem:s0], [sflag:$0x3] =	stream.indirect.gather [hbm4b:s4+s21], $0x40, s29, s21, $0xb8;
	[tilespmem:$0x10800] =	vst v63  }
0x33: {  	_ = 	snop  }
0x34: {  	[tilespmem:s7], [sflag:$0x4] =	stream.indirect.gather [hbm4b:s4+s21], $0x40, s3, s21, $0xb8;
	[tilespmem:$0x10800] =	vst v63  }
0x35: {  	s3 =	simm.s32 $0x380  }
0x36: {  	[tilespmem:s9], [sflag:$0x4] =	stream.indirect.gather [hbm4b:s4+s21], $0x40, s3, s21, $0xb8;
	[tilespmem:$0x10800] =	vst v63  }
0x37: {  	_ =	swait.ge [sflag:s10], $0x2000  }
0x38: {  	[sflag:s10] =	ssyncset.done $0x0  }
0x39: {  	[sflag:s10] =	ssyncadd.s32 $0xFFFFE000  }
0x3a: {  	_ =	swait.ge [sflag:s10], $0x2000  }
0x3b: {  	[sflag:s10] =	ssyncset.done $0x0  }
0x3c: {  	s3 =	rddreg [dreg:$0x8];
	[sflag:s10] =	ssyncadd.s32 $0xFFFFE000  }
0x3d: {  	[hbm4b:s3+s11] =	stream.strided.scatter [tilespmem:s22], [sflag:$0x5], $0x4000, s21, s11, $0x38;
	[tilespmem:$0x10800] =	vst v63  }
0x3e: {  	_ =	swait.ge [sflag:s17], $0x2000  }
0x3f: {  	[sflag:s17] =	ssyncset.done $0x0  }
0x40: {  	[sflag:s17] =	ssyncadd.s32 $0xFFFFE000  }
0x41: {  	_ =	swait.ge [sflag:s17], $0x2000  }
0x42: {  	[sflag:s17] =	ssyncset.done $0x0  }
0x43: {  	s3 =	rddreg [dreg:$0xa];
	[sflag:s17] =	ssyncadd.s32 $0xFFFFE000  }
0x44: {  	[hbm4b:s3+s11] =	stream.strided.scatter [tilespmem:s25], [sflag:$0x6], $0x4000, s21, s11, $0x38;
	[tilespmem:$0x10800] =	vst v63  }
0x45: {  	_ =	swait.ge [sflag:s12], $0x2000  }
0x46: {  	[sflag:s12] =	ssyncset.done $0x0  }
0x47: {  	[sflag:s12] =	ssyncadd.s32 $0xFFFFE000  }
0x48: {  	_ =	swait.ge [sflag:s12], $0x2000  }
0x49: {  	[sflag:s12] =	ssyncset.done $0x0  }
0x4a: {  	s3 =	rddreg [dreg:$0xb];
	[sflag:s12] =	ssyncadd.s32 $0xFFFFE000  }
0x4b: {  	[hbm4b:s3+s11] =	stream.strided.scatter [tilespmem:s30], [sflag:$0x7], $0x4000, s21, s11, $0x38;
	[tilespmem:$0x10800] =	vst v63  }
0x4c: {  	_ =	swait.ge [sflag:s13], $0x2000  }
0x4d: {  	[sflag:s13] =	ssyncset.done $0x0  }
0x4e: {  	[sflag:s13] =	ssyncadd.s32 $0xFFFFE000  }
0x4f: {  	_ =	swait.ge [sflag:s13], $0x2000  }
0x50: {  	[sflag:s13] =	ssyncset.done $0x0  }
0x51: {  	s3 =	rddreg [dreg:$0xc];
	[sflag:s13] =	ssyncadd.s32 $0xFFFFE000  }
0x52: {  	[hbm4b:s3+s11] =	stream.strided.scatter [tilespmem:s7], [sflag:$0x8], $0x4000, s21, s11, $0x38;
	[tilespmem:$0x10800] =	vst v63  }
0x53: {  	_ =	swait.ge [sflag:s14], $0x400  }
0x54: {  	[sflag:s14] =	ssyncset.done $0x0  }
0x55: {  	s3 =	rddreg [dreg:$0xd];
	[sflag:s14] =	ssyncadd.s32 $0xFFFFFC00  }
0x56: {  	[tilespmem:s2], [sflag:$0x9] =	stream.linear.gather [hbm4b:s3+s2], $0x400, $0x38;
	[tilespmem:$0x10800] =	vst v63  }
0x57: {  	_ =	swait.ge [sflag:s15], $0x4000  }
0x58: {  	[sflag:s15] =	ssyncset.done $0x0  }
0x59: {  	[sflag:s15] =	ssyncadd.s32 $0xFFFFC000  }
0x5a: {  	[tilespmem:s22], [sflag:$0x1] =	stream.indirect.gather [hbm4b:s4+s21], $0x40, s20, s21, $0xb8;
	[tilespmem:$0x10800] =	vst v63  }
0x5b: {  	s3 =	simm.s32 $0x480  }
0x5c: {  	[tilespmem:s23], [sflag:$0x1] =	stream.indirect.gather [hbm4b:s4+s21], $0x40, s3, s21, $0xb8;
	[tilespmem:$0x10800] =	vst v63  }
0x5d: {  	_ =	swait.ge [sflag:s5], $0x4000  }
0x5e: {  	[sflag:s5] =	ssyncset.done $0x0  }
0x5f: {  	s3 =	simm.s32 $0x500;
	[sflag:s5] =	ssyncadd.s32 $0xFFFFC000  }
0x60: {  	[tilespmem:s25], [sflag:$0x2] =	stream.indirect.gather [hbm4b:s4+s21], $0x40, s3, s21, $0xb8;
	[tilespmem:$0x10800] =	vst v63  }
0x61: {  	s3 =	simm.s32 $0x580  }
0x62: {  	[tilespmem:s28], [sflag:$0x2] =	stream.indirect.gather [hbm4b:s4+s21], $0x40, s3, s21, $0xb8;
	[tilespmem:$0x10800] =	vst v63  }
0x63: {  	_ =	swait.ge [sflag:s24], $0x4000  }
0x64: {  	[sflag:s24] =	ssyncset.done $0x0  }
0x65: {  	s3 =	simm.s32 $0x600;
	[sflag:s24] =	ssyncadd.s32 $0xFFFFC000  }
0x66: {  	[tilespmem:s30], [sflag:$0x3] =	stream.indirect.gather [hbm4b:s4+s21], $0x40, s3, s21, $0xb8;
	[tilespmem:$0x10800] =	vst v63  }
0x67: {  	s3 =	simm.s32 $0x680  }
0x68: {  	[tilespmem:s0], [sflag:$0x3] =	stream.indirect.gather [hbm4b:s4+s21], $0x40, s3, s21, $0xb8;
	[tilespmem:$0x10800] =	vst v63  }
0x69: {  	_ =	swait.ge [sflag:s31], $0x4000  }
0x6a: {  	[sflag:s31] =	ssyncset.done $0x0  }
0x6b: {  	s3 =	simm.s32 $0x700;
	[sflag:s31] =	ssyncadd.s32 $0xFFFFC000  }
0x6c: {  	[tilespmem:s7], [sflag:$0x4] =	stream.indirect.gather [hbm4b:s4+s21], $0x40, s3, s21, $0xb8;
	[tilespmem:$0x10800] =	vst v63  }
0x6d: {  	s3 =	simm.s32 $0x780  }
0x6e: {  	[tilespmem:s9], [sflag:$0x4] =	stream.indirect.gather [hbm4b:s4+s21], $0x40, s3, s21, $0xb8;
	[tilespmem:$0x10800] =	vst v63  }
0x6f: {  	_ =	swait.ge [sflag:s10], $0x2000  }
0x70: {  	[sflag:s10] =	ssyncset.done $0x0  }
0x71: {  	[sflag:s10] =	ssyncadd.s32 $0xFFFFE000  }
0x72: {  	_ =	swait.ge [sflag:s10], $0x2000  }
0x73: {  	[sflag:s10] =	ssyncset.done $0x0  }
0x74: {  	s3 =	rddreg [dreg:$0xe];
	[sflag:s10] =	ssyncadd.s32 $0xFFFFE000  }
0x75: {  	[hbm4b:s3+s11] =	stream.strided.scatter [tilespmem:s22], [sflag:$0x5], $0x4000, s21, s11, $0x38;
	[tilespmem:$0x10800] =	vst v63  }
0x76: {  	_ =	swait.ge [sflag:s17], $0x2000  }
0x77: {  	[sflag:s17] =	ssyncset.done $0x0  }
0x78: {  	[sflag:s17] =	ssyncadd.s32 $0xFFFFE000  }
0x79: {  	_ =	swait.ge [sflag:s17], $0x2000  }
0x7a: {  	[sflag:s17] =	ssyncset.done $0x0  }
0x7b: {  	s3 =	rddreg [dreg:$0xf];
	[sflag:s17] =	ssyncadd.s32 $0xFFFFE000  }
0x7c: {  	[hbm4b:s3+s11] =	stream.strided.scatter [tilespmem:s25], [sflag:$0x6], $0x4000, s21, s11, $0x38;
	[tilespmem:$0x10800] =	vst v63  }
0x7d: {  	_ =	swait.ge [sflag:s12], $0x2000  }
0x7e: {  	[sflag:s12] =	ssyncset.done $0x0  }
0x7f: {  	[sflag:s12] =	ssyncadd.s32 $0xFFFFE000  }
0x80: {  	_ =	swait.ge [sflag:s12], $0x2000  }
0x81: {  	[sflag:s12] =	ssyncset.done $0x0  }
0x82: {  	s3 =	rddreg [dreg:$0x10];
	[sflag:s12] =	ssyncadd.s32 $0xFFFFE000  }
0x83: {  	[hbm4b:s3+s11] =	stream.strided.scatter [tilespmem:s30], [sflag:$0x7], $0x4000, s21, s11, $0x38;
	[tilespmem:$0x10800] =	vst v63  }
0x84: {  	_ =	swait.ge [sflag:s13], $0x2000  }
0x85: {  	[sflag:s13] =	ssyncset.done $0x0  }
0x86: {  	[sflag:s13] =	ssyncadd.s32 $0xFFFFE000  }
0x87: {  	_ =	swait.ge [sflag:s13], $0x2000  }
0x88: {  	[sflag:s13] =	ssyncset.done $0x0  }
0x89: {  	s3 =	rddreg [dreg:$0x11];
	[sflag:s13] =	ssyncadd.s32 $0xFFFFE000  }
0x8a: {  	[hbm4b:s3+s11] =	stream.strided.scatter [tilespmem:s7], [sflag:$0x8], $0x4000, s21, s11, $0x38;
	[tilespmem:$0x10800] =	vst v63  }
0x8b: {  	_ =	swait.ge [sflag:s19], $0x400  }
0x8c: {  	[sflag:s19] =	ssyncset.done $0x0  }
0x8d: {  	s3 =	rddreg [dreg:$0x13];
	[sflag:s19] =	ssyncadd.s32 $0xFFFFFC00  }
0x8e: {  	[tilespmem:s20], [sflag:$0xA] =	stream.linear.gather [hbm4b:s3+s2], $0x400, $0x38;
	[tilespmem:$0x10800] =	vst v63  }
0x8f: {  	_ =	swait.ge [sflag:s15], $0x4000  }
0x90: {  	[sflag:s15] =	ssyncset.done $0x0  }
0x91: {  	[sflag:s15] =	ssyncadd.s32 $0xFFFFC000  }
0x92: {  	[tilespmem:s22], [sflag:$0x1] =	stream.indirect.gather [hbm4b:s4+s21], $0x40, s2, s21, $0xb8;
	[tilespmem:$0x10800] =	vst v63  }
0x93: {  	_ = 	snop  }
0x94: {  	[tilespmem:s23], [sflag:$0x1] =	stream.indirect.gather [hbm4b:s4+s21], $0x40, s21, s21, $0xb8;
	[tilespmem:$0x10800] =	vst v63  }
0x95: {  	_ =	swait.ge [sflag:s5], $0x4000  }
0x96: {  	[sflag:s5] =	ssyncset.done $0x0  }
0x97: {  	[sflag:s5] =	ssyncadd.s32 $0xFFFFC000  }
0x98: {  	[tilespmem:s25], [sflag:$0x2] =	stream.indirect.gather [hbm4b:s4+s21], $0x40, s6, s21, $0xb8;
	[tilespmem:$0x10800] =	vst v63  }
0x99: {  	_ = 	snop  }
0x9a: {  	[tilespmem:s28], [sflag:$0x2] =	stream.indirect.gather [hbm4b:s4+s21], $0x40, s18, s21, $0xb8;
	[tilespmem:$0x10800] =	vst v63  }
0x9b: {  	_ =	swait.ge [sflag:s24], $0x4000  }
0x9c: {  	[sflag:s24] =	ssyncset.done $0x0  }
0x9d: {  	[sflag:s24] =	ssyncadd.s32 $0xFFFFC000  }
0x9e: {  	[tilespmem:s30], [sflag:$0x3] =	stream.indirect.gather [hbm4b:s4+s21], $0x40, s26, s21, $0xb8;
	[tilespmem:$0x10800] =	vst v63  }
0x9f: {  	_ = 	snop  }
0xa0: {  	[tilespmem:s0], [sflag:$0x3] =	stream.indirect.gather [hbm4b:s4+s21], $0x40, s29, s21, $0xb8;
	[tilespmem:$0x10800] =	vst v63  }
0xa1: {  	_ =	swait.ge [sflag:s31], $0x4000  }
0xa2: {  	[sflag:s31] =	ssyncset.done $0x0  }
0xa3: {  	s1 =	simm.s32 $0x300;
	[sflag:s31] =	ssyncadd.s32 $0xFFFFC000  }
0xa4: {  	[tilespmem:s7], [sflag:$0x4] =	stream.indirect.gather [hbm4b:s4+s21], $0x40, s1, s21, $0xb8;
	[tilespmem:$0x10800] =	vst v63  }
0xa5: {  	s18 =	simm.s32 $0x380  }
0xa6: {  	[tilespmem:s9], [sflag:$0x4] =	stream.indirect.gather [hbm4b:s4+s21], $0x40, s18, s21, $0xb8;
	[tilespmem:$0x10800] =	vst v63  }
0xa7: {  	_ =	swait.ge [sflag:s10], $0x2000  }
0xa8: {  	[sflag:s10] =	ssyncset.done $0x0  }
0xa9: {  	[sflag:s10] =	ssyncadd.s32 $0xFFFFE000  }
0xaa: {  	_ =	swait.ge [sflag:s10], $0x2000  }
0xab: {  	s26 =	rddreg [dreg:$0x4];
	[sflag:s10] =	ssyncset.done $0x0  }
0xac: {  	[sflag:s10] =	ssyncadd.s32 $0xFFFFE000;
	s1 =	sadd.s32 $0x0, s26  }
0xad: {  	[hbm4b:s1+s11] =	stream.strided.scatter [tilespmem:s22], [sflag:$0x5], $0x4000, s21, s11, $0x38;
	[tilespmem:$0x10800] =	vst v63  }
0xae: {  	_ =	swait.ge [sflag:s17], $0x2000  }
0xaf: {  	[sflag:s17] =	ssyncset.done $0x0  }
0xb0: {  	[sflag:s17] =	ssyncadd.s32 $0xFFFFE000  }
0xb1: {  	_ =	swait.ge [sflag:s17], $0x2000  }
0xb2: {  	s1 =	sadd.s32 $0x0, s16;
	[sflag:s17] =	ssyncset.done $0x0  }
0xb3: {  	s29 =	sadd.s32 $0x9000, s1;
	[sflag:s17] =	ssyncadd.s32 $0xFFFFE000  }
0xb4: {  	[hbm4b:s29+s11] =	stream.strided.scatter [tilespmem:s25], [sflag:$0x6], $0x4000, s21, s11, $0x38;
	[tilespmem:$0x10800] =	vst v63  }
0xb5: {  	_ =	swait.ge [sflag:s12], $0x2000  }
0xb6: {  	[sflag:s12] =	ssyncset.done $0x0  }
0xb7: {  	[sflag:s12] =	ssyncadd.s32 $0xFFFFE000  }
0xb8: {  	_ =	swait.ge [sflag:s12], $0x2000  }
0xb9: {  	s18 =	rddreg [dreg:$0x3];
	[sflag:s12] =	ssyncset.done $0x0  }
0xba: {  	[sflag:s12] =	ssyncadd.s32 $0xFFFFE000;
	s6 =	sadd.s32 $0x0, s18  }
0xbb: {  	[hbm4b:s6+s11] =	stream.strided.scatter [tilespmem:s30], [sflag:$0x7], $0x4000, s21, s11, $0x38;
	[tilespmem:$0x10800] =	vst v63  }
0xbc: {  	_ =	swait.ge [sflag:s13], $0x2000  }
0xbd: {  	[sflag:s13] =	ssyncset.done $0x0  }
0xbe: {  	[sflag:s13] =	ssyncadd.s32 $0xFFFFE000  }
0xbf: {  	_ =	swait.ge [sflag:s13], $0x2000  }
0xc0: {  	[sflag:s13] =	ssyncset.done $0x0  }
0xc1: {  	s26 =	sadd.s32 $0xB000, s1;
	[sflag:s13] =	ssyncadd.s32 $0xFFFFE000  }
0xc2: {  	[hbm4b:s26+s11] =	stream.strided.scatter [tilespmem:s7], [sflag:$0x8], $0x4000, s21, s11, $0x38;
	[tilespmem:$0x10800] =	vst v63  }
0xc3: {  	s26 =	smin.u32 s17, $0x61;
	_ =	swait.ge [sflag:s14], $0x400  }
0xc4: {  	s18 =	sshll.u32 s26, $0xA;
	s29 =	rddreg [dreg:$0x2]  }
0xc5: {  	s6 =	sadd.s32 s18, s29  }
0xc6: {  	[sflag:s14] =	ssyncset.done $0x0;
	s6 =	sshrl.u32 s6, $0x3  }
0xc7: {  	[sflag:s14] =	ssyncadd.s32 $0xFFFFFC00;
	s6 =	sadd.s32 s8, s6  }
0xc8: {  	[tilespmem:s2], [sflag:$0x9] =	stream.linear.gather [hbm4b:s6+s2], $0x400, $0x38;
	[tilespmem:$0x10800] =	vst v63  }
0xc9: {  	_ =	swait.ge [sflag:s15], $0x4000  }
0xca: {  	[sflag:s15] =	ssyncset.done $0x0  }
0xcb: {  	[sflag:s15] =	ssyncadd.s32 $0xFFFFC000  }
0xcc: {  	[tilespmem:s22], [sflag:$0x1] =	stream.indirect.gather [hbm4b:s4+s21], $0x40, s20, s21, $0xb8;
	[tilespmem:$0x10800] =	vst v63  }
0xcd: {  	s29 =	simm.s32 $0x480  }
0xce: {  	[tilespmem:s23], [sflag:$0x1] =	stream.indirect.gather [hbm4b:s4+s21], $0x40, s29, s21, $0xb8;
	[tilespmem:$0x10800] =	vst v63  }
0xcf: {  	_ =	swait.ge [sflag:s5], $0x4000  }
0xd0: {  	[sflag:s5] =	ssyncset.done $0x0  }
0xd1: {  	s18 =	simm.s32 $0x500;
	[sflag:s5] =	ssyncadd.s32 $0xFFFFC000  }
0xd2: {  	[tilespmem:s25], [sflag:$0x2] =	stream.indirect.gather [hbm4b:s4+s21], $0x40, s18, s21, $0xb8;
	[tilespmem:$0x10800] =	vst v63  }
0xd3: {  	s26 =	simm.s32 $0x580  }
0xd4: {  	[tilespmem:s28], [sflag:$0x2] =	stream.indirect.gather [hbm4b:s4+s21], $0x40, s26, s21, $0xb8;
	[tilespmem:$0x10800] =	vst v63  }
0xd5: {  	_ =	swait.ge [sflag:s24], $0x4000  }
0xd6: {  	[sflag:s24] =	ssyncset.done $0x0  }
0xd7: {  	s29 =	simm.s32 $0x600;
	[sflag:s24] =	ssyncadd.s32 $0xFFFFC000  }
0xd8: {  	[tilespmem:s30], [sflag:$0x3] =	stream.indirect.gather [hbm4b:s4+s21], $0x40, s29, s21, $0xb8;
	[tilespmem:$0x10800] =	vst v63  }
0xd9: {  	s18 =	simm.s32 $0x680  }
0xda: {  	[tilespmem:s0], [sflag:$0x3] =	stream.indirect.gather [hbm4b:s4+s21], $0x40, s18, s21, $0xb8;
	[tilespmem:$0x10800] =	vst v63  }
0xdb: {  	_ =	swait.ge [sflag:s31], $0x4000  }
0xdc: {  	[sflag:s31] =	ssyncset.done $0x0  }
0xdd: {  	s26 =	simm.s32 $0x700;
	[sflag:s31] =	ssyncadd.s32 $0xFFFFC000  }
0xde: {  	[tilespmem:s7], [sflag:$0x4] =	stream.indirect.gather [hbm4b:s4+s21], $0x40, s26, s21, $0xb8;
	[tilespmem:$0x10800] =	vst v63  }
0xdf: {  	s29 =	simm.s32 $0x780  }
0xe0: {  	[tilespmem:s9], [sflag:$0x4] =	stream.indirect.gather [hbm4b:s4+s21], $0x40, s29, s21, $0xb8;
	[tilespmem:$0x10800] =	vst v63  }
0xe1: {  	_ =	swait.ge [sflag:s10], $0x2000  }
0xe2: {  	[sflag:s10] =	ssyncset.done $0x0  }
0xe3: {  	[sflag:s10] =	ssyncadd.s32 $0xFFFFE000  }
0xe4: {  	_ =	swait.ge [sflag:s10], $0x2000  }
0xe5: {  	s18 =	rddreg [dreg:$0x6];
	[sflag:s10] =	ssyncset.done $0x0  }
0xe6: {  	[sflag:s10] =	ssyncadd.s32 $0xFFFFE000;
	s6 =	sadd.s32 $0x0, s18  }
0xe7: {  	[hbm4b:s6+s11] =	stream.strided.scatter [tilespmem:s22], [sflag:$0x5], $0x4000, s21, s11, $0x38;
	[tilespmem:$0x10800] =	vst v63  }
0xe8: {  	_ =	swait.ge [sflag:s17], $0x2000  }
0xe9: {  	[sflag:s17] =	ssyncset.done $0x0  }
0xea: {  	[sflag:s17] =	ssyncadd.s32 $0xFFFFE000  }
0xeb: {  	_ =	swait.ge [sflag:s17], $0x2000  }
0xec: {  	[sflag:s17] =	ssyncset.done $0x0  }
0xed: {  	s26 =	sadd.s32 $0xD000, s1;
	[sflag:s17] =	ssyncadd.s32 $0xFFFFE000  }
0xee: {  	[hbm4b:s26+s11] =	stream.strided.scatter [tilespmem:s25], [sflag:$0x6], $0x4000, s21, s11, $0x38;
	[tilespmem:$0x10800] =	vst v63  }
0xef: {  	_ =	swait.ge [sflag:s12], $0x2000  }
0xf0: {  	[sflag:s12] =	ssyncset.done $0x0  }
0xf1: {  	[sflag:s12] =	ssyncadd.s32 $0xFFFFE000  }
0xf2: {  	_ =	swait.ge [sflag:s12], $0x2000  }
0xf3: {  	s29 =	rddreg [dreg:$0x5];
	[sflag:s12] =	ssyncset.done $0x0  }
0xf4: {  	[sflag:s12] =	ssyncadd.s32 $0xFFFFE000;
	s6 =	sadd.s32 $0x0, s29  }
0xf5: {  	[hbm4b:s6+s11] =	stream.strided.scatter [tilespmem:s30], [sflag:$0x7], $0x4000, s21, s11, $0x38;
	[tilespmem:$0x10800] =	vst v63  }
0xf6: {  	_ =	swait.ge [sflag:s13], $0x2000  }
0xf7: {  	[sflag:s13] =	ssyncset.done $0x0  }
0xf8: {  	[sflag:s13] =	ssyncadd.s32 $0xFFFFE000  }
0xf9: {  	_ =	swait.ge [sflag:s13], $0x2000  }
0xfa: {  	s1 =	sadd.s32 $0xF000, s1;
	s18 =	sadd.s32 $0x100, s3;
	[sflag:s13] =	ssyncset.done $0x0  }
0xfb: {  	s26 =	simm.s32 $0x4;
	s6 =	simm.s32 $0x8000;
	[sflag:s13] =	ssyncadd.s32 $0xFFFFE000  }
.LBB2_2:
0xfc: {  	[hbm4b:s1+s11] =	stream.strided.scatter [tilespmem:s7], [sflag:$0x8], $0x4000, s21, s11, $0x38;
	[tilespmem:$0x10800] =	vst v63  }
0xfd: {  	_ =	swait.ge [sflag:s19], $0x400  }
0xfe: {  	[sflag:s19] =	ssyncset.done $0x0  }
0xff: {  	[sflag:s19] =	ssyncadd.s32 $0xFFFFFC00  }
0x100: {  	[tilespmem:s20], [sflag:$0xA] =	stream.linear.gather [hbm4b:s18+s2], $0x400, $0x38;
	[tilespmem:$0x10800] =	vst v63  }
0x101: {  	_ =	swait.ge [sflag:s15], $0x4000  }
0x102: {  	[sflag:s15] =	ssyncset.done $0x0  }
0x103: {  	[sflag:s15] =	ssyncadd.s32 $0xFFFFC000  }
0x104: {  	[tilespmem:s22], [sflag:$0x1] =	stream.indirect.gather [hbm4b:s4+s21], $0x40, s2, s21, $0xb8;
	[tilespmem:$0x10800] =	vst v63  }
0x105: {  	_ = 	snop  }
0x106: {  	[tilespmem:s23], [sflag:$0x1] =	stream.indirect.gather [hbm4b:s4+s21], $0x40, s21, s21, $0xb8;
	[tilespmem:$0x10800] =	vst v63  }
0x107: {  	_ =	swait.ge [sflag:s5], $0x4000  }
0x108: {  	[sflag:s5] =	ssyncset.done $0x0  }
0x109: {  	s20 =	simm.s32 $0x100;
	[sflag:s5] =	ssyncadd.s32 $0xFFFFC000  }
0x10a: {  	[tilespmem:s25], [sflag:$0x2] =	stream.indirect.gather [hbm4b:s4+s21], $0x40, s20, s21, $0xb8;
	[tilespmem:$0x10800] =	vst v63  }
0x10b: {  	s3 =	simm.s32 $0x180  }
0x10c: {  	[tilespmem:s28], [sflag:$0x2] =	stream.indirect.gather [hbm4b:s4+s21], $0x40, s3, s21, $0xb8;
	[tilespmem:$0x10800] =	vst v63  }
0x10d: {  	_ =	swait.ge [sflag:s24], $0x4000  }
0x10e: {  	[sflag:s24] =	ssyncset.done $0x0  }
0x10f: {  	s20 =	simm.s32 $0x200;
	[sflag:s24] =	ssyncadd.s32 $0xFFFFC000  }
0x110: {  	[tilespmem:s30], [sflag:$0x3] =	stream.indirect.gather [hbm4b:s4+s21], $0x40, s20, s21, $0xb8;
	[tilespmem:$0x10800] =	vst v63  }
0x111: {  	s3 =	simm.s32 $0x280  }
0x112: {  	[tilespmem:s0], [sflag:$0x3] =	stream.indirect.gather [hbm4b:s4+s21], $0x40, s3, s21, $0xb8;
	[tilespmem:$0x10800] =	vst v63  }
0x113: {  	_ =	swait.ge [sflag:s31], $0x4000  }
0x114: {  	[sflag:s31] =	ssyncset.done $0x0  }
0x115: {  	s20 =	simm.s32 $0x300;
	[sflag:s31] =	ssyncadd.s32 $0xFFFFC000  }
0x116: {  	[tilespmem:s7], [sflag:$0x4] =	stream.indirect.gather [hbm4b:s4+s21], $0x40, s20, s21, $0xb8;
	[tilespmem:$0x10800] =	vst v63  }
0x117: {  	s3 =	simm.s32 $0x380  }
0x118: {  	[tilespmem:s9], [sflag:$0x4] =	stream.indirect.gather [hbm4b:s4+s21], $0x40, s3, s21, $0xb8;
	[tilespmem:$0x10800] =	vst v63  }
0x119: {  	_ =	swait.ge [sflag:s10], $0x2000  }
0x11a: {  	[sflag:s10] =	ssyncset.done $0x0  }
0x11b: {  	[sflag:s10] =	ssyncadd.s32 $0xFFFFE000  }
0x11c: {  	_ =	swait.ge [sflag:s10], $0x2000  }
0x11d: {  	s29 =	smov.u32 s6;
	s20 =	rddreg [dreg:$0x4];
	[sflag:s10] =	ssyncset.done $0x0  }
0x11e: {  	[sflag:s10] =	ssyncadd.s32 $0xFFFFE000;
	s1 =	sadd.s32 s29, s20  }
0x11f: {  	[hbm4b:s1+s11] =	stream.strided.scatter [tilespmem:s22], [sflag:$0x5], $0x4000, s21, s11, $0x38;
	[tilespmem:$0x10800] =	vst v63  }
0x120: {  	_ =	swait.ge [sflag:s17], $0x2000  }
0x121: {  	[sflag:s17] =	ssyncset.done $0x0  }
0x122: {  	[sflag:s17] =	ssyncadd.s32 $0xFFFFE000  }
0x123: {  	_ =	swait.ge [sflag:s17], $0x2000  }
0x124: {  	s1 =	sadd.s32 s29, s16;
	[sflag:s17] =	ssyncset.done $0x0  }
0x125: {  	s3 =	sadd.s32 $0x9000, s1;
	[sflag:s17] =	ssyncadd.s32 $0xFFFFE000  }
0x126: {  	[hbm4b:s3+s11] =	stream.strided.scatter [tilespmem:s25], [sflag:$0x6], $0x4000, s21, s11, $0x38;
	[tilespmem:$0x10800] =	vst v63  }
0x127: {  	_ =	swait.ge [sflag:s12], $0x2000  }
0x128: {  	[sflag:s12] =	ssyncset.done $0x0  }
0x129: {  	[sflag:s12] =	ssyncadd.s32 $0xFFFFE000  }
0x12a: {  	_ =	swait.ge [sflag:s12], $0x2000  }
0x12b: {  	s20 =	smov.u32 s16;
	s3 =	rddreg [dreg:$0x3];
	[sflag:s12] =	ssyncset.done $0x0  }
0x12c: {  	s16 =	smov.u32 s8;
	[sflag:s12] =	ssyncadd.s32 $0xFFFFE000;
	s8 =	sadd.s32 s29, s3  }
0x12d: {  	[hbm4b:s8+s11] =	stream.strided.scatter [tilespmem:s30], [sflag:$0x7], $0x4000, s21, s11, $0x38;
	[tilespmem:$0x10800] =	vst v63  }
0x12e: {  	_ =	swait.ge [sflag:s13], $0x2000  }
0x12f: {  	[sflag:s13] =	ssyncset.done $0x0  }
0x130: {  	[sflag:s13] =	ssyncadd.s32 $0xFFFFE000  }
0x131: {  	_ =	swait.ge [sflag:s13], $0x2000  }
0x132: {  	[sflag:s13] =	ssyncset.done $0x0  }
0x133: {  	s3 =	sadd.s32 $0xB000, s1;
	[sflag:s13] =	ssyncadd.s32 $0xFFFFE000  }
0x134: {  	[hbm4b:s3+s11] =	stream.strided.scatter [tilespmem:s7], [sflag:$0x8], $0x4000, s21, s11, $0x38;
	[tilespmem:$0x10800] =	vst v63  }
0x135: {  	s3 =	smin.u32 s26, $0x61;
	_ =	swait.ge [sflag:s14], $0x400  }
0x136: {  	s3 =	sshll.u32 s3, $0xA;
	s8 =	rddreg [dreg:$0x2]  }
0x137: {  	s3 =	sadd.s32 s3, s8  }
0x138: {  	[sflag:s14] =	ssyncset.done $0x0;
	s8 =	smov.u32 s16;
	s3 =	sshrl.u32 s3, $0x3  }
0x139: {  	[sflag:s14] =	ssyncadd.s32 $0xFFFFFC00;
	s3 =	sadd.s32 s8, s3  }
0x13a: {  	[tilespmem:s2], [sflag:$0x9] =	stream.linear.gather [hbm4b:s3+s2], $0x400, $0x38;
	[tilespmem:$0x10800] =	vst v63  }
0x13b: {  	_ =	swait.ge [sflag:s15], $0x4000  }
0x13c: {  	[sflag:s15] =	ssyncset.done $0x0  }
0x13d: {  	s16 =	smov.u32 s20;
	s20 =	simm.s32 $0x400;
	[sflag:s15] =	ssyncadd.s32 $0xFFFFC000  }
0x13e: {  	[tilespmem:s22], [sflag:$0x1] =	stream.indirect.gather [hbm4b:s4+s21], $0x40, s20, s21, $0xb8;
	[tilespmem:$0x10800] =	vst v63  }
0x13f: {  	s3 =	simm.s32 $0x480  }
0x140: {  	[tilespmem:s23], [sflag:$0x1] =	stream.indirect.gather [hbm4b:s4+s21], $0x40, s3, s21, $0xb8;
	[tilespmem:$0x10800] =	vst v63  }
0x141: {  	_ =	swait.ge [sflag:s5], $0x4000  }
0x142: {  	[sflag:s5] =	ssyncset.done $0x0  }
0x143: {  	s3 =	simm.s32 $0x500;
	[sflag:s5] =	ssyncadd.s32 $0xFFFFC000  }
0x144: {  	[tilespmem:s25], [sflag:$0x2] =	stream.indirect.gather [hbm4b:s4+s21], $0x40, s3, s21, $0xb8;
	[tilespmem:$0x10800] =	vst v63  }
0x145: {  	s3 =	simm.s32 $0x580  }
0x146: {  	[tilespmem:s28], [sflag:$0x2] =	stream.indirect.gather [hbm4b:s4+s21], $0x40, s3, s21, $0xb8;
	[tilespmem:$0x10800] =	vst v63  }
0x147: {  	_ =	swait.ge [sflag:s24], $0x4000  }
0x148: {  	[sflag:s24] =	ssyncset.done $0x0  }
0x149: {  	s3 =	simm.s32 $0x600;
	[sflag:s24] =	ssyncadd.s32 $0xFFFFC000  }
0x14a: {  	[tilespmem:s30], [sflag:$0x3] =	stream.indirect.gather [hbm4b:s4+s21], $0x40, s3, s21, $0xb8;
	[tilespmem:$0x10800] =	vst v63  }
0x14b: {  	s3 =	simm.s32 $0x680  }
0x14c: {  	[tilespmem:s0], [sflag:$0x3] =	stream.indirect.gather [hbm4b:s4+s21], $0x40, s3, s21, $0xb8;
	[tilespmem:$0x10800] =	vst v63  }
0x14d: {  	_ =	swait.ge [sflag:s31], $0x4000  }
0x14e: {  	[sflag:s31] =	ssyncset.done $0x0  }
0x14f: {  	s3 =	simm.s32 $0x700;
	[sflag:s31] =	ssyncadd.s32 $0xFFFFC000  }
0x150: {  	[tilespmem:s7], [sflag:$0x4] =	stream.indirect.gather [hbm4b:s4+s21], $0x40, s3, s21, $0xb8;
	[tilespmem:$0x10800] =	vst v63  }
0x151: {  	s3 =	simm.s32 $0x780  }
0x152: {  	[tilespmem:s9], [sflag:$0x4] =	stream.indirect.gather [hbm4b:s4+s21], $0x40, s3, s21, $0xb8;
	[tilespmem:$0x10800] =	vst v63  }
0x153: {  	_ =	swait.ge [sflag:s10], $0x2000  }
0x154: {  	[sflag:s10] =	ssyncset.done $0x0  }
0x155: {  	[sflag:s10] =	ssyncadd.s32 $0xFFFFE000  }
0x156: {  	_ =	swait.ge [sflag:s10], $0x2000  }
0x157: {  	s3 =	rddreg [dreg:$0x6];
	[sflag:s10] =	ssyncset.done $0x0  }
0x158: {  	[sflag:s10] =	ssyncadd.s32 $0xFFFFE000;
	s3 =	sadd.s32 s29, s3  }
0x159: {  	[hbm4b:s3+s11] =	stream.strided.scatter [tilespmem:s22], [sflag:$0x5], $0x4000, s21, s11, $0x38;
	[tilespmem:$0x10800] =	vst v63  }
0x15a: {  	_ =	swait.ge [sflag:s17], $0x2000  }
0x15b: {  	[sflag:s17] =	ssyncset.done $0x0  }
0x15c: {  	[sflag:s17] =	ssyncadd.s32 $0xFFFFE000  }
0x15d: {  	_ =	swait.ge [sflag:s17], $0x2000  }
0x15e: {  	[sflag:s17] =	ssyncset.done $0x0  }
0x15f: {  	s3 =	sadd.s32 $0xD000, s1;
	[sflag:s17] =	ssyncadd.s32 $0xFFFFE000  }
0x160: {  	[hbm4b:s3+s11] =	stream.strided.scatter [tilespmem:s25], [sflag:$0x6], $0x4000, s21, s11, $0x38;
	[tilespmem:$0x10800] =	vst v63  }
0x161: {  	_ =	swait.ge [sflag:s12], $0x2000  }
0x162: {  	[sflag:s12] =	ssyncset.done $0x0  }
0x163: {  	[sflag:s12] =	ssyncadd.s32 $0xFFFFE000  }
0x164: {  	_ =	swait.ge [sflag:s12], $0x2000  }
0x165: {  	s3 =	rddreg [dreg:$0x5];
	[sflag:s12] =	ssyncset.done $0x0  }
0x166: {  	[sflag:s12] =	ssyncadd.s32 $0xFFFFE000;
	s3 =	sadd.s32 s29, s3  }
0x167: {  	[hbm4b:s3+s11] =	stream.strided.scatter [tilespmem:s30], [sflag:$0x7], $0x4000, s21, s11, $0x38;
	[tilespmem:$0x10800] =	vst v63  }
0x168: {  	p0 =	sne.s32 s6, $0x180000;
	_ =	swait.ge [sflag:s13], $0x2000  }
.Ltmp0:
0x169: {  	[sflag:s13] =	ssyncset.done $0x0;
	(pc) =	sbr.rel @p0 .LBB2_2-.Ltmp0, $4  }
0x16a: {  	[sflag:s13] =	ssyncadd.s32 $0xFFFFE000  }
0x16b: {  	_ =	swait.ge [sflag:s13], $0x2000  }
0x16c: {  	s6 =	sadd.s32 $0x8000, s6;
	s18 =	sadd.s32 $0x100, s18;
	[sflag:s13] =	ssyncset.done $0x0  }
0x16d: {  	s26 =	sadd.s32 $0x2, s26;
	s1 =	sadd.s32 $0xF000, s1;
	[sflag:s13] =	ssyncadd.s32 $0xFFFFE000  }
0x16e: {  	[hbm4b:s1+s11] =	stream.strided.scatter [tilespmem:s7], [sflag:$0x8], $0x4000, s21, s11, $0x38;
	[tilespmem:$0x10800] =	vst v63  }
0x16f: {  	_ =	swait.ge [sflag:s19], $0x400  }
0x170: {  	[sflag:s19] =	ssyncset.done $0x0  }
0x171: {  	[sflag:s19] =	ssyncadd.s32 $0xFFFFFC00  }
0x172: {  	_ =	swait.ge [sflag:s15], $0x4000  }
0x173: {  	[sflag:s15] =	ssyncset.done $0x0  }
0x174: {  	[sflag:s15] =	ssyncadd.s32 $0xFFFFC000  }
0x175: {  	_ =	swait.ge [sflag:s5], $0x4000  }
0x176: {  	[sflag:s5] =	ssyncset.done $0x0  }
0x177: {  	[sflag:s5] =	ssyncadd.s32 $0xFFFFC000  }
0x178: {  	_ =	swait.ge [sflag:s24], $0x4000  }
0x179: {  	[sflag:s24] =	ssyncset.done $0x0  }
0x17a: {  	[sflag:s24] =	ssyncadd.s32 $0xFFFFC000  }
0x17b: {  	_ =	swait.ge [sflag:s31], $0x4000  }
0x17c: {  	s3 =	rddreg [dreg:$0x14]  }
0x17d: {  	s26 =	rddreg [dreg:$0x12];
	s3 =	sadd.s32 $0x1, s3  }
0x17e: {  	p0 =	sne.s32 s3, s26  }
.Ltmp1:
0x17f: {  	_ = 	snop;
	(pc) =	sbr.rel @p0 .LBB2_1-.Ltmp1, $4  }
0x180: {  	_ = 	snop  }
0x181: {  	s6 =	simm.s32 $0x100;
	[sflag:s31] =	ssyncset.done $0x0  }
0x182: {  	s18 =	simm.s32 $0x180;
	s29 =	simm.s32 $0x280;
	[sflag:s31] =	ssyncadd.s32 $0xFFFFC000  }
0x183: {  	[dreg:$0x14] =	wrdreg s3;
	s26 =	simm.s32 $0x200;
	s3 =	simm.s32 $0x300  }
0x184: {  	_ =	sfence.sel $0x180000  }
0x185: {  	[bflag:$0x0] =	sbarrier.arrive $0xFFFF  }
0x186: {  	_ =	strace $0x90000047  }
0x187: {  	s0 =	stileid.u32;
	[bflag:$0x2] =	sbarrier.arrive $0xFFFF  }
0x188: {  	p0 =	sne.s32 s0, $0x0;
	s0 =	rddreg [dreg:$0x1]  }
0x189: {  	s0 =	sadd.s32 @!p0 $0x100000, s0  }
0x18a: {  	[sflag:s0] =	ssyncadd.tile.s32 @!p0 $0x1;
	_ =	shalt  }
.Lfunc_end2:
_tile_overlayer_lowered:
.L_overlay_start_2:
0x18b: {  	(tag) =	ssettag $0x2  }
0x18c: {  	s0 =	rddreg [dreg:$0x0];
	s2 =	stileid.u32  }
0x18d: {  	s1 =	rddreg [dreg:$0x1];
	p0 =	sne.s32 s2, $0x0  }
0x18e: {  	s3 =	rddreg [dreg:$0x2];
	[bflag:$0x3] =	sbarrier.arrive $0xFFFF;
	s2 =	simm.s32 @!p0 $0x1C0B  }
0x18f: {  	[timem:s3], [sflag:s2] =	dma.local @!p0 [hbm:s0], s1  }
0x190: {  	s0 =	simm.s32 @!p0 $0xB  }
0x191: {  	_ =	swait.ge @!p0 [sflag:s0], s1  }
0x192: {  	s1 =	ssub.s32 @!p0 $0x0, s1;
	[sflag:s0] =	ssyncset.done @!p0 $0x0  }
0x193: {  	[sflag:s0] =	ssyncadd.s32 @!p0 s1  }
0x194: {  	[bflag:$0x3] =	sbarrier.arrive $0xFFFF  }
0x195: {  	_ =	shalt  }

// kernel: sparse-core-data-format-call.cloned.1.call-start
scs
called_computation_lowered:
.L_overlay_start_0:
0x0: {  	s2 =	sld [smem:$0x3FD9]  }
0x1: {  	s3 =	sld [smem:$0x3FFE];
	_ =	sdelay $0x1  }
0x2: {  	s1 =	srdreg.scid  }
0x3: {  	s0 =	sand.u32 $0x1, s1  }
0x4: {  	s18 =	sshll.u32 s0, $0xA;
	s2 =	sadd.s32 s3, s2  }
0x5: {  	s2 =	sadd.s32 s2, s18  }
0x6: {  	[smem:$0x3FC6] =	sst s2  }
0x7: {  	_ = 	snop  }
0x8: {  	s2 =	sld [smem:$0x3FD0];
	(tm) =	ssettm $0x1  }
0x9: {  	s19 =	sld [smem:$0x3FFB];
	_ =	sdelay $0x3  }
0xa: {  	_ =	strace s19  }
0xb: {  	s3 =	sld [smem:$0x3FFC];
	_ =	sdelay $0x3  }
0xc: {  	_ =	strace s3  }
0xd: {  	s3 =	sld [smem:$0x3FFD];
	_ =	sdelay $0x3  }
0xe: {  	_ =	strace s3  }
0xf: {  	_ =	strace $0x8FFFFFFF  }
0x10: {  	s20 =	sld [smem:$0x3FDB];
	_ =	sdelay $0x1  }
0x11: {  	s4 =	simm.s32 $_scs_section_size  }
0x12: {  	s5 =	simm.s32 $_size__tile_overlayer_lowered;
	s6 =	simm.s32 $_tile_overlayer_lowered  }
0x13: {  	s23 =	simm.s32 $0x1BFF;
	s22 =	sshll.u32 s6, $0x1;
	s3 =	sadd.s32 s4, s20  }
0x14: {  	s7 =	simm.s32 $0x0;
	s21 =	sshll.u32 s5, $0x1;
	s5 =	sadd.s32 s22, s3  }
0x15: {  	[timem:s7], [sflag:s23] =	dma.local [hbm:s5], s21  }
0x16: {  	_ =	swait.ge [sflag:s23], s21  }
0x17: {  	s4 =	ssub.s32 $0x0, s21;
	[sflag:s23] =	ssyncset.done $0x0  }
0x18: {  	[sflag:s23] =	ssyncadd.s32 s4;
	_ =	sdelay $0x1  }
0x19: {  	s24 =	simm.s32 $0x1B8B  }
0x1a: {  	_ =	swait.ge [sflag:s24], $0x1  }
0x1b: {  	[sflag:s24] =	ssyncset.done $0x0  }
0x1c: {  	s26 =	simm.s32 $0x1B8E;
	s25 =	sld [smem:$0x3FFE];
	[sflag:s24] =	ssyncadd.s32 $0xFFFFFFFF  }
0x1d: {  	s27 =	simm.s32 $execute0_lowered;
	[smem:$0x3FD2] =	sst s26  }
0x1e: {  	s5 =	sshll.u32 s27, $0x1;
	_ =	strace $0x80000049;
	[dreg:$0x1] =	wrdreg $0xFFFFFFFF  }
0x1f: {  	s28 =	simm.s32 $_size_execute0_lowered;
	s3 =	sadd.s32 s3, s5;
	[dreg:$0x0] =	wrdreg $0x0  }
0x20: {  	s5 =	sshll.u32 s28, $0x1;
	[dreg:$0x2] =	wrdreg s3  }
0x21: {  	[dreg:$0x3] =	wrdreg s5  }
0x22: {  	[dreg:$0x4] =	wrdreg $0xC0  }
0x23: {  	_ =	task [dreg:s7], $0x5FFFF  }
0x24: {  	[dreg:$0x1] =	wrdreg $0xFFFFFFFF  }
0x25: {  	[dreg:$0x0] =	wrdreg $0x60  }
0x26: {  	[dreg:$0x2] =	wrdreg s25  }
0x27: {  	[dreg:$0x3] =	wrdreg s2  }
0x28: {  	[dreg:$0x4] =	wrdreg $0x9  }
0x29: {  	_ =	task.clear_ibuf [dreg:s7], $0x5FFFF;
	_ =	strace $0x90000049  }
0x2a: {  	s29 =	simm.s32 $0x9;
	_ =	strace $0x8000004B  }
0x2b: {  	_ =	swait.ge [sflag:s29], $0x1  }
0x2c: {  	[sflag:s29] =	ssyncadd.s32 $0xFFFFFFFF  }
0x2d: {  	_ =	strace $0x9000004B  }
0x2e: {  	_ =	sfence  }
0x2f: {  	s30 =	sld [smem:$0x0];
	_ =	sdelay $0x2  }
0x30: {  	s31 =	sshll.u32 s1, $0xD;
	s1 =	sshrl.u32 s1, $0x2  }
0x31: {  	s3 =	sand.u32 $0x4000, s31;
	s1 =	sadd.s32 s1, s30  }
0x32: {  	s0 =	sor.u32 s3, s0;
	s1 =	sshll.u32 s1, $0x11  }
0x33: {  	s0 =	sor.u32 s1, s0  }
0x34: {  	s0 =	sadd.s32 $0x8F2B, s0  }
0x35: {  	[sflag:s0] =	ssyncadd.remote.s32 $0x1  }
0x36: {  	_ =	sfence.sel $0xFFFF  }
0x37: {  	[dreg:$0x0] =	wrdreg $0xFFFFFFFF;
	(pc) =	sbr.abs _section_cstart, $3  }
0x38: {  	[dreg:$0x1] =	wrdreg $0xFFFFFFFF  }
0x39: {  	_ =	task.clear_ibuf [dreg:s7], $0x2FFFF;
	_ =	strace $0x9FFFFFFF  }
0x3a: {  	(tm) =	ssettm $0x7FFFFFFF  }
0x3b: {  	_ =	shalt  }
tec
execute0_lowered:
.L_overlay_start_1:
0x0: {  	(tag) =	ssettag $0x1  }
0x1: {  	s0 =	srdreg.scid  }
0x2: {  	s1 =	sshll.u32 s0, $0x4  }
0x3: {  	s0 =	stileid.u32;
	s1 =	sand.u32 $0x10, s1  }
0x4: {  	s1 =	sor.u32 s0, s1  }
0x5: {  	s6 =	rddreg [dreg:$0x0];
	s4 =	simm.s32 $0x1;
	s2 =	sshll.u32 s1, $0x7  }
0x6: {  	s7 =	simm.s32 $0x2;
	s12 =	simm.s32 $0x0;
	s1 =	ssub.s32 $0x4000, s2  }
0x7: {  	s8 =	simm.s32 $0x20000;
	s13 =	simm.s32 $0x0;
	s3 =	sand.u32 $0xF80, s1  }
0x8: {  	s9 =	simm.s32 $0x0;
	s5 =	sshrl.u32 s1, $0xC;
	p0 =	sne.s32 s3, $0x0  }
.Ltmp0:
0x9: {  	s1 =	rddreg [dreg:$0x2];
	s4 =	simm.s32 @!p0 $0x0;
	(pc) =	sbr.rel .LBB1_1-.Ltmp0, $4  }
0xa: {  	s11 =	simm.s32 $0x0;
	s3 =	rddreg [dreg:$0x1];
	s5 =	sadd.s32 s4, s5  }
0xb: {  	_ =	strace $0x8000004A;
	s4 =	simm.s32 $0x1;
	s5 =	smul.u32 $0xC8, s5  }
0xc: {  	s6 =	sadd.s32 $0x805A00, s6;
	s10 =	smov.u32 s2;
	[sflag:s4] =	ssyncpa.u1 $0x0  }
0xd: {  	p0 =	por $0x0, $0x0;
	[sflag:s7] =	ssyncpa.u1 $0x0;
	s7 =	sor.u32 $0x1, s5  }
.LBB1_4:
0xe: {  	s16 =	sshll.u32 s13, $0x3;
	s17 =	sand.u32 $0x78, s13  }
0xf: {  	s30 =	sand.u32 $0x1F800, s13;
	s12 =	sshll.u32 s12, $0x11;
	s16 =	sand.u32 $0x3C00, s16  }
0x10: {  	[tilespmem:s15+$0x810 ss:$0x81] =	vst.msk $0xffff, v2;
	s31 =	sand.u32 $0x7, s13;
	s16 =	sor.u32 s17, s16;
	s17 =	sadd.s32 s3, s30  }
0x11: {  	[tilespmem:s15+$0x1020 ss:$0x81] =	vst.msk $0xffff, v0;
	s13 =	sshll.u32 s31, $0x12;
	s12 =	sadd.s32 s12, s17;
	s16 =	sshrl.u32 s16, $0x3  }
0x12: {  	[tilespmem:s15+$0x0 ss:$0x81] =	vst.msk $0xffff, v1;
	s13 =	sor.u32 $0x400, s13;
	s12 =	sadd.s32 s16, s12  }
0x13: {  	[hbm4b:s12+s13] =	stream.strided.scatter [tilespmem:s14], [sflag:$0x2], $0x2000, s8, s13, $0x20;
	[tilespmem:$0x8080] =	vst v63  }
.LBB1_5:
0x14: {  	s14 =	sadd.s32 $0x1, s9  }
0x15: {  	s12 =	sadd.s32 $0x1000, s10;
	s16 =	smov.u32 s10;
	p2 =	sgt.s32 s14, $0xC7  }
0x16: {  	s16 =	smov.u32 @p2 s12  }
0x17: {  	s14 =	simm.s32 @p2 $0x0;
	p2 =	sgt.s32 s16, $0x3FFF  }
0x18: {  	s16 =	smov.u32 @p2 s2;
	p2 =	sne.s32 s11, s7  }
.Ltmp1:
0x19: {  	p1 =	slt.u32 s11, $0x2;
	(pc) =	sbr.rel @!p2 .LBB1_6-.Ltmp1, $4  }
0x1a: {  	s15 =	simm.s32 @!p1 $0x2  }
0x1b: {  	s13 =	smov.u32 s10;
	p0 =	por !p0, !p0;
	_ =	swait.ge @!p1 [sflag:s15], $0x2000  }
0x1c: {  	s12 =	smov.u32 s9;
	[sflag:s15] =	ssyncset.done @!p1 $0x0;
	s9 =	smov.u32 s14  }
0x1d: {  	s11 =	sadd.s32 $0x1, s11;
	[sflag:s15] =	ssyncadd.s32 @!p1 $0xFFFFE000;
	s10 =	smov.u32 s16  }
.LBB1_1:
0x1e: {  	p1 =	sge.u32 s11, s5  }
0x1f: {  	s14 =	sand.u32 @!p1 $0x1FFFFFF, s9  }
0x20: {  	s15 =	smulhi.u32 @!p1 $0x147AE15, s14;
	_ =	sdelay $0x1  }
0x21: {  	s15 =	smul.u32 @!p1 $0xC8, s15  }
0x22: {  	s16 =	sxor.u32 @!p1 $0xFFFFFFFF, s11;
	s17 =	smul.u32 @!p1 $0xC80, s10  }
0x23: {  	s31 =	sadd.s32 $0xFFFFFFFF, s11;
	s16 =	sshll.u32 @!p1 s16, $0xD;
	s14 =	ssub.s32 @!p1 s14, s15  }
0x24: {  	s15 =	sand.u32 @!p1 $0x2000, s16;
	s16 =	sadd.s32 @!p1 s6, s17;
	s14 =	sshll.u32 @!p1 s14, $0x4  }
0x25: {  	s17 =	simm.s32 @!p1 $0x6400;
	s14 =	sadd.s32 @!p1 s14, s16;
	s16 =	simm.s32 @!p1 $0x40  }
0x26: {  	[tilespmem:s15], [sflag:$0x1] =	stream.strided.gather @!p1 [hbm4b:s14+s16], $0x2000, s17, s16, $0x38;
	[tilespmem:$0x8080] =	vst v63  }
0x27: {  	p1 =	sge.u32 s31, s5  }
.Ltmp2:
0x28: {  	_ = 	snop;
	(pc) =	sbr.rel @p1 .LBB1_5-.Ltmp2, $1  }
0x29: {  	_ =	sdelay $0x3  }
0x2a: {  	s14 =	simm.s32 $0x1  }
0x2b: {  	_ =	swait.ge [sflag:s4], $0x2000;
	s14 =	simm.s32 @!p0 $0x0  }
0x2c: {  	[sflag:s4] =	ssyncset.done $0x0;
	s15 =	sshll.u32 s14, $0xD  }
0x2d: {  	[sflag:s4] =	ssyncadd.s32 $0xFFFFE000;
	s18 =	sor.u32 $0x20, s15  }
0x2e: {  	s14 =	smul.u32 $0x8100, s14;
	v3 =	vld [tilespmem:s18+$0x10]  }
0x2f: {  	s30 =	sand.u32 $0x1, s11;
	v2 =	vld [tilespmem:s18+$0xFFFFFFF0]  }
0x30: {  	s15 =	smul.u32 $0x8100, s30;
	s14 =	sshrl.u32 s14, $0x2;
	v0 =	vld [tilespmem:s18+$0x0]  }
0x31: {  	v1 =	vld [tilespmem:s18+$0xFFFFFFE0];
	s16 =	sor.u32 $0x4000, s14  }
0x32: {  	s31 =	sshrl.u32 s15, $0x2;
	s15 =	sadd.s32 $0x0, s16  }
0x33: {  	s17 =	simm.s32 $0x4;
	s18 =	sadd.s32 $0x40, s18;
	s14 =	sor.u32 $0x4000, s31;
	[tilespmem:s15+$0x1830 ss:$0x81] =	vst.msk $0xffff, v3  }
.LBB1_3:
0x34: {  	v3 =	vld [tilespmem:s18+$0x10];
	p1 =	sne.s32 s17, $0x1FC;
	[tilespmem:s15+$0x810 ss:$0x81] =	vst.msk $0xffff, v2;
	s19 =	smov.u32 s17;
	s17 =	sadd.s32 $0x4, s17  }
.Ltmp3:
0x35: {  	v2 =	vld [tilespmem:s18+$0xFFFFFFF0];
	[tilespmem:s15+$0x1020 ss:$0x81] =	vst.msk $0xffff, v0;
	(pc) =	sbr.rel @p1 .LBB1_3-.Ltmp3, $4  }
0x36: {  	v0 =	vld [tilespmem:s18+$0x0];
	[tilespmem:s15+$0x0 ss:$0x81] =	vst.msk $0xffff, v1  }
0x37: {  	s15 =	sshra.s32 s19, $0x2;
	v1 =	vld [tilespmem:s18+$0xFFFFFFE0]  }
0x38: {  	s15 =	sadd.s32 s15, s16  }
0x39: {  	s18 =	sadd.s32 $0x40, s18;
	[tilespmem:s15+$0x1830 ss:$0x81] =	vst.msk $0xffff, v3  }
.Ltmp4:
0x3a: {  	_ = 	snop;
	(pc) =	sbr.rel .LBB1_4-.Ltmp4, $1  }
0x3b: {  	_ =	sdelay $0x3  }
.LBB1_6:
0x3c: {  	_ =	sfence.sel $0x180000  }
0x3d: {  	s2 =	simm.s32 $0x1;
	[bflag:$0x0] =	sbarrier.arrive $0xFFFF  }
0x3e: {  	s31 =	simm.s32 $0x2;
	[sflag:s2] =	ssyncpa.u1 $0x1  }
0x3f: {  	[sflag:s31] =	ssyncpa.u1 $0x1  }
0x40: {  	p0 =	sne.s32 s0, $0x0;
	_ =	strace $0x9000004A  }
0x41: {  	s0 =	sadd.s32 @!p0 $0x100000, s1;
	[bflag:$0x2] =	sbarrier.arrive $0xFFFF  }
0x42: {  	[sflag:s0] =	ssyncadd.tile.s32 @!p0 $0x1;
	_ =	shalt  }
.Lfunc_end1:
_tile_overlayer_lowered:
.L_overlay_start_2:
0x43: {  	(tag) =	ssettag $0x2  }
0x44: {  	s0 =	rddreg [dreg:$0x0];
	s2 =	stileid.u32  }
0x45: {  	s1 =	rddreg [dreg:$0x1];
	p0 =	sne.s32 s2, $0x0  }
0x46: {  	s3 =	rddreg [dreg:$0x2];
	[bflag:$0x3] =	sbarrier.arrive $0xFFFF;
	s2 =	simm.s32 @!p0 $0x1C01  }
0x47: {  	[timem:s3], [sflag:s2] =	dma.local @!p0 [hbm:s0], s1  }
0x48: {  	s0 =	simm.s32 @!p0 $0x1  }
0x49: {  	_ =	swait.ge @!p0 [sflag:s0], s1  }
0x4a: {  	s1 =	ssub.s32 @!p0 $0x0, s1;
	[sflag:s0] =	ssyncset.done @!p0 $0x0  }
0x4b: {  	[sflag:s0] =	ssyncadd.s32 @!p0 s1  }
0x4c: {  	[bflag:$0x3] =	sbarrier.arrive $0xFFFF  }
0x4d: {  	_ =	shalt  }

</sc_bundles>
